<compile_context>
chip_gen: v7x
topology: tpu7x:2x2x1
jax: 0.10.2.dev20260603
libtpu: 0.0.44.dev20260713+nightly
codegen_flags: <defaults>
</compile_context>

<pallas_src>
import functools

import jax
import jax.numpy as jnp
from jax import lax
from jax.experimental import pallas as pl
from jax.experimental.pallas import tpu as pltpu
from jax.experimental.pallas import tpu_sc as plsc

N = 10000
E = 320000
D = 128

NC, NS = 2, 16
NW = NC * NS
CHUNK = 128
EPT = E // NW
NCHUNK = EPT // CHUNK
TAIL = EPT - NCHUNK * CHUNK
ACC_ROWS = 10112
ZPT = ACC_ROWS // NS

_mesh = plsc.VectorSubcoreMesh(core_axis_name="c", subcore_axis_name="s")


@functools.partial(
    pl.kernel,
    out_type=jax.ShapeDtypeStruct((NC * ACC_ROWS,), jnp.float32),
    mesh=_mesh,
    scratch_types=[
        [pltpu.VMEM((CHUNK,), jnp.int32)] * 4,
        pltpu.VMEM((TAIL,), jnp.int32),
        pltpu.VMEM((CHUNK,), jnp.float32),
        pltpu.VMEM((ZPT + 8,), jnp.float32),
        pltpu.VMEM_SHARED((ACC_ROWS,), jnp.float32),
        [pltpu.SemaphoreType.DMA] * 4,
        [pltpu.SemaphoreType.DMA] * 4,
        pltpu.SemaphoreType.DMA,
    ],
)
def _deg_kernel(dst_hbm, deg_out, didx, tidx, ones_v, stage_v, degs,
                isems, ssems, tsem):
    cid = lax.axis_index("c")
    sid = lax.axis_index("s")
    w = sid * NC + cid
    base = w * EPT
    row0 = sid * ZPT

    def start_fetch(c, p):
        pltpu.async_copy(dst_hbm.at[pl.ds(base + c * CHUNK, CHUNK)],
                         didx[p], isems[p])

    def wait_fetch(p):
        pltpu.make_async_copy(dst_hbm.at[pl.ds(0, CHUNK)], didx[p],
                              isems[p]).wait()

    def start_scatter(p):
        pltpu.async_copy(ones_v, degs.at[didx[p]], ssems[p], add=True)

    def wait_scatter(p):
        pltpu.make_async_copy(ones_v, degs.at[didx[0]], ssems[p]).wait()

    pltpu.async_copy(dst_hbm.at[pl.ds(base + NCHUNK * CHUNK, TAIL)],
                     tidx, tsem)
    for s in range(4):
        start_fetch(s, s)
    zeros16 = jnp.zeros((16,), jnp.float32)
    ones16 = jnp.ones((16,), jnp.float32)
    for j in range(CHUNK // 16):
        ones_v[pl.ds(j * 16, 16)] = ones16

    def zbody(j, carry):
        stage_v[pl.ds(j * 16, 16)] = zeros16
        return carry

    lax.fori_loop(0, (ZPT + 8) // 16, zbody, 0)
    pltpu.sync_copy(stage_v.at[pl.ds(0, ZPT)], degs.at[pl.ds(row0, ZPT)])
    plsc.subcore_barrier()
    for c in range(2):
        wait_fetch(c)
        start_scatter(c)
    for c in range(2, 6):
        wait_fetch(c % 4)
        start_scatter(c % 4)
        wait_scatter((c + 2) % 4)
        start_fetch(c + 2, (c + 2) % 4)

    def group(g, carry):
        c0 = g * 4 + 6
        for k in range(4):
            p = (2 + k) % 4
            wait_fetch(p)
            start_scatter(p)
            wait_scatter(k % 4)
            start_fetch(c0 + k + 2, k % 4)
        return carry

    lax.fori_loop(0, (NCHUNK - 10) // 4, group, 0)
    for c in range(NCHUNK - 4, NCHUNK):
        p = c % 4
        wait_fetch(p)
        start_scatter(p)
        wait_scatter((c + 2) % 4)
        if c + 2 < NCHUNK:
            start_fetch(c + 2, (c + 2) % 4)
    wait_scatter((NCHUNK - 2) % 4)
    wait_scatter((NCHUNK - 1) % 4)
    pltpu.make_async_copy(dst_hbm.at[pl.ds(0, TAIL)], tidx, tsem).wait()
    pltpu.sync_copy(ones_v.at[pl.ds(0, TAIL)], degs.at[tidx], add=True)
    plsc.subcore_barrier()
    pltpu.sync_copy(degs.at[pl.ds(row0, ZPT)], stage_v.at[pl.ds(0, ZPT)])
    pltpu.sync_copy(stage_v.at[pl.ds(0, ZPT)],
                    deg_out.at[pl.ds(cid * ACC_ROWS + row0, ZPT)])


@functools.partial(
    pl.kernel,
    out_type=jax.ShapeDtypeStruct((NC, ACC_ROWS, D), jnp.float32),
    mesh=_mesh,
    scratch_types=[
        [pltpu.VMEM((CHUNK,), jnp.int32)] * 4,
        [pltpu.VMEM((CHUNK,), jnp.int32)] * 4,
        pltpu.VMEM((TAIL,), jnp.int32),
        pltpu.VMEM((TAIL,), jnp.int32),
        [pltpu.VMEM((CHUNK, D), jnp.float32)] * 2,
        pltpu.VMEM((TAIL, D), jnp.float32),
        pltpu.VMEM_SHARED((ACC_ROWS, D), jnp.float32),
        [pltpu.SemaphoreType.DMA] * 2,
        [pltpu.SemaphoreType.DMA] * 2,
        [pltpu.SemaphoreType.DMA] * 4,
        pltpu.SemaphoreType.DMA,
    ],
)
def _edge_kernel(y_hbm, src_hbm, dst_hbm, out_hbm,
                 sidx, didx, tsidx, tdidx, bufs, tbuf, acc,
                 gsems, ssems, isems, tsem):
    cid = lax.axis_index("c")
    sid = lax.axis_index("s")
    w = sid * NC + cid
    base = w * EPT
    row0 = sid * ZPT
    buf0 = bufs[0]

    def start_fetch(c, p):
        pltpu.async_copy(src_hbm.at[pl.ds(base + c * CHUNK, CHUNK)],
                         sidx[p], isems[p])
        pltpu.async_copy(dst_hbm.at[pl.ds(base + c * CHUNK, CHUNK)],
                         didx[p], isems[p])

    def wait_fetch(p):
        pltpu.make_async_copy(src_hbm.at[pl.ds(0, CHUNK)], sidx[p],
                              isems[p]).wait()
        pltpu.make_async_copy(dst_hbm.at[pl.ds(0, CHUNK)], didx[p],
                              isems[p]).wait()

    def start_gather(b, p):
        pltpu.async_copy(y_hbm.at[sidx[p]], bufs[b], gsems[b])

    def wait_gather(b):
        pltpu.make_async_copy(y_hbm.at[sidx[0]], bufs[b], gsems[b]).wait()

    def start_scatter(b, p):
        pltpu.async_copy(bufs[b], acc.at[didx[p]], ssems[b], add=True)

    def wait_scatter(b):
        pltpu.make_async_copy(bufs[0], acc.at[didx[0]], ssems[b]).wait()

    def body(c, k, fetch=True):
        b = k % 2
        p = k % 4
        wait_gather(b)
        start_scatter(b, p)
        wait_scatter(1 - b)
        if fetch:
            start_fetch(c + 3, (k + 3) % 4)
        wait_fetch((k + 1) % 4)
        start_gather(1 - b, (k + 1) % 4)

    pltpu.async_copy(src_hbm.at[pl.ds(base + NCHUNK * CHUNK, TAIL)],
                     tsidx, tsem)
    pltpu.async_copy(dst_hbm.at[pl.ds(base + NCHUNK * CHUNK, TAIL)],
                     tdidx, tsem)
    for s in range(4):
        start_fetch(s, s)
    wait_fetch(0)
    start_gather(0, 0)
    zeros16 = jnp.zeros((16,), jnp.float32)
    buf1 = bufs[1]

    def zbody(r, carry):
        for j in range(D // 16):
            buf1[r, pl.ds(j * 16, 16)] = zeros16
        return carry

    lax.fori_loop(0, CHUNK, zbody, 0)
    _rem = ZPT % CHUNK
    for k in range(ZPT // CHUNK):
        pltpu.sync_copy(buf1, acc.at[pl.ds(row0 + k * CHUNK, CHUNK)])
    if _rem:
        pltpu.sync_copy(buf1.at[pl.ds(0, _rem)],
                        acc.at[pl.ds(row0 + (ZPT // CHUNK) * CHUNK, _rem)])
    plsc.subcore_barrier()
    wait_gather(0)
    start_scatter(0, 0)
    wait_fetch(1)
    start_gather(1, 1)
    wait_gather(1)
    start_scatter(1, 1)
    wait_scatter(0)
    start_fetch(4, 0)
    wait_fetch(2)
    start_gather(0, 2)

    def group(g, carry):
        c0 = g * 4 + 2
        for k in range(4):
            body(c0 + k, 2 + k)
        return carry

    lax.fori_loop(0, (NCHUNK - 10) // 4, group, 0)
    for kk in range(7):
        c = NCHUNK - 8 + kk
        body(c, c, fetch=(c + 3 < NCHUNK))
    wait_gather((NCHUNK - 1) % 2)
    start_scatter((NCHUNK - 1) % 2, (NCHUNK - 1) % 4)
    wait_scatter((NCHUNK - 2) % 2)
    wait_scatter((NCHUNK - 1) % 2)
    pltpu.make_async_copy(src_hbm.at[pl.ds(0, TAIL)], tsidx, tsem).wait()
    pltpu.make_async_copy(dst_hbm.at[pl.ds(0, TAIL)], tdidx, tsem).wait()
    pltpu.async_copy(y_hbm.at[tsidx], tbuf, gsems[0])
    pltpu.make_async_copy(y_hbm.at[tsidx], tbuf, gsems[0]).wait()
    pltpu.sync_copy(tbuf, acc.at[tdidx], add=True)
    plsc.subcore_barrier()
    for k in range(ZPT // CHUNK):
        pltpu.sync_copy(acc.at[pl.ds(row0 + k * CHUNK, CHUNK)], buf0)
        pltpu.sync_copy(buf0, out_hbm.at[cid, pl.ds(row0 + k * CHUNK, CHUNK)])
    if _rem:
        _off = row0 + (ZPT // CHUNK) * CHUNK
        pltpu.sync_copy(acc.at[pl.ds(_off, _rem)], buf0.at[pl.ds(0, _rem)])
        pltpu.sync_copy(buf0.at[pl.ds(0, _rem)],
                        out_hbm.at[cid, pl.ds(_off, _rem)])


_BLK = 1000


def _mm_body(x_ref, w_ref, ds_ref, y_ref, dinv_ref):
    dinv = lax.rsqrt(ds_ref[...] + 1.0)
    xw = jnp.dot(x_ref[...], w_ref[...], preferred_element_type=jnp.float32)
    y_ref[...] = xw * dinv
    dinv_ref[...] = dinv


def _fin_body(a0_ref, a1_ref, y_ref, dinv_ref, b_ref, g_ref, be_ref, o_ref):
    s = a0_ref[0] + a1_ref[0] + y_ref[...]
    pre = s * dinv_ref[...] + b_ref[...]
    mu = jnp.mean(pre, axis=-1, keepdims=True)
    ctr = pre - mu
    var = jnp.mean(ctr * ctr, axis=-1, keepdims=True)
    h = ctr * lax.rsqrt(var + 1e-5) * g_ref[...] + be_ref[...]
    o_ref[...] = jnp.maximum(h, 0.0)


def kernel(x, edge_index, W, b, ln_gamma, ln_beta):
    ei = edge_index.astype(jnp.int32)
    src1 = ei[0]
    dst1 = ei[1]

    deg_parts = _deg_kernel(dst1)
    degsum = (deg_parts[:N] + deg_parts[ACC_ROWS:ACC_ROWS + N]).reshape(N, 1)

    y, dinv = pl.pallas_call(
        _mm_body,
        grid=(N // _BLK,),
        in_specs=[
            pl.BlockSpec((_BLK, D), lambda i: (i, 0)),
            pl.BlockSpec((D, D), lambda i: (0, 0)),
            pl.BlockSpec((_BLK, 1), lambda i: (i, 0)),
        ],
        out_specs=[
            pl.BlockSpec((_BLK, D), lambda i: (i, 0)),
            pl.BlockSpec((_BLK, 1), lambda i: (i, 0)),
        ],
        out_shape=[
            jax.ShapeDtypeStruct((N, D), jnp.float32),
            jax.ShapeDtypeStruct((N, 1), jnp.float32),
        ],
    )(x, W, degsum)

    acc_parts = _edge_kernel(y, src1, dst1)

    out = pl.pallas_call(
        _fin_body,
        grid=(N // _BLK,),
        in_specs=[
            pl.BlockSpec((1, _BLK, D), lambda i: (0, i, 0)),
            pl.BlockSpec((1, _BLK, D), lambda i: (1, i, 0)),
            pl.BlockSpec((_BLK, D), lambda i: (i, 0)),
            pl.BlockSpec((_BLK, 1), lambda i: (i, 0)),
            pl.BlockSpec((1, D), lambda i: (0, 0)),
            pl.BlockSpec((1, D), lambda i: (0, 0)),
            pl.BlockSpec((1, D), lambda i: (0, 0)),
        ],
        out_specs=pl.BlockSpec((_BLK, D), lambda i: (i, 0)),
        out_shape=jax.ShapeDtypeStruct((N, D), jnp.float32),
    )(acc_parts, acc_parts, y, dinv,
      b.reshape(1, D), ln_gamma.reshape(1, D), ln_beta.reshape(1, D))
    return out

# --- scband reference (transcript-rebuilt; emitter-appended) ---
"""Pipeline reference for scband-block-4956392259615 (READ-ONLY COPY).

The authoritative reference and input builder live on the scoring server;
editing this copy changes nothing except your own understanding.
"""

import jax, jax.numpy as jnp
import numpy as np

N_NODES = 10000
N_EDGES = 320000
WIDTH = 128

def setup_inputs(seed: int = 0) -> dict:
    key = jax.random.key(seed)
    k1, k2, k3, k4 = jax.random.split(key, 4)
    x = jax.random.normal(k1, (N_NODES, WIDTH), dtype=jnp.float32)
    edge_index = jax.random.randint(k2, (2, N_EDGES), 0, N_NODES, dtype=jnp.int64)
    # GCNConv linear weight (glorot) and bias
    W = jax.random.normal(k3, (WIDTH, WIDTH), dtype=jnp.float32) * (1.0 / np.sqrt(WIDTH))
    b = jnp.zeros((WIDTH,), dtype=jnp.float32)
    # LayerNorm params
    ln_gamma = jnp.ones((WIDTH,), dtype=jnp.float32)
    ln_beta = jnp.zeros((WIDTH,), dtype=jnp.float32)
    return {"x": x, "edge_index": edge_index, "W": W, "b": b, "ln_gamma": ln_gamma, "ln_beta": ln_beta}

def _gcn_block(x, edge_index, W, b, ln_gamma, ln_beta):
    N = x.shape[0]
    # add self loops (PyG GCNConv default add_self_loops=True)
    loop = jnp.arange(N, dtype=edge_index.dtype)
    src = jnp.concatenate([edge_index[0], loop])
    dst = jnp.concatenate([edge_index[1], loop])
    # linear transform first (PyG applies lin before propagate)
    xw = x @ W
    # symmetric normalization: deg computed over dst with unit edge weights
    deg = jnp.zeros((N,), dtype=x.dtype).at[dst].add(1.0)
    deg_inv_sqrt = jnp.where(deg > 0, 1.0 / jnp.sqrt(deg), 0.0)
    norm = deg_inv_sqrt[src] * deg_inv_sqrt[dst]
    # gather messages and scatter-add to destination nodes
    msg = xw[src] * norm[:, None]
    out = jax.ops.segment_sum(msg, dst, num_segments=N) + b
    # LayerNorm
    mu = jnp.mean(out, axis=-1, keepdims=True)
    var = jnp.mean((out - mu) ** 2, axis=-1, keepdims=True)
    h = (out - mu) / jnp.sqrt(var + 1e-5) * ln_gamma + ln_beta
    # ReLU; dropout is identity in eval mode
    return jax.nn.relu(h)

def reference(x, edge_index, W, b, ln_gamma, ln_beta):
    return _gcn_block(x, edge_index, W, b, ln_gamma, ln_beta)

if __name__ == "__main__":
    import jax
    _d = setup_inputs()
    print(jax.jit(kernel)(*tuple(_d.values())))

</pallas_src>

<mosaic_0001>
#map = affine_map<(d0, d1) -> (0)>
module attributes {stable_mosaic.version = 14 : i64} {
  func.func @_deg_kernel(%arg0: i32, %arg1: i32, %arg2: memref<320000xi32, #tpu.memory_space<hbm>>, %arg3: memref<20224xf32, #tpu.memory_space<hbm>>, %arg4: memref<128xi32, #tpu.memory_space<vmem>>, %arg5: memref<128xi32, #tpu.memory_space<vmem>>, %arg6: memref<128xi32, #tpu.memory_space<vmem>>, %arg7: memref<128xi32, #tpu.memory_space<vmem>>, %arg8: memref<16xi32, #tpu.memory_space<vmem>>, %arg9: memref<128xf32, #tpu.memory_space<vmem>>, %arg10: memref<640xf32, #tpu.memory_space<vmem>>, %arg11: memref<10112xf32, #tpu.memory_space<vmem_shared>>, %arg12: memref<!tpu.dma_semaphore, #tpu.memory_space<semaphore_mem>>, %arg13: memref<!tpu.dma_semaphore, #tpu.memory_space<semaphore_mem>>, %arg14: memref<!tpu.dma_semaphore, #tpu.memory_space<semaphore_mem>>, %arg15: memref<!tpu.dma_semaphore, #tpu.memory_space<semaphore_mem>>, %arg16: memref<!tpu.dma_semaphore, #tpu.memory_space<semaphore_mem>>, %arg17: memref<!tpu.dma_semaphore, #tpu.memory_space<semaphore_mem>>, %arg18: memref<!tpu.dma_semaphore, #tpu.memory_space<semaphore_mem>>, %arg19: memref<!tpu.dma_semaphore, #tpu.memory_space<semaphore_mem>>, %arg20: memref<!tpu.dma_semaphore, #tpu.memory_space<semaphore_mem>>) attributes {dimension_semantics = [#tpu.dimension_semantics<core_parallel>, #tpu.dimension_semantics<subcore_parallel>], iteration_bounds = array<i64: 2, 16>, scalar_prefetch = 0 : i64, scratch_operands = 17 : i64, tpu.core_type = #tpu.core_type<sc_vector_subcore>, window_params = [{transform_indices = #map}, {transform_indices = #map}]} {
    %mul3A = arith.constant 2 : i32
    %mul3A_0 = arith.muli %arg1, %mul3A : i32
    %add3A = arith.addi %mul3A_0, %arg0 : i32
    %mul3A_1 = arith.constant 10000 : i32
    %mul3A_2 = arith.muli %add3A, %mul3A_1 : i32
    %mul3A_3 = arith.constant 632 : i32
    %mul3A_4 = arith.muli %arg1, %mul3A_3 : i32
    %add3A_5 = arith.constant 9984 : i32
    %add3A_6 = arith.addi %mul3A_2, %add3A_5 : i32
    %dma_start3A = tpu.memref_slice %arg2[%add3A_6] : memref<320000xi32, #tpu.memory_space<hbm>> -> memref<16xi32, #tpu.memory_space<hbm>>
    %dma_start3A_7 = tpu.memref_slice %arg2[%add3A_6] : memref<320000xi32, #tpu.memory_space<hbm>> -> memref<16xi32, #tpu.memory_space<hbm>>
    tpu.enqueue_dma source(%dma_start3A_7 : memref<16xi32, #tpu.memory_space<hbm>>) target(%arg8 : memref<16xi32, #tpu.memory_space<vmem>>) target_semaphore(%arg20 : memref<!tpu.dma_semaphore, #tpu.memory_space<semaphore_mem>>)
    %add3A_8 = arith.constant 0 : i32
    %add3A_9 = arith.addi %mul3A_2, %add3A_8 : i32
    %dma_start3A_10 = tpu.memref_slice %arg2[%add3A_9] : memref<320000xi32, #tpu.memory_space<hbm>> -> memref<128xi32, #tpu.memory_space<hbm>>
    %dma_start3A_11 = tpu.memref_slice %arg2[%add3A_9] : memref<320000xi32, #tpu.memory_space<hbm>> -> memref<128xi32, #tpu.memory_space<hbm>>
    tpu.enqueue_dma source(%dma_start3A_11 : memref<128xi32, #tpu.memory_space<hbm>>) target(%arg4 : memref<128xi32, #tpu.memory_space<vmem>>) target_semaphore(%arg12 : memref<!tpu.dma_semaphore, #tpu.memory_space<semaphore_mem>>)
    %add3A_12 = arith.constant 128 : i32
    %add3A_13 = arith.addi %mul3A_2, %add3A_12 : i32
    %dma_start3A_14 = tpu.memref_slice %arg2[%add3A_13] : memref<320000xi32, #tpu.memory_space<hbm>> -> memref<128xi32, #tpu.memory_space<hbm>>
    %dma_start3A_15 = tpu.memref_slice %arg2[%add3A_13] : memref<320000xi32, #tpu.memory_space<hbm>> -> memref<128xi32, #tpu.memory_space<hbm>>
    tpu.enqueue_dma source(%dma_start3A_15 : memref<128xi32, #tpu.memory_space<hbm>>) target(%arg5 : memref<128xi32, #tpu.memory_space<vmem>>) target_semaphore(%arg13 : memref<!tpu.dma_semaphore, #tpu.memory_space<semaphore_mem>>)
    %add3A_16 = arith.constant 256 : i32
    %add3A_17 = arith.addi %mul3A_2, %add3A_16 : i32
    %dma_start3A_18 = tpu.memref_slice %arg2[%add3A_17] : memref<320000xi32, #tpu.memory_space<hbm>> -> memref<128xi32, #tpu.memory_space<hbm>>
    %dma_start3A_19 = tpu.memref_slice %arg2[%add3A_17] : memref<320000xi32, #tpu.memory_space<hbm>> -> memref<128xi32, #tpu.memory_space<hbm>>
    tpu.enqueue_dma source(%dma_start3A_19 : memref<128xi32, #tpu.memory_space<hbm>>) target(%arg6 : memref<128xi32, #tpu.memory_space<vmem>>) target_semaphore(%arg14 : memref<!tpu.dma_semaphore, #tpu.memory_space<semaphore_mem>>)
    %add3A_20 = arith.constant 384 : i32
    %add3A_21 = arith.addi %mul3A_2, %add3A_20 : i32
    %dma_start3A_22 = tpu.memref_slice %arg2[%add3A_21] : memref<320000xi32, #tpu.memory_space<hbm>> -> memref<128xi32, #tpu.memory_space<hbm>>
    %dma_start3A_23 = tpu.memref_slice %arg2[%add3A_21] : memref<320000xi32, #tpu.memory_space<hbm>> -> memref<128xi32, #tpu.memory_space<hbm>>
    tpu.enqueue_dma source(%dma_start3A_23 : memref<128xi32, #tpu.memory_space<hbm>>) target(%arg7 : memref<128xi32, #tpu.memory_space<vmem>>) target_semaphore(%arg15 : memref<!tpu.dma_semaphore, #tpu.memory_space<semaphore_mem>>)
    %broadcast_in_dim3A = arith.constant 0.000000e+00 : f32
    %broadcast_in_dim3A_24 = vector.broadcast %broadcast_in_dim3A : f32 to vector<16xf32>
    %broadcast_in_dim3A_25 = arith.constant 1.000000e+00 : f32
    %broadcast_in_dim3A_26 = vector.broadcast %broadcast_in_dim3A_25 : f32 to vector<16xf32>
    %swap3A = arith.constant 0 : index
    %swap3A_27 = tpu.vector_load %arg9[%swap3A] {strides = array<i32>} : memref<128xf32, #tpu.memory_space<vmem>>, vector<16xf32>,
    %swap3A_28 = vector.shape_cast %swap3A_27 : vector<16xf32> to vector<16xf32>
    %swap3A_29 = vector.shape_cast %broadcast_in_dim3A_26 : vector<16xf32> to vector<16xf32>
    tpu.vector_store %arg9[%swap3A], %swap3A_29 {strides = array<i32>} : memref<128xf32, #tpu.memory_space<vmem>>, vector<16xf32>,
    %swap3A_30 = arith.constant 16 : index
    %swap3A_31 = tpu.vector_load %arg9[%swap3A_30] {strides = array<i32>} : memref<128xf32, #tpu.memory_space<vmem>>, vector<16xf32>,
    %swap3A_32 = vector.shape_cast %swap3A_31 : vector<16xf32> to vector<16xf32>
    %swap3A_33 = vector.shape_cast %broadcast_in_dim3A_26 : vector<16xf32> to vector<16xf32>
    tpu.vector_store %arg9[%swap3A_30], %swap3A_33 {strides = array<i32>} : memref<128xf32, #tpu.memory_space<vmem>>, vector<16xf32>,
    %swap3A_34 = arith.constant 32 : index
    %swap3A_35 = tpu.vector_load %arg9[%swap3A_34] {strides = array<i32>} : memref<128xf32, #tpu.memory_space<vmem>>, vector<16xf32>,
    %swap3A_36 = vector.shape_cast %swap3A_35 : vector<16xf32> to vector<16xf32>
    %swap3A_37 = vector.shape_cast %broadcast_in_dim3A_26 : vector<16xf32> to vector<16xf32>
    tpu.vector_store %arg9[%swap3A_34], %swap3A_37 {strides = array<i32>} : memref<128xf32, #tpu.memory_space<vmem>>, vector<16xf32>,
    %swap3A_38 = arith.constant 48 : index
    %swap3A_39 = tpu.vector_load %arg9[%swap3A_38] {strides = array<i32>} : memref<128xf32, #tpu.memory_space<vmem>>, vector<16xf32>,
    %swap3A_40 = vector.shape_cast %swap3A_39 : vector<16xf32> to vector<16xf32>
    %swap3A_41 = vector.shape_cast %broadcast_in_dim3A_26 : vector<16xf32> to vector<16xf32>
    tpu.vector_store %arg9[%swap3A_38], %swap3A_41 {strides = array<i32>} : memref<128xf32, #tpu.memory_space<vmem>>, vector<16xf32>,
    %swap3A_42 = arith.constant 64 : index
    %swap3A_43 = tpu.vector_load %arg9[%swap3A_42] {strides = array<i32>} : memref<128xf32, #tpu.memory_space<vmem>>, vector<16xf32>,
    %swap3A_44 = vector.shape_cast %swap3A_43 : vector<16xf32> to vector<16xf32>
    %swap3A_45 = vector.shape_cast %broadcast_in_dim3A_26 : vector<16xf32> to vector<16xf32>
    tpu.vector_store %arg9[%swap3A_42], %swap3A_45 {strides = array<i32>} : memref<128xf32, #tpu.memory_space<vmem>>, vector<16xf32>,
    %swap3A_46 = arith.constant 80 : index
    %swap3A_47 = tpu.vector_load %arg9[%swap3A_46] {strides = array<i32>} : memref<128xf32, #tpu.memory_space<vmem>>, vector<16xf32>,
    %swap3A_48 = vector.shape_cast %swap3A_47 : vector<16xf32> to vector<16xf32>
    %swap3A_49 = vector.shape_cast %broadcast_in_dim3A_26 : vector<16xf32> to vector<16xf32>
    tpu.vector_store %arg9[%swap3A_46], %swap3A_49 {strides = array<i32>} : memref<128xf32, #tpu.memory_space<vmem>>, vector<16xf32>,
    %swap3A_50 = arith.constant 96 : index
    %swap3A_51 = tpu.vector_load %arg9[%swap3A_50] {strides = array<i32>} : memref<128xf32, #tpu.memory_space<vmem>>, vector<16xf32>,
    %swap3A_52 = vector.shape_cast %swap3A_51 : vector<16xf32> to vector<16xf32>
    %swap3A_53 = vector.shape_cast %broadcast_in_dim3A_26 : vector<16xf32> to vector<16xf32>
    tpu.vector_store %arg9[%swap3A_50], %swap3A_53 {strides = array<i32>} : memref<128xf32, #tpu.memory_space<vmem>>, vector<16xf32>,
    %swap3A_54 = arith.constant 112 : index
    %swap3A_55 = tpu.vector_load %arg9[%swap3A_54] {strides = array<i32>} : memref<128xf32, #tpu.memory_space<vmem>>, vector<16xf32>,
    %swap3A_56 = vector.shape_cast %swap3A_55 : vector<16xf32> to vector<16xf32>
    %swap3A_57 = vector.shape_cast %broadcast_in_dim3A_26 : vector<16xf32> to vector<16xf32>
    tpu.vector_store %arg9[%swap3A_54], %swap3A_57 {strides = array<i32>} : memref<128xf32, #tpu.memory_space<vmem>>, vector<16xf32>,
    %scan3A = arith.constant 0 : i32
    %scan3A_58 = arith.constant 0 : i32
    %scan3A_59 = arith.constant 40 : i32
    %scan3A_60 = arith.addi %scan3A_58, %scan3A_59 : i32
    %scan3A_61 = arith.constant 1 : i32
    scf.for %scan3A_180 = %scan3A_58 to %scan3A_60 step %scan3A_61  : i32 {
      %mul3A_181 = arith.constant 16 : i32
      %mul3A_182 = arith.muli %scan3A_180, %mul3A_181 : i32
      %swap3A_183 = arith.index_cast %mul3A_182 : i32 to index
      %swap3A_184 = tpu.vector_load %arg10[%swap3A_183] {strides = array<i32>} : memref<640xf32, #tpu.memory_space<vmem>>, vector<16xf32>,
      %swap3A_185 = vector.shape_cast %swap3A_184 : vector<16xf32> to vector<16xf32>
      %swap3A_186 = vector.shape_cast %broadcast_in_dim3A_24 : vector<16xf32> to vector<16xf32>
      tpu.vector_store %arg10[%swap3A_183], %swap3A_186 {strides = array<i32>} : memref<640xf32, #tpu.memory_space<vmem>>, vector<16xf32>,
    }
    %scan3A_62 = arith.constant 40 : i32
    "tpu.region"() ({
      %run_scoped3A = tpu.sem_alloc : memref<!tpu.dma_semaphore, #tpu.memory_space<semaphore_mem>>
      %dma_start3A_180 = arith.constant 0 : i32
      %dma_start3A_181 = tpu.memref_slice %arg10[%dma_start3A_180] : memref<640xf32, #tpu.memory_space<vmem>> -> memref<632xf32, #tpu.memory_space<vmem>>
      %dma_start3A_182 = tpu.memref_slice %arg11[%mul3A_4] : memref<10112xf32, #tpu.memory_space<vmem_shared>> -> memref<632xf32, #tpu.memory_space<vmem_shared>>
      %dma_start3A_183 = tpu.memref_slice %arg11[%mul3A_4] : memref<10112xf32, #tpu.memory_space<vmem_shared>> -> memref<632xf32, #tpu.memory_space<vmem_shared>>
      %dma_start3A_184 = arith.constant 0 : i32
      %dma_start3A_185 = tpu.memref_slice %arg10[%dma_start3A_184] : memref<640xf32, #tpu.memory_space<vmem>> -> memref<632xf32, #tpu.memory_space<vmem>>
      tpu.enqueue_dma source(%dma_start3A_185 : memref<632xf32, #tpu.memory_space<vmem>>) target(%dma_start3A_183 : memref<632xf32, #tpu.memory_space<vmem_shared>>) target_semaphore(%run_scoped3A : memref<!tpu.dma_semaphore, #tpu.memory_space<semaphore_mem>>)
      %dma_wait3A_186 = arith.constant 0 : i32
      %dma_wait3A_187 = tpu.memref_slice %arg10[%dma_wait3A_186] : memref<640xf32, #tpu.memory_space<vmem>> -> memref<632xf32, #tpu.memory_space<vmem>>
      %dma_wait3A_188 = tpu.memref_slice %arg11[%mul3A_4] : memref<10112xf32, #tpu.memory_space<vmem_shared>> -> memref<632xf32, #tpu.memory_space<vmem_shared>>
      %dma_wait3A_189 = tpu.memref_slice %arg11[%mul3A_4] : memref<10112xf32, #tpu.memory_space<vmem_shared>> -> memref<632xf32, #tpu.memory_space<vmem_shared>>
      %dma_wait3A_190 = arith.constant 0 : i32
      %dma_wait3A_191 = tpu.memref_slice %arg10[%dma_wait3A_190] : memref<640xf32, #tpu.memory_space<vmem>> -> memref<632xf32, #tpu.memory_space<vmem>>
      tpu.wait_dma2 semaphore(%run_scoped3A : memref<!tpu.dma_semaphore, #tpu.memory_space<semaphore_mem>>) src(%dma_wait3A_191 : memref<632xf32, #tpu.memory_space<vmem>>) dst(%dma_wait3A_189 : memref<632xf32, #tpu.memory_space<vmem_shared>>)
      tpu.yield
    }) : () -> ()
    %barrier3A = arith.constant 0 : index
    tpu.barrier barrier_id(%barrier3A)
    %dma_wait3A = arith.constant 0 : i32
    %dma_wait3A_63 = tpu.memref_slice %arg2[%dma_wait3A] : memref<320000xi32, #tpu.memory_space<hbm>> -> memref<128xi32, #tpu.memory_space<hbm>>
    %dma_wait3A_64 = arith.constant 0 : i32
    %dma_wait3A_65 = tpu.memref_slice %arg2[%dma_wait3A_64] : memref<320000xi32, #tpu.memory_space<hbm>> -> memref<128xi32, #tpu.memory_space<hbm>>
    tpu.wait_dma2 semaphore(%arg12 : memref<!tpu.dma_semaphore, #tpu.memory_space<semaphore_mem>>) src(%dma_wait3A_65 : memref<128xi32, #tpu.memory_space<hbm>>) dst(%arg4 : memref<128xi32, #tpu.memory_space<vmem>>)
    %dma_start3A_66 = arith.constant 0 : i32
    %dma_start3A_67 = tpu.memref_slice %arg11[%dma_start3A_66] : memref<10112xf32, #tpu.memory_space<vmem_shared>> -> memref<10112xf32, #tpu.memory_space<vmem_shared>>
    tpu.enqueue_indirect_dma source(%arg9 : memref<128xf32, #tpu.memory_space<vmem>>) target(%dma_start3A_67 : memref<10112xf32, #tpu.memory_space<vmem_shared>>) offsets(%arg4 : memref<128xi32, #tpu.memory_space<vmem>>) semaphore(%arg16 : memref<!tpu.dma_semaphore, #tpu.memory_space<semaphore_mem>>) {add = true}
    %dma_wait3A_68 = arith.constant 0 : i32
    %dma_wait3A_69 = tpu.memref_slice %arg2[%dma_wait3A_68] : memref<320000xi32, #tpu.memory_space<hbm>> -> memref<128xi32, #tpu.memory_space<hbm>>
    %dma_wait3A_70 = arith.constant 0 : i32
    %dma_wait3A_71 = tpu.memref_slice %arg2[%dma_wait3A_70] : memref<320000xi32, #tpu.memory_space<hbm>> -> memref<128xi32, #tpu.memory_space<hbm>>
    tpu.wait_dma2 semaphore(%arg13 : memref<!tpu.dma_semaphore, #tpu.memory_space<semaphore_mem>>) src(%dma_wait3A_71 : memref<128xi32, #tpu.memory_space<hbm>>) dst(%arg5 : memref<128xi32, #tpu.memory_space<vmem>>)
    %dma_start3A_72 = arith.constant 0 : i32
    %dma_start3A_73 = tpu.memref_slice %arg11[%dma_start3A_72] : memref<10112xf32, #tpu.memory_space<vmem_shared>> -> memref<10112xf32, #tpu.memory_space<vmem_shared>>
    tpu.enqueue_indirect_dma source(%arg9 : memref<128xf32, #tpu.memory_space<vmem>>) target(%dma_start3A_73 : memref<10112xf32, #tpu.memory_space<vmem_shared>>) offsets(%arg5 : memref<128xi32, #tpu.memory_space<vmem>>) semaphore(%arg17 : memref<!tpu.dma_semaphore, #tpu.memory_space<semaphore_mem>>) {add = true}
    %dma_wait3A_74 = arith.constant 0 : i32
    %dma_wait3A_75 = tpu.memref_slice %arg2[%dma_wait3A_74] : memref<320000xi32, #tpu.memory_space<hbm>> -> memref<128xi32, #tpu.memory_space<hbm>>
    %dma_wait3A_76 = arith.constant 0 : i32
    %dma_wait3A_77 = tpu.memref_slice %arg2[%dma_wait3A_76] : memref<320000xi32, #tpu.memory_space<hbm>> -> memref<128xi32, #tpu.memory_space<hbm>>
    tpu.wait_dma2 semaphore(%arg14 : memref<!tpu.dma_semaphore, #tpu.memory_space<semaphore_mem>>) src(%dma_wait3A_77 : memref<128xi32, #tpu.memory_space<hbm>>) dst(%arg6 : memref<128xi32, #tpu.memory_space<vmem>>)
    %dma_start3A_78 = arith.constant 0 : i32
    %dma_start3A_79 = tpu.memref_slice %arg11[%dma_start3A_78] : memref<10112xf32, #tpu.memory_space<vmem_shared>> -> memref<10112xf32, #tpu.memory_space<vmem_shared>>
    tpu.enqueue_indirect_dma source(%arg9 : memref<128xf32, #tpu.memory_space<vmem>>) target(%dma_start3A_79 : memref<10112xf32, #tpu.memory_space<vmem_shared>>) offsets(%arg6 : memref<128xi32, #tpu.memory_space<vmem>>) semaphore(%arg18 : memref<!tpu.dma_semaphore, #tpu.memory_space<semaphore_mem>>) {add = true}
    %dma_wait3A_80 = arith.constant 0 : i32
    %dma_wait3A_81 = tpu.memref_slice %arg11[%dma_wait3A_80] : memref<10112xf32, #tpu.memory_space<vmem_shared>> -> memref<10112xf32, #tpu.memory_space<vmem_shared>>
    tpu.wait_indirect_dma semaphore(%arg16 : memref<!tpu.dma_semaphore, #tpu.memory_space<semaphore_mem>>) src(%arg9 : memref<128xf32, #tpu.memory_space<vmem>>) dst(%dma_wait3A_81 : memref<10112xf32, #tpu.memory_space<vmem_shared>>)
    %add3A_82 = arith.constant 512 : i32
    %add3A_83 = arith.addi %mul3A_2, %add3A_82 : i32
    %dma_start3A_84 = tpu.memref_slice %arg2[%add3A_83] : memref<320000xi32, #tpu.memory_space<hbm>> -> memref<128xi32, #tpu.memory_space<hbm>>
    %dma_start3A_85 = tpu.memref_slice %arg2[%add3A_83] : memref<320000xi32, #tpu.memory_space<hbm>> -> memref<128xi32, #tpu.memory_space<hbm>>
    tpu.enqueue_dma source(%dma_start3A_85 : memref<128xi32, #tpu.memory_space<hbm>>) target(%arg4 : memref<128xi32, #tpu.memory_space<vmem>>) target_semaphore(%arg12 : memref<!tpu.dma_semaphore, #tpu.memory_space<semaphore_mem>>)
    %dma_wait3A_86 = arith.constant 0 : i32
    %dma_wait3A_87 = tpu.memref_slice %arg2[%dma_wait3A_86] : memref<320000xi32, #tpu.memory_space<hbm>> -> memref<128xi32, #tpu.memory_space<hbm>>
    %dma_wait3A_88 = arith.constant 0 : i32
    %dma_wait3A_89 = tpu.memref_slice %arg2[%dma_wait3A_88] : memref<320000xi32, #tpu.memory_space<hbm>> -> memref<128xi32, #tpu.memory_space<hbm>>
    tpu.wait_dma2 semaphore(%arg15 : memref<!tpu.dma_semaphore, #tpu.memory_space<semaphore_mem>>) src(%dma_wait3A_89 : memref<128xi32, #tpu.memory_space<hbm>>) dst(%arg7 : memref<128xi32, #tpu.memory_space<vmem>>)
    %dma_start3A_90 = arith.constant 0 : i32
    %dma_start3A_91 = tpu.memref_slice %arg11[%dma_start3A_90] : memref<10112xf32, #tpu.memory_space<vmem_shared>> -> memref<10112xf32, #tpu.memory_space<vmem_shared>>
    tpu.enqueue_indirect_dma source(%arg9 : memref<128xf32, #tpu.memory_space<vmem>>) target(%dma_start3A_91 : memref<10112xf32, #tpu.memory_space<vmem_shared>>) offsets(%arg7 : memref<128xi32, #tpu.memory_space<vmem>>) semaphore(%arg19 : memref<!tpu.dma_semaphore, #tpu.memory_space<semaphore_mem>>) {add = true}
    %dma_wait3A_92 = arith.constant 0 : i32
    %dma_wait3A_93 = tpu.memref_slice %arg11[%dma_wait3A_92] : memref<10112xf32, #tpu.memory_space<vmem_shared>> -> memref<10112xf32, #tpu.memory_space<vmem_shared>>
    tpu.wait_indirect_dma semaphore(%arg17 : memref<!tpu.dma_semaphore, #tpu.memory_space<semaphore_mem>>) src(%arg9 : memref<128xf32, #tpu.memory_space<vmem>>) dst(%dma_wait3A_93 : memref<10112xf32, #tpu.memory_space<vmem_shared>>)
    %add3A_94 = arith.constant 640 : i32
    %add3A_95 = arith.addi %mul3A_2, %add3A_94 : i32
    %dma_start3A_96 = tpu.memref_slice %arg2[%add3A_95] : memref<320000xi32, #tpu.memory_space<hbm>> -> memref<128xi32, #tpu.memory_space<hbm>>
    %dma_start3A_97 = tpu.memref_slice %arg2[%add3A_95] : memref<320000xi32, #tpu.memory_space<hbm>> -> memref<128xi32, #tpu.memory_space<hbm>>
    tpu.enqueue_dma source(%dma_start3A_97 : memref<128xi32, #tpu.memory_space<hbm>>) target(%arg5 : memref<128xi32, #tpu.memory_space<vmem>>) target_semaphore(%arg13 : memref<!tpu.dma_semaphore, #tpu.memory_space<semaphore_mem>>)
    %dma_wait3A_98 = arith.constant 0 : i32
    %dma_wait3A_99 = tpu.memref_slice %arg2[%dma_wait3A_98] : memref<320000xi32, #tpu.memory_space<hbm>> -> memref<128xi32, #tpu.memory_space<hbm>>
    %dma_wait3A_100 = arith.constant 0 : i32
    %dma_wait3A_101 = tpu.memref_slice %arg2[%dma_wait3A_100] : memref<320000xi32, #tpu.memory_space<hbm>> -> memref<128xi32, #tpu.memory_space<hbm>>
    tpu.wait_dma2 semaphore(%arg12 : memref<!tpu.dma_semaphore, #tpu.memory_space<semaphore_mem>>) src(%dma_wait3A_101 : memref<128xi32, #tpu.memory_space<hbm>>) dst(%arg4 : memref<128xi32, #tpu.memory_space<vmem>>)
    %dma_start3A_102 = arith.constant 0 : i32
    %dma_start3A_103 = tpu.memref_slice %arg11[%dma_start3A_102] : memref<10112xf32, #tpu.memory_space<vmem_shared>> -> memref<10112xf32, #tpu.memory_space<vmem_shared>>
    tpu.enqueue_indirect_dma source(%arg9 : memref<128xf32, #tpu.memory_space<vmem>>) target(%dma_start3A_103 : memref<10112xf32, #tpu.memory_space<vmem_shared>>) offsets(%arg4 : memref<128xi32, #tpu.memory_space<vmem>>) semaphore(%arg16 : memref<!tpu.dma_semaphore, #tpu.memory_space<semaphore_mem>>) {add = true}
    %dma_wait3A_104 = arith.constant 0 : i32
    %dma_wait3A_105 = tpu.memref_slice %arg11[%dma_wait3A_104] : memref<10112xf32, #tpu.memory_space<vmem_shared>> -> memref<10112xf32, #tpu.memory_space<vmem_shared>>
    tpu.wait_indirect_dma semaphore(%arg18 : memref<!tpu.dma_semaphore, #tpu.memory_space<semaphore_mem>>) src(%arg9 : memref<128xf32, #tpu.memory_space<vmem>>) dst(%dma_wait3A_105 : memref<10112xf32, #tpu.memory_space<vmem_shared>>)
    %add3A_106 = arith.constant 768 : i32
    %add3A_107 = arith.addi %mul3A_2, %add3A_106 : i32
    %dma_start3A_108 = tpu.memref_slice %arg2[%add3A_107] : memref<320000xi32, #tpu.memory_space<hbm>> -> memref<128xi32, #tpu.memory_space<hbm>>
    %dma_start3A_109 = tpu.memref_slice %arg2[%add3A_107] : memref<320000xi32, #tpu.memory_space<hbm>> -> memref<128xi32, #tpu.memory_space<hbm>>
    tpu.enqueue_dma source(%dma_start3A_109 : memref<128xi32, #tpu.memory_space<hbm>>) target(%arg6 : memref<128xi32, #tpu.memory_space<vmem>>) target_semaphore(%arg14 : memref<!tpu.dma_semaphore, #tpu.memory_space<semaphore_mem>>)
    %dma_wait3A_110 = arith.constant 0 : i32
    %dma_wait3A_111 = tpu.memref_slice %arg2[%dma_wait3A_110] : memref<320000xi32, #tpu.memory_space<hbm>> -> memref<128xi32, #tpu.memory_space<hbm>>
    %dma_wait3A_112 = arith.constant 0 : i32
    %dma_wait3A_113 = tpu.memref_slice %arg2[%dma_wait3A_112] : memref<320000xi32, #tpu.memory_space<hbm>> -> memref<128xi32, #tpu.memory_space<hbm>>
    tpu.wait_dma2 semaphore(%arg13 : memref<!tpu.dma_semaphore, #tpu.memory_space<semaphore_mem>>) src(%dma_wait3A_113 : memref<128xi32, #tpu.memory_space<hbm>>) dst(%arg5 : memref<128xi32, #tpu.memory_space<vmem>>)
    %dma_start3A_114 = arith.constant 0 : i32
    %dma_start3A_115 = tpu.memref_slice %arg11[%dma_start3A_114] : memref<10112xf32, #tpu.memory_space<vmem_shared>> -> memref<10112xf32, #tpu.memory_space<vmem_shared>>
    tpu.enqueue_indirect_dma source(%arg9 : memref<128xf32, #tpu.memory_space<vmem>>) target(%dma_start3A_115 : memref<10112xf32, #tpu.memory_space<vmem_shared>>) offsets(%arg5 : memref<128xi32, #tpu.memory_space<vmem>>) semaphore(%arg17 : memref<!tpu.dma_semaphore, #tpu.memory_space<semaphore_mem>>) {add = true}
    %dma_wait3A_116 = arith.constant 0 : i32
    %dma_wait3A_117 = tpu.memref_slice %arg11[%dma_wait3A_116] : memref<10112xf32, #tpu.memory_space<vmem_shared>> -> memref<10112xf32, #tpu.memory_space<vmem_shared>>
    tpu.wait_indirect_dma semaphore(%arg19 : memref<!tpu.dma_semaphore, #tpu.memory_space<semaphore_mem>>) src(%arg9 : memref<128xf32, #tpu.memory_space<vmem>>) dst(%dma_wait3A_117 : memref<10112xf32, #tpu.memory_space<vmem_shared>>)
    %add3A_118 = arith.constant 896 : i32
    %add3A_119 = arith.addi %mul3A_2, %add3A_118 : i32
    %dma_start3A_120 = tpu.memref_slice %arg2[%add3A_119] : memref<320000xi32, #tpu.memory_space<hbm>> -> memref<128xi32, #tpu.memory_space<hbm>>
    %dma_start3A_121 = tpu.memref_slice %arg2[%add3A_119] : memref<320000xi32, #tpu.memory_space<hbm>> -> memref<128xi32, #tpu.memory_space<hbm>>
    tpu.enqueue_dma source(%dma_start3A_121 : memref<128xi32, #tpu.memory_space<hbm>>) target(%arg7 : memref<128xi32, #tpu.memory_space<vmem>>) target_semaphore(%arg15 : memref<!tpu.dma_semaphore, #tpu.memory_space<semaphore_mem>>)
    %scan3A_122 = arith.constant 0 : i32
    %scan3A_123 = arith.constant 0 : i32
    %scan3A_124 = arith.constant 17 : i32
    %scan3A_125 = arith.addi %scan3A_123, %scan3A_124 : i32
    %scan3A_126 = arith.constant 1 : i32
    scf.for %scan3A_180 = %scan3A_123 to %scan3A_125 step %scan3A_126  : i32 {
      %mul3A_181 = arith.constant 4 : i32
      %mul3A_182 = arith.muli %scan3A_180, %mul3A_181 : i32
      %add3A_183 = arith.constant 6 : i32
      %add3A_184 = arith.addi %mul3A_182, %add3A_183 : i32
      %dma_wait3A_185 = arith.constant 0 : i32
      %dma_wait3A_186 = tpu.memref_slice %arg2[%dma_wait3A_185] : memref<320000xi32, #tpu.memory_space<hbm>> -> memref<128xi32, #tpu.memory_space<hbm>>
      %dma_wait3A_187 = arith.constant 0 : i32
      %dma_wait3A_188 = tpu.memref_slice %arg2[%dma_wait3A_187] : memref<320000xi32, #tpu.memory_space<hbm>> -> memref<128xi32, #tpu.memory_space<hbm>>
      tpu.wait_dma2 semaphore(%arg14 : memref<!tpu.dma_semaphore, #tpu.memory_space<semaphore_mem>>) src(%dma_wait3A_188 : memref<128xi32, #tpu.memory_space<hbm>>) dst(%arg6 : memref<128xi32, #tpu.memory_space<vmem>>)
      %dma_start3A_189 = arith.constant 0 : i32
      %dma_start3A_190 = tpu.memref_slice %arg11[%dma_start3A_189] : memref<10112xf32, #tpu.memory_space<vmem_shared>> -> memref<10112xf32, #tpu.memory_space<vmem_shared>>
      tpu.enqueue_indirect_dma source(%arg9 : memref<128xf32, #tpu.memory_space<vmem>>) target(%dma_start3A_190 : memref<10112xf32, #tpu.memory_space<vmem_shared>>) offsets(%arg6 : memref<128xi32, #tpu.memory_space<vmem>>) semaphore(%arg18 : memref<!tpu.dma_semaphore, #tpu.memory_space<semaphore_mem>>) {add = true}
      %dma_wait3A_191 = arith.constant 0 : i32
      %dma_wait3A_192 = tpu.memref_slice %arg11[%dma_wait3A_191] : memref<10112xf32, #tpu.memory_space<vmem_shared>> -> memref<10112xf32, #tpu.memory_space<vmem_shared>>
      tpu.wait_indirect_dma semaphore(%arg16 : memref<!tpu.dma_semaphore, #tpu.memory_space<semaphore_mem>>) src(%arg9 : memref<128xf32, #tpu.memory_space<vmem>>) dst(%dma_wait3A_192 : memref<10112xf32, #tpu.memory_space<vmem_shared>>)
      %add3A_193 = arith.constant 0 : i32
      %add3A_194 = arith.addi %add3A_184, %add3A_193 : i32
      %add3A_195 = arith.constant 2 : i32
      %add3A_196 = arith.addi %add3A_194, %add3A_195 : i32
      %mul3A_197 = arith.constant 128 : i32
      %mul3A_198 = arith.muli %add3A_196, %mul3A_197 : i32
      %add3A_199 = arith.addi %mul3A_2, %mul3A_198 : i32
      %dma_start3A_200 = tpu.memref_slice %arg2[%add3A_199] : memref<320000xi32, #tpu.memory_space<hbm>> -> memref<128xi32, #tpu.memory_space<hbm>>
      %dma_start3A_201 = tpu.memref_slice %arg2[%add3A_199] : memref<320000xi32, #tpu.memory_space<hbm>> -> memref<128xi32, #tpu.memory_space<hbm>>
      tpu.enqueue_dma source(%dma_start3A_201 : memref<128xi32, #tpu.memory_space<hbm>>) target(%arg4 : memref<128xi32, #tpu.memory_space<vmem>>) target_semaphore(%arg12 : memref<!tpu.dma_semaphore, #tpu.memory_space<semaphore_mem>>)
      %dma_wait3A_202 = arith.constant 0 : i32
      %dma_wait3A_203 = tpu.memref_slice %arg2[%dma_wait3A_202] : memref<320000xi32, #tpu.memory_space<hbm>> -> memref<128xi32, #tpu.memory_space<hbm>>
      %dma_wait3A_204 = arith.constant 0 : i32
      %dma_wait3A_205 = tpu.memref_slice %arg2[%dma_wait3A_204] : memref<320000xi32, #tpu.memory_space<hbm>> -> memref<128xi32, #tpu.memory_space<hbm>>
      tpu.wait_dma2 semaphore(%arg15 : memref<!tpu.dma_semaphore, #tpu.memory_space<semaphore_mem>>) src(%dma_wait3A_205 : memref<128xi32, #tpu.memory_space<hbm>>) dst(%arg7 : memref<128xi32, #tpu.memory_space<vmem>>)
      %dma_start3A_206 = arith.constant 0 : i32
      %dma_start3A_207 = tpu.memref_slice %arg11[%dma_start3A_206] : memref<10112xf32, #tpu.memory_space<vmem_shared>> -> memref<10112xf32, #tpu.memory_space<vmem_shared>>
      tpu.enqueue_indirect_dma source(%arg9 : memref<128xf32, #tpu.memory_space<vmem>>) target(%dma_start3A_207 : memref<10112xf32, #tpu.memory_space<vmem_shared>>) offsets(%arg7 : memref<128xi32, #tpu.memory_space<vmem>>) semaphore(%arg19 : memref<!tpu.dma_semaphore, #tpu.memory_space<semaphore_mem>>) {add = true}
      %dma_wait3A_208 = arith.constant 0 : i32
      %dma_wait3A_209 = tpu.memref_slice %arg11[%dma_wait3A_208] : memref<10112xf32, #tpu.memory_space<vmem_shared>> -> memref<10112xf32, #tpu.memory_space<vmem_shared>>
      tpu.wait_indirect_dma semaphore(%arg17 : memref<!tpu.dma_semaphore, #tpu.memory_space<semaphore_mem>>) src(%arg9 : memref<128xf32, #tpu.memory_space<vmem>>) dst(%dma_wait3A_209 : memref<10112xf32, #tpu.memory_space<vmem_shared>>)
      %add3A_210 = arith.constant 1 : i32
      %add3A_211 = arith.addi %add3A_184, %add3A_210 : i32
      %add3A_212 = arith.constant 2 : i32
      %add3A_213 = arith.addi %add3A_211, %add3A_212 : i32
      %mul3A_214 = arith.constant 128 : i32
      %mul3A_215 = arith.muli %add3A_213, %mul3A_214 : i32
      %add3A_216 = arith.addi %mul3A_2, %mul3A_215 : i32
      %dma_start3A_217 = tpu.memref_slice %arg2[%add3A_216] : memref<320000xi32, #tpu.memory_space<hbm>> -> memref<128xi32, #tpu.memory_space<hbm>>
      %dma_start3A_218 = tpu.memref_slice %arg2[%add3A_216] : memref<320000xi32, #tpu.memory_space<hbm>> -> memref<128xi32, #tpu.memory_space<hbm>>
      tpu.enqueue_dma source(%dma_start3A_218 : memref<128xi32, #tpu.memory_space<hbm>>) target(%arg5 : memref<128xi32, #tpu.memory_space<vmem>>) target_semaphore(%arg13 : memref<!tpu.dma_semaphore, #tpu.memory_space<semaphore_mem>>)
      %dma_wait3A_219 = arith.constant 0 : i32
      %dma_wait3A_220 = tpu.memref_slice %arg2[%dma_wait3A_219] : memref<320000xi32, #tpu.memory_space<hbm>> -> memref<128xi32, #tpu.memory_space<hbm>>
      %dma_wait3A_221 = arith.constant 0 : i32
      %dma_wait3A_222 = tpu.memref_slice %arg2[%dma_wait3A_221] : memref<320000xi32, #tpu.memory_space<hbm>> -> memref<128xi32, #tpu.memory_space<hbm>>
      tpu.wait_dma2 semaphore(%arg12 : memref<!tpu.dma_semaphore, #tpu.memory_space<semaphore_mem>>) src(%dma_wait3A_222 : memref<128xi32, #tpu.memory_space<hbm>>) dst(%arg4 : memref<128xi32, #tpu.memory_space<vmem>>)
      %dma_start3A_223 = arith.constant 0 : i32
      %dma_start3A_224 = tpu.memref_slice %arg11[%dma_start3A_223] : memref<10112xf32, #tpu.memory_space<vmem_shared>> -> memref<10112xf32, #tpu.memory_space<vmem_shared>>
      tpu.enqueue_indirect_dma source(%arg9 : memref<128xf32, #tpu.memory_space<vmem>>) target(%dma_start3A_224 : memref<10112xf32, #tpu.memory_space<vmem_shared>>) offsets(%arg4 : memref<128xi32, #tpu.memory_space<vmem>>) semaphore(%arg16 : memref<!tpu.dma_semaphore, #tpu.memory_space<semaphore_mem>>) {add = true}
      %dma_wait3A_225 = arith.constant 0 : i32
      %dma_wait3A_226 = tpu.memref_slice %arg11[%dma_wait3A_225] : memref<10112xf32, #tpu.memory_space<vmem_shared>> -> memref<10112xf32, #tpu.memory_space<vmem_shared>>
      tpu.wait_indirect_dma semaphore(%arg18 : memref<!tpu.dma_semaphore, #tpu.memory_space<semaphore_mem>>) src(%arg9 : memref<128xf32, #tpu.memory_space<vmem>>) dst(%dma_wait3A_226 : memref<10112xf32, #tpu.memory_space<vmem_shared>>)
      %add3A_227 = arith.constant 2 : i32
      %add3A_228 = arith.addi %add3A_184, %add3A_227 : i32
      %add3A_229 = arith.constant 2 : i32
      %add3A_230 = arith.addi %add3A_228, %add3A_229 : i32
      %mul3A_231 = arith.constant 128 : i32
      %mul3A_232 = arith.muli %add3A_230, %mul3A_231 : i32
      %add3A_233 = arith.addi %mul3A_2, %mul3A_232 : i32
      %dma_start3A_234 = tpu.memref_slice %arg2[%add3A_233] : memref<320000xi32, #tpu.memory_space<hbm>> -> memref<128xi32, #tpu.memory_space<hbm>>
      %dma_start3A_235 = tpu.memref_slice %arg2[%add3A_233] : memref<320000xi32, #tpu.memory_space<hbm>> -> memref<128xi32, #tpu.memory_space<hbm>>
      tpu.enqueue_dma source(%dma_start3A_235 : memref<128xi32, #tpu.memory_space<hbm>>) target(%arg6 : memref<128xi32, #tpu.memory_space<vmem>>) target_semaphore(%arg14 : memref<!tpu.dma_semaphore, #tpu.memory_space<semaphore_mem>>)
      %dma_wait3A_236 = arith.constant 0 : i32
      %dma_wait3A_237 = tpu.memref_slice %arg2[%dma_wait3A_236] : memref<320000xi32, #tpu.memory_space<hbm>> -> memref<128xi32, #tpu.memory_space<hbm>>
      %dma_wait3A_238 = arith.constant 0 : i32
      %dma_wait3A_239 = tpu.memref_slice %arg2[%dma_wait3A_238] : memref<320000xi32, #tpu.memory_space<hbm>> -> memref<128xi32, #tpu.memory_space<hbm>>
      tpu.wait_dma2 semaphore(%arg13 : memref<!tpu.dma_semaphore, #tpu.memory_space<semaphore_mem>>) src(%dma_wait3A_239 : memref<128xi32, #tpu.memory_space<hbm>>) dst(%arg5 : memref<128xi32, #tpu.memory_space<vmem>>)
      %dma_start3A_240 = arith.constant 0 : i32
      %dma_start3A_241 = tpu.memref_slice %arg11[%dma_start3A_240] : memref<10112xf32, #tpu.memory_space<vmem_shared>> -> memref<10112xf32, #tpu.memory_space<vmem_shared>>
      tpu.enqueue_indirect_dma source(%arg9 : memref<128xf32, #tpu.memory_space<vmem>>) target(%dma_start3A_241 : memref<10112xf32, #tpu.memory_space<vmem_shared>>) offsets(%arg5 : memref<128xi32, #tpu.memory_space<vmem>>) semaphore(%arg17 : memref<!tpu.dma_semaphore, #tpu.memory_space<semaphore_mem>>) {add = true}
      %dma_wait3A_242 = arith.constant 0 : i32
      %dma_wait3A_243 = tpu.memref_slice %arg11[%dma_wait3A_242] : memref<10112xf32, #tpu.memory_space<vmem_shared>> -> memref<10112xf32, #tpu.memory_space<vmem_shared>>
      tpu.wait_indirect_dma semaphore(%arg19 : memref<!tpu.dma_semaphore, #tpu.memory_space<semaphore_mem>>) src(%arg9 : memref<128xf32, #tpu.memory_space<vmem>>) dst(%dma_wait3A_243 : memref<10112xf32, #tpu.memory_space<vmem_shared>>)
      %add3A_244 = arith.constant 3 : i32
      %add3A_245 = arith.addi %add3A_184, %add3A_244 : i32
      %add3A_246 = arith.constant 2 : i32
      %add3A_247 = arith.addi %add3A_245, %add3A_246 : i32
      %mul3A_248 = arith.constant 128 : i32
      %mul3A_249 = arith.muli %add3A_247, %mul3A_248 : i32
      %add3A_250 = arith.addi %mul3A_2, %mul3A_249 : i32
      %dma_start3A_251 = tpu.memref_slice %arg2[%add3A_250] : memref<320000xi32, #tpu.memory_space<hbm>> -> memref<128xi32, #tpu.memory_space<hbm>>
      %dma_start3A_252 = tpu.memref_slice %arg2[%add3A_250] : memref<320000xi32, #tpu.memory_space<hbm>> -> memref<128xi32, #tpu.memory_space<hbm>>
      tpu.enqueue_dma source(%dma_start3A_252 : memref<128xi32, #tpu.memory_space<hbm>>) target(%arg7 : memref<128xi32, #tpu.memory_space<vmem>>) target_semaphore(%arg15 : memref<!tpu.dma_semaphore, #tpu.memory_space<semaphore_mem>>)
    }
    %scan3A_127 = arith.constant 17 : i32
    %dma_wait3A_128 = arith.constant 0 : i32
    %dma_wait3A_129 = tpu.memref_slice %arg2[%dma_wait3A_128] : memref<320000xi32, #tpu.memory_space<hbm>> -> memref<128xi32, #tpu.memory_space<hbm>>
    %dma_wait3A_130 = arith.constant 0 : i32
    %dma_wait3A_131 = tpu.memref_slice %arg2[%dma_wait3A_130] : memref<320000xi32, #tpu.memory_space<hbm>> -> memref<128xi32, #tpu.memory_space<hbm>>
    tpu.wait_dma2 semaphore(%arg14 : memref<!tpu.dma_semaphore, #tpu.memory_space<semaphore_mem>>) src(%dma_wait3A_131 : memref<128xi32, #tpu.memory_space<hbm>>) dst(%arg6 : memref<128xi32, #tpu.memory_space<vmem>>)
    %dma_start3A_132 = arith.constant 0 : i32
    %dma_start3A_133 = tpu.memref_slice %arg11[%dma_start3A_132] : memref<10112xf32, #tpu.memory_space<vmem_shared>> -> memref<10112xf32, #tpu.memory_space<vmem_shared>>
    tpu.enqueue_indirect_dma source(%arg9 : memref<128xf32, #tpu.memory_space<vmem>>) target(%dma_start3A_133 : memref<10112xf32, #tpu.memory_space<vmem_shared>>) offsets(%arg6 : memref<128xi32, #tpu.memory_space<vmem>>) semaphore(%arg18 : memref<!tpu.dma_semaphore, #tpu.memory_space<semaphore_mem>>) {add = true}
    %dma_wait3A_134 = arith.constant 0 : i32
    %dma_wait3A_135 = tpu.memref_slice %arg11[%dma_wait3A_134] : memref<10112xf32, #tpu.memory_space<vmem_shared>> -> memref<10112xf32, #tpu.memory_space<vmem_shared>>
    tpu.wait_indirect_dma semaphore(%arg16 : memref<!tpu.dma_semaphore, #tpu.memory_space<semaphore_mem>>) src(%arg9 : memref<128xf32, #tpu.memory_space<vmem>>) dst(%dma_wait3A_135 : memref<10112xf32, #tpu.memory_space<vmem_shared>>)
    %add3A_136 = arith.constant 9728 : i32
    %add3A_137 = arith.addi %mul3A_2, %add3A_136 : i32
    %dma_start3A_138 = tpu.memref_slice %arg2[%add3A_137] : memref<320000xi32, #tpu.memory_space<hbm>> -> memref<128xi32, #tpu.memory_space<hbm>>
    %dma_start3A_139 = tpu.memref_slice %arg2[%add3A_137] : memref<320000xi32, #tpu.memory_space<hbm>> -> memref<128xi32, #tpu.memory_space<hbm>>
    tpu.enqueue_dma source(%dma_start3A_139 : memref<128xi32, #tpu.memory_space<hbm>>) target(%arg4 : memref<128xi32, #tpu.memory_space<vmem>>) target_semaphore(%arg12 : memref<!tpu.dma_semaphore, #tpu.memory_space<semaphore_mem>>)
    %dma_wait3A_140 = arith.constant 0 : i32
    %dma_wait3A_141 = tpu.memref_slice %arg2[%dma_wait3A_140] : memref<320000xi32, #tpu.memory_space<hbm>> -> memref<128xi32, #tpu.memory_space<hbm>>
    %dma_wait3A_142 = arith.constant 0 : i32
    %dma_wait3A_143 = tpu.memref_slice %arg2[%dma_wait3A_142] : memref<320000xi32, #tpu.memory_space<hbm>> -> memref<128xi32, #tpu.memory_space<hbm>>
    tpu.wait_dma2 semaphore(%arg15 : memref<!tpu.dma_semaphore, #tpu.memory_space<semaphore_mem>>) src(%dma_wait3A_143 : memref<128xi32, #tpu.memory_space<hbm>>) dst(%arg7 : memref<128xi32, #tpu.memory_space<vmem>>)
    %dma_start3A_144 = arith.constant 0 : i32
    %dma_start3A_145 = tpu.memref_slice %arg11[%dma_start3A_144] : memref<10112xf32, #tpu.memory_space<vmem_shared>> -> memref<10112xf32, #tpu.memory_space<vmem_shared>>
    tpu.enqueue_indirect_dma source(%arg9 : memref<128xf32, #tpu.memory_space<vmem>>) target(%dma_start3A_145 : memref<10112xf32, #tpu.memory_space<vmem_shared>>) offsets(%arg7 : memref<128xi32, #tpu.memory_space<vmem>>) semaphore(%arg19 : memref<!tpu.dma_semaphore, #tpu.memory_space<semaphore_mem>>) {add = true}
    %dma_wait3A_146 = arith.constant 0 : i32
    %dma_wait3A_147 = tpu.memref_slice %arg11[%dma_wait3A_146] : memref<10112xf32, #tpu.memory_space<vmem_shared>> -> memref<10112xf32, #tpu.memory_space<vmem_shared>>
    tpu.wait_indirect_dma semaphore(%arg17 : memref<!tpu.dma_semaphore, #tpu.memory_space<semaphore_mem>>) src(%arg9 : memref<128xf32, #tpu.memory_space<vmem>>) dst(%dma_wait3A_147 : memref<10112xf32, #tpu.memory_space<vmem_shared>>)
    %add3A_148 = arith.constant 9856 : i32
    %add3A_149 = arith.addi %mul3A_2, %add3A_148 : i32
    %dma_start3A_150 = tpu.memref_slice %arg2[%add3A_149] : memref<320000xi32, #tpu.memory_space<hbm>> -> memref<128xi32, #tpu.memory_space<hbm>>
    %dma_start3A_151 = tpu.memref_slice %arg2[%add3A_149] : memref<320000xi32, #tpu.memory_space<hbm>> -> memref<128xi32, #tpu.memory_space<hbm>>
    tpu.enqueue_dma source(%dma_start3A_151 : memref<128xi32, #tpu.memory_space<hbm>>) target(%arg5 : memref<128xi32, #tpu.memory_space<vmem>>) target_semaphore(%arg13 : memref<!tpu.dma_semaphore, #tpu.memory_space<semaphore_mem>>)
    %dma_wait3A_152 = arith.constant 0 : i32
    %dma_wait3A_153 = tpu.memref_slice %arg2[%dma_wait3A_152] : memref<320000xi32, #tpu.memory_space<hbm>> -> memref<128xi32, #tpu.memory_space<hbm>>
    %dma_wait3A_154 = arith.constant 0 : i32
    %dma_wait3A_155 = tpu.memref_slice %arg2[%dma_wait3A_154] : memref<320000xi32, #tpu.memory_space<hbm>> -> memref<128xi32, #tpu.memory_space<hbm>>
    tpu.wait_dma2 semaphore(%arg12 : memref<!tpu.dma_semaphore, #tpu.memory_space<semaphore_mem>>) src(%dma_wait3A_155 : memref<128xi32, #tpu.memory_space<hbm>>) dst(%arg4 : memref<128xi32, #tpu.memory_space<vmem>>)
    %dma_start3A_156 = arith.constant 0 : i32
    %dma_start3A_157 = tpu.memref_slice %arg11[%dma_start3A_156] : memref<10112xf32, #tpu.memory_space<vmem_shared>> -> memref<10112xf32, #tpu.memory_space<vmem_shared>>
    tpu.enqueue_indirect_dma source(%arg9 : memref<128xf32, #tpu.memory_space<vmem>>) target(%dma_start3A_157 : memref<10112xf32, #tpu.memory_space<vmem_shared>>) offsets(%arg4 : memref<128xi32, #tpu.memory_space<vmem>>) semaphore(%arg16 : memref<!tpu.dma_semaphore, #tpu.memory_space<semaphore_mem>>) {add = true}
    %dma_wait3A_158 = arith.constant 0 : i32
    %dma_wait3A_159 = tpu.memref_slice %arg11[%dma_wait3A_158] : memref<10112xf32, #tpu.memory_space<vmem_shared>> -> memref<10112xf32, #tpu.memory_space<vmem_shared>>
    tpu.wait_indirect_dma semaphore(%arg18 : memref<!tpu.dma_semaphore, #tpu.memory_space<semaphore_mem>>) src(%arg9 : memref<128xf32, #tpu.memory_space<vmem>>) dst(%dma_wait3A_159 : memref<10112xf32, #tpu.memory_space<vmem_shared>>)
    %dma_wait3A_160 = arith.constant 0 : i32
    %dma_wait3A_161 = tpu.memref_slice %arg2[%dma_wait3A_160] : memref<320000xi32, #tpu.memory_space<hbm>> -> memref<128xi32, #tpu.memory_space<hbm>>
    %dma_wait3A_162 = arith.constant 0 : i32
    %dma_wait3A_163 = tpu.memref_slice %arg2[%dma_wait3A_162] : memref<320000xi32, #tpu.memory_space<hbm>> -> memref<128xi32, #tpu.memory_space<hbm>>
    tpu.wait_dma2 semaphore(%arg13 : memref<!tpu.dma_semaphore, #tpu.memory_space<semaphore_mem>>) src(%dma_wait3A_163 : memref<128xi32, #tpu.memory_space<hbm>>) dst(%arg5 : memref<128xi32, #tpu.memory_space<vmem>>)
    %dma_start3A_164 = arith.constant 0 : i32
    %dma_start3A_165 = tpu.memref_slice %arg11[%dma_start3A_164] : memref<10112xf32, #tpu.memory_space<vmem_shared>> -> memref<10112xf32, #tpu.memory_space<vmem_shared>>
    tpu.enqueue_indirect_dma source(%arg9 : memref<128xf32, #tpu.memory_space<vmem>>) target(%dma_start3A_165 : memref<10112xf32, #tpu.memory_space<vmem_shared>>) offsets(%arg5 : memref<128xi32, #tpu.memory_space<vmem>>) semaphore(%arg17 : memref<!tpu.dma_semaphore, #tpu.memory_space<semaphore_mem>>) {add = true}
    %dma_wait3A_166 = arith.constant 0 : i32
    %dma_wait3A_167 = tpu.memref_slice %arg11[%dma_wait3A_166] : memref<10112xf32, #tpu.memory_space<vmem_shared>> -> memref<10112xf32, #tpu.memory_space<vmem_shared>>
    tpu.wait_indirect_dma semaphore(%arg19 : memref<!tpu.dma_semaphore, #tpu.memory_space<semaphore_mem>>) src(%arg9 : memref<128xf32, #tpu.memory_space<vmem>>) dst(%dma_wait3A_167 : memref<10112xf32, #tpu.memory_space<vmem_shared>>)
    %dma_wait3A_168 = arith.constant 0 : i32
    %dma_wait3A_169 = tpu.memref_slice %arg11[%dma_wait3A_168] : memref<10112xf32, #tpu.memory_space<vmem_shared>> -> memref<10112xf32, #tpu.memory_space<vmem_shared>>
    tpu.wait_indirect_dma semaphore(%arg16 : memref<!tpu.dma_semaphore, #tpu.memory_space<semaphore_mem>>) src(%arg9 : memref<128xf32, #tpu.memory_space<vmem>>) dst(%dma_wait3A_169 : memref<10112xf32, #tpu.memory_space<vmem_shared>>)
    %dma_wait3A_170 = arith.constant 0 : i32
    %dma_wait3A_171 = tpu.memref_slice %arg11[%dma_wait3A_170] : memref<10112xf32, #tpu.memory_space<vmem_shared>> -> memref<10112xf32, #tpu.memory_space<vmem_shared>>
    tpu.wait_indirect_dma semaphore(%arg17 : memref<!tpu.dma_semaphore, #tpu.memory_space<semaphore_mem>>) src(%arg9 : memref<128xf32, #tpu.memory_space<vmem>>) dst(%dma_wait3A_171 : memref<10112xf32, #tpu.memory_space<vmem_shared>>)
    %dma_wait3A_172 = arith.constant 0 : i32
    %dma_wait3A_173 = tpu.memref_slice %arg2[%dma_wait3A_172] : memref<320000xi32, #tpu.memory_space<hbm>> -> memref<16xi32, #tpu.memory_space<hbm>>
    %dma_wait3A_174 = arith.constant 0 : i32
    %dma_wait3A_175 = tpu.memref_slice %arg2[%dma_wait3A_174] : memref<320000xi32, #tpu.memory_space<hbm>> -> memref<16xi32, #tpu.memory_space<hbm>>
    tpu.wait_dma2 semaphore(%arg20 : memref<!tpu.dma_semaphore, #tpu.memory_space<semaphore_mem>>) src(%dma_wait3A_175 : memref<16xi32, #tpu.memory_space<hbm>>) dst(%arg8 : memref<16xi32, #tpu.memory_space<vmem>>)
    "tpu.region"() ({
      %run_scoped3A = tpu.sem_alloc : memref<!tpu.dma_semaphore, #tpu.memory_space<semaphore_mem>>
      %dma_start3A_180 = arith.constant 0 : i32
      %dma_start3A_181 = tpu.memref_slice %arg9[%dma_start3A_180] : memref<128xf32, #tpu.memory_space<vmem>> -> memref<16xf32, #tpu.memory_space<vmem>>
      %dma_start3A_182 = arith.constant 0 : i32
      %dma_start3A_183 = tpu.memref_slice %arg11[%dma_start3A_182] : memref<10112xf32, #tpu.memory_space<vmem_shared>> -> memref<10112xf32, #tpu.memory_space<vmem_shared>>
      tpu.enqueue_indirect_dma source(%dma_start3A_181 : memref<16xf32, #tpu.memory_space<vmem>>) target(%dma_start3A_183 : memref<10112xf32, #tpu.memory_space<vmem_shared>>) offsets(%arg8 : memref<16xi32, #tpu.memory_space<vmem>>) semaphore(%run_scoped3A : memref<!tpu.dma_semaphore, #tpu.memory_space<semaphore_mem>>) {add = true}
      %dma_wait3A_184 = arith.constant 0 : i32
      %dma_wait3A_185 = tpu.memref_slice %arg9[%dma_wait3A_184] : memref<128xf32, #tpu.memory_space<vmem>> -> memref<16xf32, #tpu.memory_space<vmem>>
      %dma_wait3A_186 = arith.constant 0 : i32
      %dma_wait3A_187 = tpu.memref_slice %arg11[%dma_wait3A_186] : memref<10112xf32, #tpu.memory_space<vmem_shared>> -> memref<10112xf32, #tpu.memory_space<vmem_shared>>
      tpu.wait_indirect_dma semaphore(%run_scoped3A : memref<!tpu.dma_semaphore, #tpu.memory_space<semaphore_mem>>) src(%dma_wait3A_185 : memref<16xf32, #tpu.memory_space<vmem>>) dst(%dma_wait3A_187 : memref<10112xf32, #tpu.memory_space<vmem_shared>>)
      tpu.yield
    }) : () -> ()
    %barrier3A_176 = arith.constant 0 : index
    tpu.barrier barrier_id(%barrier3A_176)
    "tpu.region"() ({
      %run_scoped3A = tpu.sem_alloc : memref<!tpu.dma_semaphore, #tpu.memory_space<semaphore_mem>>
      %dma_start3A_180 = arith.constant 0 : i32
      %dma_start3A_181 = tpu.memref_slice %arg10[%dma_start3A_180] : memref<640xf32, #tpu.memory_space<vmem>> -> memref<632xf32, #tpu.memory_space<vmem>>
      %dma_start3A_182 = tpu.memref_slice %arg11[%mul3A_4] : memref<10112xf32, #tpu.memory_space<vmem_shared>> -> memref<632xf32, #tpu.memory_space<vmem_shared>>
      %dma_start3A_183 = arith.constant 0 : i32
      %dma_start3A_184 = tpu.memref_slice %arg10[%dma_start3A_183] : memref<640xf32, #tpu.memory_space<vmem>> -> memref<632xf32, #tpu.memory_space<vmem>>
      %dma_start3A_185 = tpu.memref_slice %arg11[%mul3A_4] : memref<10112xf32, #tpu.memory_space<vmem_shared>> -> memref<632xf32, #tpu.memory_space<vmem_shared>>
      tpu.enqueue_dma source(%dma_start3A_185 : memref<632xf32, #tpu.memory_space<vmem_shared>>) target(%dma_start3A_184 : memref<632xf32, #tpu.memory_space<vmem>>) target_semaphore(%run_scoped3A : memref<!tpu.dma_semaphore, #tpu.memory_space<semaphore_mem>>)
      %dma_wait3A_186 = arith.constant 0 : i32
      %dma_wait3A_187 = tpu.memref_slice %arg10[%dma_wait3A_186] : memref<640xf32, #tpu.memory_space<vmem>> -> memref<632xf32, #tpu.memory_space<vmem>>
      %dma_wait3A_188 = tpu.memref_slice %arg11[%mul3A_4] : memref<10112xf32, #tpu.memory_space<vmem_shared>> -> memref<632xf32, #tpu.memory_space<vmem_shared>>
      %dma_wait3A_189 = arith.constant 0 : i32
      %dma_wait3A_190 = tpu.memref_slice %arg10[%dma_wait3A_189] : memref<640xf32, #tpu.memory_space<vmem>> -> memref<632xf32, #tpu.memory_space<vmem>>
      %dma_wait3A_191 = tpu.memref_slice %arg11[%mul3A_4] : memref<10112xf32, #tpu.memory_space<vmem_shared>> -> memref<632xf32, #tpu.memory_space<vmem_shared>>
      tpu.wait_dma2 semaphore(%run_scoped3A : memref<!tpu.dma_semaphore, #tpu.memory_space<semaphore_mem>>) src(%dma_wait3A_191 : memref<632xf32, #tpu.memory_space<vmem_shared>>) dst(%dma_wait3A_190 : memref<632xf32, #tpu.memory_space<vmem>>)
      tpu.yield
    }) : () -> ()
    %mul3A_177 = arith.constant 10112 : i32
    %mul3A_178 = arith.muli %arg0, %mul3A_177 : i32
    %add3A_179 = arith.addi %mul3A_178, %mul3A_4 : i32
    "tpu.region"() ({
      %run_scoped3A = tpu.sem_alloc : memref<!tpu.dma_semaphore, #tpu.memory_space<semaphore_mem>>
      %dma_start3A_180 = arith.constant 0 : i32
      %dma_start3A_181 = tpu.memref_slice %arg10[%dma_start3A_180] : memref<640xf32, #tpu.memory_space<vmem>> -> memref<632xf32, #tpu.memory_space<vmem>>
      %dma_start3A_182 = tpu.memref_slice %arg3[%add3A_179] : memref<20224xf32, #tpu.memory_space<hbm>> -> memref<632xf32, #tpu.memory_space<hbm>>
      %dma_start3A_183 = tpu.memref_slice %arg3[%add3A_179] : memref<20224xf32, #tpu.memory_space<hbm>> -> memref<632xf32, #tpu.memory_space<hbm>>
      %dma_start3A_184 = arith.constant 0 : i32
      %dma_start3A_185 = tpu.memref_slice %arg10[%dma_start3A_184] : memref<640xf32, #tpu.memory_space<vmem>> -> memref<632xf32, #tpu.memory_space<vmem>>
      tpu.enqueue_dma source(%dma_start3A_185 : memref<632xf32, #tpu.memory_space<vmem>>) target(%dma_start3A_183 : memref<632xf32, #tpu.memory_space<hbm>>) target_semaphore(%run_scoped3A : memref<!tpu.dma_semaphore, #tpu.memory_space<semaphore_mem>>)
      %dma_wait3A_186 = arith.constant 0 : i32
      %dma_wait3A_187 = tpu.memref_slice %arg10[%dma_wait3A_186] : memref<640xf32, #tpu.memory_space<vmem>> -> memref<632xf32, #tpu.memory_space<vmem>>
      %dma_wait3A_188 = tpu.memref_slice %arg3[%add3A_179] : memref<20224xf32, #tpu.memory_space<hbm>> -> memref<632xf32, #tpu.memory_space<hbm>>
      %dma_wait3A_189 = tpu.memref_slice %arg3[%add3A_179] : memref<20224xf32, #tpu.memory_space<hbm>> -> memref<632xf32, #tpu.memory_space<hbm>>
      %dma_wait3A_190 = arith.constant 0 : i32
      %dma_wait3A_191 = tpu.memref_slice %arg10[%dma_wait3A_190] : memref<640xf32, #tpu.memory_space<vmem>> -> memref<632xf32, #tpu.memory_space<vmem>>
      tpu.wait_dma2 semaphore(%run_scoped3A : memref<!tpu.dma_semaphore, #tpu.memory_space<semaphore_mem>>) src(%dma_wait3A_191 : memref<632xf32, #tpu.memory_space<vmem>>) dst(%dma_wait3A_189 : memref<632xf32, #tpu.memory_space<hbm>>)
      tpu.yield
    }) : () -> ()
    return
  }
}

#map = affine_map<(d0, d1) -> (0, 0)>
#map1 = affine_map<(d0, d1) -> (0)>
#map2 = affine_map<(d0, d1) -> (0, 0, 0)>
module attributes {stable_mosaic.version = 14 : i64} {
  func.func @_edge_kernel(%arg0: i32, %arg1: i32, %arg2: memref<10000x128xf32, #tpu.memory_space<hbm>>, %arg3: memref<320000xi32, #tpu.memory_space<hbm>>, %arg4: memref<320000xi32, #tpu.memory_space<hbm>>, %arg5: memref<2x10112x128xf32, #tpu.memory_space<hbm>>, %arg6: memref<128xi32, #tpu.memory_space<vmem>>, %arg7: memref<128xi32, #tpu.memory_space<vmem>>, %arg8: memref<128xi32, #tpu.memory_space<vmem>>, %arg9: memref<128xi32, #tpu.memory_space<vmem>>, %arg10: memref<128xi32, #tpu.memory_space<vmem>>, %arg11: memref<128xi32, #tpu.memory_space<vmem>>, %arg12: memref<128xi32, #tpu.memory_space<vmem>>, %arg13: memref<128xi32, #tpu.memory_space<vmem>>, %arg14: memref<16xi32, #tpu.memory_space<vmem>>, %arg15: memref<16xi32, #tpu.memory_space<vmem>>, %arg16: memref<128x128xf32, #tpu.memory_space<vmem>>, %arg17: memref<128x128xf32, #tpu.memory_space<vmem>>, %arg18: memref<16x128xf32, #tpu.memory_space<vmem>>, %arg19: memref<10112x128xf32, #tpu.memory_space<vmem_shared>>, %arg20: memref<!tpu.dma_semaphore, #tpu.memory_space<semaphore_mem>>, %arg21: memref<!tpu.dma_semaphore, #tpu.memory_space<semaphore_mem>>, %arg22: memref<!tpu.dma_semaphore, #tpu.memory_space<semaphore_mem>>, %arg23: memref<!tpu.dma_semaphore, #tpu.memory_space<semaphore_mem>>, %arg24: memref<!tpu.dma_semaphore, #tpu.memory_space<semaphore_mem>>, %arg25: memref<!tpu.dma_semaphore, #tpu.memory_space<semaphore_mem>>, %arg26: memref<!tpu.dma_semaphore, #tpu.memory_space<semaphore_mem>>, %arg27: memref<!tpu.dma_semaphore, #tpu.memory_space<semaphore_mem>>, %arg28: memref<!tpu.dma_semaphore, #tpu.memory_space<semaphore_mem>>) attributes {dimension_semantics = [#tpu.dimension_semantics<core_parallel>, #tpu.dimension_semantics<subcore_parallel>], iteration_bounds = array<i64: 2, 16>, scalar_prefetch = 0 : i64, scratch_operands = 23 : i64, tpu.core_type = #tpu.core_type<sc_vector_subcore>, window_params = [{transform_indices = #map}, {transform_indices = #map1}, {transform_indices = #map1}, {transform_indices = #map2}]} {
    %mul3A = arith.constant 2 : i32
    %mul3A_0 = arith.muli %arg1, %mul3A : i32
    %add3A = arith.addi %mul3A_0, %arg0 : i32
    %mul3A_1 = arith.constant 10000 : i32
    %mul3A_2 = arith.muli %add3A, %mul3A_1 : i32
    %mul3A_3 = arith.constant 632 : i32
    %mul3A_4 = arith.muli %arg1, %mul3A_3 : i32
    %add3A_5 = arith.constant 9984 : i32
    %add3A_6 = arith.addi %mul3A_2, %add3A_5 : i32
    %dma_start3A = tpu.memref_slice %arg3[%add3A_6] : memref<320000xi32, #tpu.memory_space<hbm>> -> memref<16xi32, #tpu.memory_space<hbm>>
    %dma_start3A_7 = tpu.memref_slice %arg3[%add3A_6] : memref<320000xi32, #tpu.memory_space<hbm>> -> memref<16xi32, #tpu.memory_space<hbm>>
    tpu.enqueue_dma source(%dma_start3A_7 : memref<16xi32, #tpu.memory_space<hbm>>) target(%arg14 : memref<16xi32, #tpu.memory_space<vmem>>) target_semaphore(%arg28 : memref<!tpu.dma_semaphore, #tpu.memory_space<semaphore_mem>>)
    %add3A_8 = arith.constant 9984 : i32
    %add3A_9 = arith.addi %mul3A_2, %add3A_8 : i32
    %dma_start3A_10 = tpu.memref_slice %arg4[%add3A_9] : memref<320000xi32, #tpu.memory_space<hbm>> -> memref<16xi32, #tpu.memory_space<hbm>>
    %dma_start3A_11 = tpu.memref_slice %arg4[%add3A_9] : memref<320000xi32, #tpu.memory_space<hbm>> -> memref<16xi32, #tpu.memory_space<hbm>>
    tpu.enqueue_dma source(%dma_start3A_11 : memref<16xi32, #tpu.memory_space<hbm>>) target(%arg15 : memref<16xi32, #tpu.memory_space<vmem>>) target_semaphore(%arg28 : memref<!tpu.dma_semaphore, #tpu.memory_space<semaphore_mem>>)
    %add3A_12 = arith.constant 0 : i32
    %add3A_13 = arith.addi %mul3A_2, %add3A_12 : i32
    %dma_start3A_14 = tpu.memref_slice %arg3[%add3A_13] : memref<320000xi32, #tpu.memory_space<hbm>> -> memref<128xi32, #tpu.memory_space<hbm>>
    %dma_start3A_15 = tpu.memref_slice %arg3[%add3A_13] : memref<320000xi32, #tpu.memory_space<hbm>> -> memref<128xi32, #tpu.memory_space<hbm>>
    tpu.enqueue_dma source(%dma_start3A_15 : memref<128xi32, #tpu.memory_space<hbm>>) target(%arg6 : memref<128xi32, #tpu.memory_space<vmem>>) target_semaphore(%arg24 : memref<!tpu.dma_semaphore, #tpu.memory_space<semaphore_mem>>)
    %add3A_16 = arith.constant 0 : i32
    %add3A_17 = arith.addi %mul3A_2, %add3A_16 : i32
    %dma_start3A_18 = tpu.memref_slice %arg4[%add3A_17] : memref<320000xi32, #tpu.memory_space<hbm>> -> memref<128xi32, #tpu.memory_space<hbm>>
    %dma_start3A_19 = tpu.memref_slice %arg4[%add3A_17] : memref<320000xi32, #tpu.memory_space<hbm>> -> memref<128xi32, #tpu.memory_space<hbm>>
    tpu.enqueue_dma source(%dma_start3A_19 : memref<128xi32, #tpu.memory_space<hbm>>) target(%arg10 : memref<128xi32, #tpu.memory_space<vmem>>) target_semaphore(%arg24 : memref<!tpu.dma_semaphore, #tpu.memory_space<semaphore_mem>>)
    %add3A_20 = arith.constant 128 : i32
    %add3A_21 = arith.addi %mul3A_2, %add3A_20 : i32
    %dma_start3A_22 = tpu.memref_slice %arg3[%add3A_21] : memref<320000xi32, #tpu.memory_space<hbm>> -> memref<128xi32, #tpu.memory_space<hbm>>
    %dma_start3A_23 = tpu.memref_slice %arg3[%add3A_21] : memref<320000xi32, #tpu.memory_space<hbm>> -> memref<128xi32, #tpu.memory_space<hbm>>
    tpu.enqueue_dma source(%dma_start3A_23 : memref<128xi32, #tpu.memory_space<hbm>>) target(%arg7 : memref<128xi32, #tpu.memory_space<vmem>>) target_semaphore(%arg25 : memref<!tpu.dma_semaphore, #tpu.memory_space<semaphore_mem>>)
    %add3A_24 = arith.constant 128 : i32
    %add3A_25 = arith.addi %mul3A_2, %add3A_24 : i32
    %dma_start3A_26 = tpu.memref_slice %arg4[%add3A_25] : memref<320000xi32, #tpu.memory_space<hbm>> -> memref<128xi32, #tpu.memory_space<hbm>>
    %dma_start3A_27 = tpu.memref_slice %arg4[%add3A_25] : memref<320000xi32, #tpu.memory_space<hbm>> -> memref<128xi32, #tpu.memory_space<hbm>>
    tpu.enqueue_dma source(%dma_start3A_27 : memref<128xi32, #tpu.memory_space<hbm>>) target(%arg11 : memref<128xi32, #tpu.memory_space<vmem>>) target_semaphore(%arg25 : memref<!tpu.dma_semaphore, #tpu.memory_space<semaphore_mem>>)
    %add3A_28 = arith.constant 256 : i32
    %add3A_29 = arith.addi %mul3A_2, %add3A_28 : i32
    %dma_start3A_30 = tpu.memref_slice %arg3[%add3A_29] : memref<320000xi32, #tpu.memory_space<hbm>> -> memref<128xi32, #tpu.memory_space<hbm>>
    %dma_start3A_31 = tpu.memref_slice %arg3[%add3A_29] : memref<320000xi32, #tpu.memory_space<hbm>> -> memref<128xi32, #tpu.memory_space<hbm>>
    tpu.enqueue_dma source(%dma_start3A_31 : memref<128xi32, #tpu.memory_space<hbm>>) target(%arg8 : memref<128xi32, #tpu.memory_space<vmem>>) target_semaphore(%arg26 : memref<!tpu.dma_semaphore, #tpu.memory_space<semaphore_mem>>)
    %add3A_32 = arith.constant 256 : i32
    %add3A_33 = arith.addi %mul3A_2, %add3A_32 : i32
    %dma_start3A_34 = tpu.memref_slice %arg4[%add3A_33] : memref<320000xi32, #tpu.memory_space<hbm>> -> memref<128xi32, #tpu.memory_space<hbm>>
    %dma_start3A_35 = tpu.memref_slice %arg4[%add3A_33] : memref<320000xi32, #tpu.memory_space<hbm>> -> memref<128xi32, #tpu.memory_space<hbm>>
    tpu.enqueue_dma source(%dma_start3A_35 : memref<128xi32, #tpu.memory_space<hbm>>) target(%arg12 : memref<128xi32, #tpu.memory_space<vmem>>) target_semaphore(%arg26 : memref<!tpu.dma_semaphore, #tpu.memory_space<semaphore_mem>>)
    %add3A_36 = arith.constant 384 : i32
    %add3A_37 = arith.addi %mul3A_2, %add3A_36 : i32
    %dma_start3A_38 = tpu.memref_slice %arg3[%add3A_37] : memref<320000xi32, #tpu.memory_space<hbm>> -> memref<128xi32, #tpu.memory_space<hbm>>
    %dma_start3A_39 = tpu.memref_slice %arg3[%add3A_37] : memref<320000xi32, #tpu.memory_space<hbm>> -> memref<128xi32, #tpu.memory_space<hbm>>
    tpu.enqueue_dma source(%dma_start3A_39 : memref<128xi32, #tpu.memory_space<hbm>>) target(%arg9 : memref<128xi32, #tpu.memory_space<vmem>>) target_semaphore(%arg27 : memref<!tpu.dma_semaphore, #tpu.memory_space<semaphore_mem>>)
    %add3A_40 = arith.constant 384 : i32
    %add3A_41 = arith.addi %mul3A_2, %add3A_40 : i32
    %dma_start3A_42 = tpu.memref_slice %arg4[%add3A_41] : memref<320000xi32, #tpu.memory_space<hbm>> -> memref<128xi32, #tpu.memory_space<hbm>>
    %dma_start3A_43 = tpu.memref_slice %arg4[%add3A_41] : memref<320000xi32, #tpu.memory_space<hbm>> -> memref<128xi32, #tpu.memory_space<hbm>>
    tpu.enqueue_dma source(%dma_start3A_43 : memref<128xi32, #tpu.memory_space<hbm>>) target(%arg13 : memref<128xi32, #tpu.memory_space<vmem>>) target_semaphore(%arg27 : memref<!tpu.dma_semaphore, #tpu.memory_space<semaphore_mem>>)
    %dma_wait3A = arith.constant 0 : i32
    %dma_wait3A_44 = tpu.memref_slice %arg3[%dma_wait3A] : memref<320000xi32, #tpu.memory_space<hbm>> -> memref<128xi32, #tpu.memory_space<hbm>>
    %dma_wait3A_45 = arith.constant 0 : i32
    %dma_wait3A_46 = tpu.memref_slice %arg3[%dma_wait3A_45] : memref<320000xi32, #tpu.memory_space<hbm>> -> memref<128xi32, #tpu.memory_space<hbm>>
    tpu.wait_dma2 semaphore(%arg24 : memref<!tpu.dma_semaphore, #tpu.memory_space<semaphore_mem>>) src(%dma_wait3A_46 : memref<128xi32, #tpu.memory_space<hbm>>) dst(%arg6 : memref<128xi32, #tpu.memory_space<vmem>>)
    %dma_wait3A_47 = arith.constant 0 : i32
    %dma_wait3A_48 = tpu.memref_slice %arg4[%dma_wait3A_47] : memref<320000xi32, #tpu.memory_space<hbm>> -> memref<128xi32, #tpu.memory_space<hbm>>
    %dma_wait3A_49 = arith.constant 0 : i32
    %dma_wait3A_50 = tpu.memref_slice %arg4[%dma_wait3A_49] : memref<320000xi32, #tpu.memory_space<hbm>> -> memref<128xi32, #tpu.memory_space<hbm>>
    tpu.wait_dma2 semaphore(%arg24 : memref<!tpu.dma_semaphore, #tpu.memory_space<semaphore_mem>>) src(%dma_wait3A_50 : memref<128xi32, #tpu.memory_space<hbm>>) dst(%arg10 : memref<128xi32, #tpu.memory_space<vmem>>)
    %dma_start3A_51 = arith.constant 0 : i32
    %dma_start3A_52 = arith.constant 0 : i32
    %dma_start3A_53 = tpu.memref_slice %arg2[%dma_start3A_51, %dma_start3A_52] : memref<10000x128xf32, #tpu.memory_space<hbm>> -> memref<10000x128xf32, #tpu.memory_space<hbm>>
    tpu.enqueue_indirect_dma source(%dma_start3A_53 : memref<10000x128xf32, #tpu.memory_space<hbm>>) target(%arg16 : memref<128x128xf32, #tpu.memory_space<vmem>>) offsets(%arg6 : memref<128xi32, #tpu.memory_space<vmem>>) semaphore(%arg20 : memref<!tpu.dma_semaphore, #tpu.memory_space<semaphore_mem>>)
    %broadcast_in_dim3A = arith.constant 0.000000e+00 : f32
    %broadcast_in_dim3A_54 = vector.broadcast %broadcast_in_dim3A : f32 to vector<16xf32>
    %scan3A = arith.constant 0 : i32
    %scan3A_55 = arith.constant 0 : i32
    %scan3A_56 = arith.constant 128 : i32
    %scan3A_57 = arith.addi %scan3A_55, %scan3A_56 : i32
    %scan3A_58 = arith.constant 1 : i32
    scf.for %scan3A_346 = %scan3A_55 to %scan3A_57 step %scan3A_58  : i32 {
      %swap3A = arith.index_cast %scan3A_346 : i32 to index
      %swap3A_347 = arith.constant 0 : index
      %swap3A_348 = tpu.vector_load %arg17[%swap3A, %swap3A_347] {strides = array<i32>} : memref<128x128xf32, #tpu.memory_space<vmem>>, vector<1x16xf32>,
      %swap3A_349 = vector.shape_cast %swap3A_348 : vector<1x16xf32> to vector<16xf32>
      %swap3A_350 = vector.shape_cast %broadcast_in_dim3A_54 : vector<16xf32> to vector<1x16xf32>
      tpu.vector_store %arg17[%swap3A, %swap3A_347], %swap3A_350 {strides = array<i32>} : memref<128x128xf32, #tpu.memory_space<vmem>>, vector<1x16xf32>,
      %swap3A_351 = arith.index_cast %scan3A_346 : i32 to index
      %swap3A_352 = arith.constant 16 : index
      %swap3A_353 = tpu.vector_load %arg17[%swap3A_351, %swap3A_352] {strides = array<i32>} : memref<128x128xf32, #tpu.memory_space<vmem>>, vector<1x16xf32>,
      %swap3A_354 = vector.shape_cast %swap3A_353 : vector<1x16xf32> to vector<16xf32>
      %swap3A_355 = vector.shape_cast %broadcast_in_dim3A_54 : vector<16xf32> to vector<1x16xf32>
      tpu.vector_store %arg17[%swap3A_351, %swap3A_352], %swap3A_355 {strides = array<i32>} : memref<128x128xf32, #tpu.memory_space<vmem>>, vector<1x16xf32>,
      %swap3A_356 = arith.index_cast %scan3A_346 : i32 to index
      %swap3A_357 = arith.constant 32 : index
      %swap3A_358 = tpu.vector_load %arg17[%swap3A_356, %swap3A_357] {strides = array<i32>} : memref<128x128xf32, #tpu.memory_space<vmem>>, vector<1x16xf32>,
      %swap3A_359 = vector.shape_cast %swap3A_358 : vector<1x16xf32> to vector<16xf32>
      %swap3A_360 = vector.shape_cast %broadcast_in_dim3A_54 : vector<16xf32> to vector<1x16xf32>
      tpu.vector_store %arg17[%swap3A_356, %swap3A_357], %swap3A_360 {strides = array<i32>} : memref<128x128xf32, #tpu.memory_space<vmem>>, vector<1x16xf32>,
      %swap3A_361 = arith.index_cast %scan3A_346 : i32 to index
      %swap3A_362 = arith.constant 48 : index
      %swap3A_363 = tpu.vector_load %arg17[%swap3A_361, %swap3A_362] {strides = array<i32>} : memref<128x128xf32, #tpu.memory_space<vmem>>, vector<1x16xf32>,
      %swap3A_364 = vector.shape_cast %swap3A_363 : vector<1x16xf32> to vector<16xf32>
      %swap3A_365 = vector.shape_cast %broadcast_in_dim3A_54 : vector<16xf32> to vector<1x16xf32>
      tpu.vector_store %arg17[%swap3A_361, %swap3A_362], %swap3A_365 {strides = array<i32>} : memref<128x128xf32, #tpu.memory_space<vmem>>, vector<1x16xf32>,
      %swap3A_366 = arith.index_cast %scan3A_346 : i32 to index
      %swap3A_367 = arith.constant 64 : index
      %swap3A_368 = tpu.vector_load %arg17[%swap3A_366, %swap3A_367] {strides = array<i32>} : memref<128x128xf32, #tpu.memory_space<vmem>>, vector<1x16xf32>,
      %swap3A_369 = vector.shape_cast %swap3A_368 : vector<1x16xf32> to vector<16xf32>
      %swap3A_370 = vector.shape_cast %broadcast_in_dim3A_54 : vector<16xf32> to vector<1x16xf32>
      tpu.vector_store %arg17[%swap3A_366, %swap3A_367], %swap3A_370 {strides = array<i32>} : memref<128x128xf32, #tpu.memory_space<vmem>>, vector<1x16xf32>,
      %swap3A_371 = arith.index_cast %scan3A_346 : i32 to index
      %swap3A_372 = arith.constant 80 : index
      %swap3A_373 = tpu.vector_load %arg17[%swap3A_371, %swap3A_372] {strides = array<i32>} : memref<128x128xf32, #tpu.memory_space<vmem>>, vector<1x16xf32>,
      %swap3A_374 = vector.shape_cast %swap3A_373 : vector<1x16xf32> to vector<16xf32>
      %swap3A_375 = vector.shape_cast %broadcast_in_dim3A_54 : vector<16xf32> to vector<1x16xf32>
      tpu.vector_store %arg17[%swap3A_371, %swap3A_372], %swap3A_375 {strides = array<i32>} : memref<128x128xf32, #tpu.memory_space<vmem>>, vector<1x16xf32>,
      %swap3A_376 = arith.index_cast %scan3A_346 : i32 to index
      %swap3A_377 = arith.constant 96 : index
      %swap3A_378 = tpu.vector_load %arg17[%swap3A_376, %swap3A_377] {strides = array<i32>} : memref<128x128xf32, #tpu.memory_space<vmem>>, vector<1x16xf32>,
      %swap3A_379 = vector.shape_cast %swap3A_378 : vector<1x16xf32> to vector<16xf32>
      %swap3A_380 = vector.shape_cast %broadcast_in_dim3A_54 : vector<16xf32> to vector<1x16xf32>
      tpu.vector_store %arg17[%swap3A_376, %swap3A_377], %swap3A_380 {strides = array<i32>} : memref<128x128xf32, #tpu.memory_space<vmem>>, vector<1x16xf32>,
      %swap3A_381 = arith.index_cast %scan3A_346 : i32 to index
      %swap3A_382 = arith.constant 112 : index
      %swap3A_383 = tpu.vector_load %arg17[%swap3A_381, %swap3A_382] {strides = array<i32>} : memref<128x128xf32, #tpu.memory_space<vmem>>, vector<1x16xf32>,
      %swap3A_384 = vector.shape_cast %swap3A_383 : vector<1x16xf32> to vector<16xf32>
      %swap3A_385 = vector.shape_cast %broadcast_in_dim3A_54 : vector<16xf32> to vector<1x16xf32>
      tpu.vector_store %arg17[%swap3A_381, %swap3A_382], %swap3A_385 {strides = array<i32>} : memref<128x128xf32, #tpu.memory_space<vmem>>, vector<1x16xf32>,
    }
    %scan3A_59 = arith.constant 128 : i32
    %add3A_60 = arith.constant 0 : i32
    %add3A_61 = arith.addi %mul3A_4, %add3A_60 : i32
    "tpu.region"() ({
      %run_scoped3A = tpu.sem_alloc : memref<!tpu.dma_semaphore, #tpu.memory_space<semaphore_mem>>
      %dma_start3A_346 = arith.constant 0 : i32
      %dma_start3A_347 = tpu.memref_slice %arg19[%add3A_61, %dma_start3A_346] : memref<10112x128xf32, #tpu.memory_space<vmem_shared>> -> memref<128x128xf32, #tpu.memory_space<vmem_shared>>
      %dma_start3A_348 = arith.constant 0 : i32
      %dma_start3A_349 = tpu.memref_slice %arg19[%add3A_61, %dma_start3A_348] : memref<10112x128xf32, #tpu.memory_space<vmem_shared>> -> memref<128x128xf32, #tpu.memory_space<vmem_shared>>
      tpu.enqueue_dma source(%arg17 : memref<128x128xf32, #tpu.memory_space<vmem>>) target(%dma_start3A_349 : memref<128x128xf32, #tpu.memory_space<vmem_shared>>) target_semaphore(%run_scoped3A : memref<!tpu.dma_semaphore, #tpu.memory_space<semaphore_mem>>)
      %dma_wait3A_350 = arith.constant 0 : i32
      %dma_wait3A_351 = tpu.memref_slice %arg19[%add3A_61, %dma_wait3A_350] : memref<10112x128xf32, #tpu.memory_space<vmem_shared>> -> memref<128x128xf32, #tpu.memory_space<vmem_shared>>
      %dma_wait3A_352 = arith.constant 0 : i32
      %dma_wait3A_353 = tpu.memref_slice %arg19[%add3A_61, %dma_wait3A_352] : memref<10112x128xf32, #tpu.memory_space<vmem_shared>> -> memref<128x128xf32, #tpu.memory_space<vmem_shared>>
      tpu.wait_dma2 semaphore(%run_scoped3A : memref<!tpu.dma_semaphore, #tpu.memory_space<semaphore_mem>>) src(%arg17 : memref<128x128xf32, #tpu.memory_space<vmem>>) dst(%dma_wait3A_353 : memref<128x128xf32, #tpu.memory_space<vmem_shared>>)
      tpu.yield
    }) : () -> ()
    %add3A_62 = arith.constant 128 : i32
    %add3A_63 = arith.addi %mul3A_4, %add3A_62 : i32
    "tpu.region"() ({
      %run_scoped3A = tpu.sem_alloc : memref<!tpu.dma_semaphore, #tpu.memory_space<semaphore_mem>>
      %dma_start3A_346 = arith.constant 0 : i32
      %dma_start3A_347 = tpu.memref_slice %arg19[%add3A_63, %dma_start3A_346] : memref<10112x128xf32, #tpu.memory_space<vmem_shared>> -> memref<128x128xf32, #tpu.memory_space<vmem_shared>>
      %dma_start3A_348 = arith.constant 0 : i32
      %dma_start3A_349 = tpu.memref_slice %arg19[%add3A_63, %dma_start3A_348] : memref<10112x128xf32, #tpu.memory_space<vmem_shared>> -> memref<128x128xf32, #tpu.memory_space<vmem_shared>>
      tpu.enqueue_dma source(%arg17 : memref<128x128xf32, #tpu.memory_space<vmem>>) target(%dma_start3A_349 : memref<128x128xf32, #tpu.memory_space<vmem_shared>>) target_semaphore(%run_scoped3A : memref<!tpu.dma_semaphore, #tpu.memory_space<semaphore_mem>>)
      %dma_wait3A_350 = arith.constant 0 : i32
      %dma_wait3A_351 = tpu.memref_slice %arg19[%add3A_63, %dma_wait3A_350] : memref<10112x128xf32, #tpu.memory_space<vmem_shared>> -> memref<128x128xf32, #tpu.memory_space<vmem_shared>>
      %dma_wait3A_352 = arith.constant 0 : i32
      %dma_wait3A_353 = tpu.memref_slice %arg19[%add3A_63, %dma_wait3A_352] : memref<10112x128xf32, #tpu.memory_space<vmem_shared>> -> memref<128x128xf32, #tpu.memory_space<vmem_shared>>
      tpu.wait_dma2 semaphore(%run_scoped3A : memref<!tpu.dma_semaphore, #tpu.memory_space<semaphore_mem>>) src(%arg17 : memref<128x128xf32, #tpu.memory_space<vmem>>) dst(%dma_wait3A_353 : memref<128x128xf32, #tpu.memory_space<vmem_shared>>)
      tpu.yield
    }) : () -> ()
    %add3A_64 = arith.constant 256 : i32
    %add3A_65 = arith.addi %mul3A_4, %add3A_64 : i32
    "tpu.region"() ({
      %run_scoped3A = tpu.sem_alloc : memref<!tpu.dma_semaphore, #tpu.memory_space<semaphore_mem>>
      %dma_start3A_346 = arith.constant 0 : i32
      %dma_start3A_347 = tpu.memref_slice %arg19[%add3A_65, %dma_start3A_346] : memref<10112x128xf32, #tpu.memory_space<vmem_shared>> -> memref<128x128xf32, #tpu.memory_space<vmem_shared>>
      %dma_start3A_348 = arith.constant 0 : i32
      %dma_start3A_349 = tpu.memref_slice %arg19[%add3A_65, %dma_start3A_348] : memref<10112x128xf32, #tpu.memory_space<vmem_shared>> -> memref<128x128xf32, #tpu.memory_space<vmem_shared>>
      tpu.enqueue_dma source(%arg17 : memref<128x128xf32, #tpu.memory_space<vmem>>) target(%dma_start3A_349 : memref<128x128xf32, #tpu.memory_space<vmem_shared>>) target_semaphore(%run_scoped3A : memref<!tpu.dma_semaphore, #tpu.memory_space<semaphore_mem>>)
      %dma_wait3A_350 = arith.constant 0 : i32
      %dma_wait3A_351 = tpu.memref_slice %arg19[%add3A_65, %dma_wait3A_350] : memref<10112x128xf32, #tpu.memory_space<vmem_shared>> -> memref<128x128xf32, #tpu.memory_space<vmem_shared>>
      %dma_wait3A_352 = arith.constant 0 : i32
      %dma_wait3A_353 = tpu.memref_slice %arg19[%add3A_65, %dma_wait3A_352] : memref<10112x128xf32, #tpu.memory_space<vmem_shared>> -> memref<128x128xf32, #tpu.memory_space<vmem_shared>>
      tpu.wait_dma2 semaphore(%run_scoped3A : memref<!tpu.dma_semaphore, #tpu.memory_space<semaphore_mem>>) src(%arg17 : memref<128x128xf32, #tpu.memory_space<vmem>>) dst(%dma_wait3A_353 : memref<128x128xf32, #tpu.memory_space<vmem_shared>>)
      tpu.yield
    }) : () -> ()
    %add3A_66 = arith.constant 384 : i32
    %add3A_67 = arith.addi %mul3A_4, %add3A_66 : i32
    "tpu.region"() ({
      %run_scoped3A = tpu.sem_alloc : memref<!tpu.dma_semaphore, #tpu.memory_space<semaphore_mem>>
      %dma_start3A_346 = arith.constant 0 : i32
      %dma_start3A_347 = tpu.memref_slice %arg19[%add3A_67, %dma_start3A_346] : memref<10112x128xf32, #tpu.memory_space<vmem_shared>> -> memref<128x128xf32, #tpu.memory_space<vmem_shared>>
      %dma_start3A_348 = arith.constant 0 : i32
      %dma_start3A_349 = tpu.memref_slice %arg19[%add3A_67, %dma_start3A_348] : memref<10112x128xf32, #tpu.memory_space<vmem_shared>> -> memref<128x128xf32, #tpu.memory_space<vmem_shared>>
      tpu.enqueue_dma source(%arg17 : memref<128x128xf32, #tpu.memory_space<vmem>>) target(%dma_start3A_349 : memref<128x128xf32, #tpu.memory_space<vmem_shared>>) target_semaphore(%run_scoped3A : memref<!tpu.dma_semaphore, #tpu.memory_space<semaphore_mem>>)
      %dma_wait3A_350 = arith.constant 0 : i32
      %dma_wait3A_351 = tpu.memref_slice %arg19[%add3A_67, %dma_wait3A_350] : memref<10112x128xf32, #tpu.memory_space<vmem_shared>> -> memref<128x128xf32, #tpu.memory_space<vmem_shared>>
      %dma_wait3A_352 = arith.constant 0 : i32
      %dma_wait3A_353 = tpu.memref_slice %arg19[%add3A_67, %dma_wait3A_352] : memref<10112x128xf32, #tpu.memory_space<vmem_shared>> -> memref<128x128xf32, #tpu.memory_space<vmem_shared>>
      tpu.wait_dma2 semaphore(%run_scoped3A : memref<!tpu.dma_semaphore, #tpu.memory_space<semaphore_mem>>) src(%arg17 : memref<128x128xf32, #tpu.memory_space<vmem>>) dst(%dma_wait3A_353 : memref<128x128xf32, #tpu.memory_space<vmem_shared>>)
      tpu.yield
    }) : () -> ()
    %add3A_68 = arith.constant 512 : i32
    %add3A_69 = arith.addi %mul3A_4, %add3A_68 : i32
    "tpu.region"() ({
      %run_scoped3A = tpu.sem_alloc : memref<!tpu.dma_semaphore, #tpu.memory_space<semaphore_mem>>
      %dma_start3A_346 = arith.constant 0 : i32
      %dma_start3A_347 = arith.constant 0 : i32
      %dma_start3A_348 = tpu.memref_slice %arg17[%dma_start3A_346, %dma_start3A_347] : memref<128x128xf32, #tpu.memory_space<vmem>> -> memref<120x128xf32, #tpu.memory_space<vmem>>
      %dma_start3A_349 = arith.constant 0 : i32
      %dma_start3A_350 = tpu.memref_slice %arg19[%add3A_69, %dma_start3A_349] : memref<10112x128xf32, #tpu.memory_space<vmem_shared>> -> memref<120x128xf32, #tpu.memory_space<vmem_shared>>
      %dma_start3A_351 = arith.constant 0 : i32
      %dma_start3A_352 = tpu.memref_slice %arg19[%add3A_69, %dma_start3A_351] : memref<10112x128xf32, #tpu.memory_space<vmem_shared>> -> memref<120x128xf32, #tpu.memory_space<vmem_shared>>
      %dma_start3A_353 = arith.constant 0 : i32
      %dma_start3A_354 = arith.constant 0 : i32
      %dma_start3A_355 = tpu.memref_slice %arg17[%dma_start3A_353, %dma_start3A_354] : memref<128x128xf32, #tpu.memory_space<vmem>> -> memref<120x128xf32, #tpu.memory_space<vmem>>
      tpu.enqueue_dma source(%dma_start3A_355 : memref<120x128xf32, #tpu.memory_space<vmem>>) target(%dma_start3A_352 : memref<120x128xf32, #tpu.memory_space<vmem_shared>>) target_semaphore(%run_scoped3A : memref<!tpu.dma_semaphore, #tpu.memory_space<semaphore_mem>>)
      %dma_wait3A_356 = arith.constant 0 : i32
      %dma_wait3A_357 = arith.constant 0 : i32
      %dma_wait3A_358 = tpu.memref_slice %arg17[%dma_wait3A_356, %dma_wait3A_357] : memref<128x128xf32, #tpu.memory_space<vmem>> -> memref<120x128xf32, #tpu.memory_space<vmem>>
      %dma_wait3A_359 = arith.constant 0 : i32
      %dma_wait3A_360 = tpu.memref_slice %arg19[%add3A_69, %dma_wait3A_359] : memref<10112x128xf32, #tpu.memory_space<vmem_shared>> -> memref<120x128xf32, #tpu.memory_space<vmem_shared>>
      %dma_wait3A_361 = arith.constant 0 : i32
      %dma_wait3A_362 = tpu.memref_slice %arg19[%add3A_69, %dma_wait3A_361] : memref<10112x128xf32, #tpu.memory_space<vmem_shared>> -> memref<120x128xf32, #tpu.memory_space<vmem_shared>>
      %dma_wait3A_363 = arith.constant 0 : i32
      %dma_wait3A_364 = arith.constant 0 : i32
      %dma_wait3A_365 = tpu.memref_slice %arg17[%dma_wait3A_363, %dma_wait3A_364] : memref<128x128xf32, #tpu.memory_space<vmem>> -> memref<120x128xf32, #tpu.memory_space<vmem>>
      tpu.wait_dma2 semaphore(%run_scoped3A : memref<!tpu.dma_semaphore, #tpu.memory_space<semaphore_mem>>) src(%dma_wait3A_365 : memref<120x128xf32, #tpu.memory_space<vmem>>) dst(%dma_wait3A_362 : memref<120x128xf32, #tpu.memory_space<vmem_shared>>)
      tpu.yield
    }) : () -> ()
    %barrier3A = arith.constant 0 : index
    tpu.barrier barrier_id(%barrier3A)
    %dma_wait3A_70 = arith.constant 0 : i32
    %dma_wait3A_71 = arith.constant 0 : i32
    %dma_wait3A_72 = tpu.memref_slice %arg2[%dma_wait3A_70, %dma_wait3A_71] : memref<10000x128xf32, #tpu.memory_space<hbm>> -> memref<10000x128xf32, #tpu.memory_space<hbm>>
    tpu.wait_indirect_dma semaphore(%arg20 : memref<!tpu.dma_semaphore, #tpu.memory_space<semaphore_mem>>) src(%dma_wait3A_72 : memref<10000x128xf32, #tpu.memory_space<hbm>>) dst(%arg16 : memref<128x128xf32, #tpu.memory_space<vmem>>)
    %dma_start3A_73 = arith.constant 0 : i32
    %dma_start3A_74 = arith.constant 0 : i32
    %dma_start3A_75 = tpu.memref_slice %arg19[%dma_start3A_73, %dma_start3A_74] : memref<10112x128xf32, #tpu.memory_space<vmem_shared>> -> memref<10112x128xf32, #tpu.memory_space<vmem_shared>>
    tpu.enqueue_indirect_dma source(%arg16 : memref<128x128xf32, #tpu.memory_space<vmem>>) target(%dma_start3A_75 : memref<10112x128xf32, #tpu.memory_space<vmem_shared>>) offsets(%arg10 : memref<128xi32, #tpu.memory_space<vmem>>) semaphore(%arg22 : memref<!tpu.dma_semaphore, #tpu.memory_space<semaphore_mem>>) {add = true}
    %dma_wait3A_76 = arith.constant 0 : i32
    %dma_wait3A_77 = tpu.memref_slice %arg3[%dma_wait3A_76] : memref<320000xi32, #tpu.memory_space<hbm>> -> memref<128xi32, #tpu.memory_space<hbm>>
    %dma_wait3A_78 = arith.constant 0 : i32
    %dma_wait3A_79 = tpu.memref_slice %arg3[%dma_wait3A_78] : memref<320000xi32, #tpu.memory_space<hbm>> -> memref<128xi32, #tpu.memory_space<hbm>>
    tpu.wait_dma2 semaphore(%arg25 : memref<!tpu.dma_semaphore, #tpu.memory_space<semaphore_mem>>) src(%dma_wait3A_79 : memref<128xi32, #tpu.memory_space<hbm>>) dst(%arg7 : memref<128xi32, #tpu.memory_space<vmem>>)
    %dma_wait3A_80 = arith.constant 0 : i32
    %dma_wait3A_81 = tpu.memref_slice %arg4[%dma_wait3A_80] : memref<320000xi32, #tpu.memory_space<hbm>> -> memref<128xi32, #tpu.memory_space<hbm>>
    %dma_wait3A_82 = arith.constant 0 : i32
    %dma_wait3A_83 = tpu.memref_slice %arg4[%dma_wait3A_82] : memref<320000xi32, #tpu.memory_space<hbm>> -> memref<128xi32, #tpu.memory_space<hbm>>
    tpu.wait_dma2 semaphore(%arg25 : memref<!tpu.dma_semaphore, #tpu.memory_space<semaphore_mem>>) src(%dma_wait3A_83 : memref<128xi32, #tpu.memory_space<hbm>>) dst(%arg11 : memref<128xi32, #tpu.memory_space<vmem>>)
    %dma_start3A_84 = arith.constant 0 : i32
    %dma_start3A_85 = arith.constant 0 : i32
    %dma_start3A_86 = tpu.memref_slice %arg2[%dma_start3A_84, %dma_start3A_85] : memref<10000x128xf32, #tpu.memory_space<hbm>> -> memref<10000x128xf32, #tpu.memory_space<hbm>>
    tpu.enqueue_indirect_dma source(%dma_start3A_86 : memref<10000x128xf32, #tpu.memory_space<hbm>>) target(%arg17 : memref<128x128xf32, #tpu.memory_space<vmem>>) offsets(%arg7 : memref<128xi32, #tpu.memory_space<vmem>>) semaphore(%arg21 : memref<!tpu.dma_semaphore, #tpu.memory_space<semaphore_mem>>)
    %dma_wait3A_87 = arith.constant 0 : i32
    %dma_wait3A_88 = arith.constant 0 : i32
    %dma_wait3A_89 = tpu.memref_slice %arg2[%dma_wait3A_87, %dma_wait3A_88] : memref<10000x128xf32, #tpu.memory_space<hbm>> -> memref<10000x128xf32, #tpu.memory_space<hbm>>
    tpu.wait_indirect_dma semaphore(%arg21 : memref<!tpu.dma_semaphore, #tpu.memory_space<semaphore_mem>>) src(%dma_wait3A_89 : memref<10000x128xf32, #tpu.memory_space<hbm>>) dst(%arg17 : memref<128x128xf32, #tpu.memory_space<vmem>>)
    %dma_start3A_90 = arith.constant 0 : i32
    %dma_start3A_91 = arith.constant 0 : i32
    %dma_start3A_92 = tpu.memref_slice %arg19[%dma_start3A_90, %dma_start3A_91] : memref<10112x128xf32, #tpu.memory_space<vmem_shared>> -> memref<10112x128xf32, #tpu.memory_space<vmem_shared>>
    tpu.enqueue_indirect_dma source(%arg17 : memref<128x128xf32, #tpu.memory_space<vmem>>) target(%dma_start3A_92 : memref<10112x128xf32, #tpu.memory_space<vmem_shared>>) offsets(%arg11 : memref<128xi32, #tpu.memory_space<vmem>>) semaphore(%arg23 : memref<!tpu.dma_semaphore, #tpu.memory_space<semaphore_mem>>) {add = true}
    %dma_wait3A_93 = arith.constant 0 : i32
    %dma_wait3A_94 = arith.constant 0 : i32
    %dma_wait3A_95 = tpu.memref_slice %arg19[%dma_wait3A_93, %dma_wait3A_94] : memref<10112x128xf32, #tpu.memory_space<vmem_shared>> -> memref<10112x128xf32, #tpu.memory_space<vmem_shared>>
    tpu.wait_indirect_dma semaphore(%arg22 : memref<!tpu.dma_semaphore, #tpu.memory_space<semaphore_mem>>) src(%arg16 : memref<128x128xf32, #tpu.memory_space<vmem>>) dst(%dma_wait3A_95 : memref<10112x128xf32, #tpu.memory_space<vmem_shared>>)
    %add3A_96 = arith.constant 512 : i32
    %add3A_97 = arith.addi %mul3A_2, %add3A_96 : i32
    %dma_start3A_98 = tpu.memref_slice %arg3[%add3A_97] : memref<320000xi32, #tpu.memory_space<hbm>> -> memref<128xi32, #tpu.memory_space<hbm>>
    %dma_start3A_99 = tpu.memref_slice %arg3[%add3A_97] : memref<320000xi32, #tpu.memory_space<hbm>> -> memref<128xi32, #tpu.memory_space<hbm>>
    tpu.enqueue_dma source(%dma_start3A_99 : memref<128xi32, #tpu.memory_space<hbm>>) target(%arg6 : memref<128xi32, #tpu.memory_space<vmem>>) target_semaphore(%arg24 : memref<!tpu.dma_semaphore, #tpu.memory_space<semaphore_mem>>)
    %add3A_100 = arith.constant 512 : i32
    %add3A_101 = arith.addi %mul3A_2, %add3A_100 : i32
    %dma_start3A_102 = tpu.memref_slice %arg4[%add3A_101] : memref<320000xi32, #tpu.memory_space<hbm>> -> memref<128xi32, #tpu.memory_space<hbm>>
    %dma_start3A_103 = tpu.memref_slice %arg4[%add3A_101] : memref<320000xi32, #tpu.memory_space<hbm>> -> memref<128xi32, #tpu.memory_space<hbm>>
    tpu.enqueue_dma source(%dma_start3A_103 : memref<128xi32, #tpu.memory_space<hbm>>) target(%arg10 : memref<128xi32, #tpu.memory_space<vmem>>) target_semaphore(%arg24 : memref<!tpu.dma_semaphore, #tpu.memory_space<semaphore_mem>>)
    %dma_wait3A_104 = arith.constant 0 : i32
    %dma_wait3A_105 = tpu.memref_slice %arg3[%dma_wait3A_104] : memref<320000xi32, #tpu.memory_space<hbm>> -> memref<128xi32, #tpu.memory_space<hbm>>
    %dma_wait3A_106 = arith.constant 0 : i32
    %dma_wait3A_107 = tpu.memref_slice %arg3[%dma_wait3A_106] : memref<320000xi32, #tpu.memory_space<hbm>> -> memref<128xi32, #tpu.memory_space<hbm>>
    tpu.wait_dma2 semaphore(%arg26 : memref<!tpu.dma_semaphore, #tpu.memory_space<semaphore_mem>>) src(%dma_wait3A_107 : memref<128xi32, #tpu.memory_space<hbm>>) dst(%arg8 : memref<128xi32, #tpu.memory_space<vmem>>)
    %dma_wait3A_108 = arith.constant 0 : i32
    %dma_wait3A_109 = tpu.memref_slice %arg4[%dma_wait3A_108] : memref<320000xi32, #tpu.memory_space<hbm>> -> memref<128xi32, #tpu.memory_space<hbm>>
    %dma_wait3A_110 = arith.constant 0 : i32
    %dma_wait3A_111 = tpu.memref_slice %arg4[%dma_wait3A_110] : memref<320000xi32, #tpu.memory_space<hbm>> -> memref<128xi32, #tpu.memory_space<hbm>>
    tpu.wait_dma2 semaphore(%arg26 : memref<!tpu.dma_semaphore, #tpu.memory_space<semaphore_mem>>) src(%dma_wait3A_111 : memref<128xi32, #tpu.memory_space<hbm>>) dst(%arg12 : memref<128xi32, #tpu.memory_space<vmem>>)
    %dma_start3A_112 = arith.constant 0 : i32
    %dma_start3A_113 = arith.constant 0 : i32
    %dma_start3A_114 = tpu.memref_slice %arg2[%dma_start3A_112, %dma_start3A_113] : memref<10000x128xf32, #tpu.memory_space<hbm>> -> memref<10000x128xf32, #tpu.memory_space<hbm>>
    tpu.enqueue_indirect_dma source(%dma_start3A_114 : memref<10000x128xf32, #tpu.memory_space<hbm>>) target(%arg16 : memref<128x128xf32, #tpu.memory_space<vmem>>) offsets(%arg8 : memref<128xi32, #tpu.memory_space<vmem>>) semaphore(%arg20 : memref<!tpu.dma_semaphore, #tpu.memory_space<semaphore_mem>>)
    %scan3A_115 = arith.constant 0 : i32
    %scan3A_116 = arith.constant 0 : i32
    %scan3A_117 = arith.constant 17 : i32
    %scan3A_118 = arith.addi %scan3A_116, %scan3A_117 : i32
    %scan3A_119 = arith.constant 1 : i32
    scf.for %scan3A_346 = %scan3A_116 to %scan3A_118 step %scan3A_119  : i32 {
      %mul3A_347 = arith.constant 4 : i32
      %mul3A_348 = arith.muli %scan3A_346, %mul3A_347 : i32
      %add3A_349 = arith.constant 2 : i32
      %add3A_350 = arith.addi %mul3A_348, %add3A_349 : i32
      %add3A_351 = arith.constant 0 : i32
      %add3A_352 = arith.addi %add3A_350, %add3A_351 : i32
      %dma_wait3A_353 = arith.constant 0 : i32
      %dma_wait3A_354 = arith.constant 0 : i32
      %dma_wait3A_355 = tpu.memref_slice %arg2[%dma_wait3A_353, %dma_wait3A_354] : memref<10000x128xf32, #tpu.memory_space<hbm>> -> memref<10000x128xf32, #tpu.memory_space<hbm>>
      tpu.wait_indirect_dma semaphore(%arg20 : memref<!tpu.dma_semaphore, #tpu.memory_space<semaphore_mem>>) src(%dma_wait3A_355 : memref<10000x128xf32, #tpu.memory_space<hbm>>) dst(%arg16 : memref<128x128xf32, #tpu.memory_space<vmem>>)
      %dma_start3A_356 = arith.constant 0 : i32
      %dma_start3A_357 = arith.constant 0 : i32
      %dma_start3A_358 = tpu.memref_slice %arg19[%dma_start3A_356, %dma_start3A_357] : memref<10112x128xf32, #tpu.memory_space<vmem_shared>> -> memref<10112x128xf32, #tpu.memory_space<vmem_shared>>
      tpu.enqueue_indirect_dma source(%arg16 : memref<128x128xf32, #tpu.memory_space<vmem>>) target(%dma_start3A_358 : memref<10112x128xf32, #tpu.memory_space<vmem_shared>>) offsets(%arg12 : memref<128xi32, #tpu.memory_space<vmem>>) semaphore(%arg22 : memref<!tpu.dma_semaphore, #tpu.memory_space<semaphore_mem>>) {add = true}
      %dma_wait3A_359 = arith.constant 0 : i32
      %dma_wait3A_360 = arith.constant 0 : i32
      %dma_wait3A_361 = tpu.memref_slice %arg19[%dma_wait3A_359, %dma_wait3A_360] : memref<10112x128xf32, #tpu.memory_space<vmem_shared>> -> memref<10112x128xf32, #tpu.memory_space<vmem_shared>>
      tpu.wait_indirect_dma semaphore(%arg23 : memref<!tpu.dma_semaphore, #tpu.memory_space<semaphore_mem>>) src(%arg16 : memref<128x128xf32, #tpu.memory_space<vmem>>) dst(%dma_wait3A_361 : memref<10112x128xf32, #tpu.memory_space<vmem_shared>>)
      %add3A_362 = arith.constant 3 : i32
      %add3A_363 = arith.addi %add3A_352, %add3A_362 : i32
      %mul3A_364 = arith.constant 128 : i32
      %mul3A_365 = arith.muli %add3A_363, %mul3A_364 : i32
      %add3A_366 = arith.addi %mul3A_2, %mul3A_365 : i32
      %dma_start3A_367 = tpu.memref_slice %arg3[%add3A_366] : memref<320000xi32, #tpu.memory_space<hbm>> -> memref<128xi32, #tpu.memory_space<hbm>>
      %dma_start3A_368 = tpu.memref_slice %arg3[%add3A_366] : memref<320000xi32, #tpu.memory_space<hbm>> -> memref<128xi32, #tpu.memory_space<hbm>>
      tpu.enqueue_dma source(%dma_start3A_368 : memref<128xi32, #tpu.memory_space<hbm>>) target(%arg7 : memref<128xi32, #tpu.memory_space<vmem>>) target_semaphore(%arg25 : memref<!tpu.dma_semaphore, #tpu.memory_space<semaphore_mem>>)
      %mul3A_369 = arith.constant 128 : i32
      %mul3A_370 = arith.muli %add3A_363, %mul3A_369 : i32
      %add3A_371 = arith.addi %mul3A_2, %mul3A_370 : i32
      %dma_start3A_372 = tpu.memref_slice %arg4[%add3A_371] : memref<320000xi32, #tpu.memory_space<hbm>> -> memref<128xi32, #tpu.memory_space<hbm>>
      %dma_start3A_373 = tpu.memref_slice %arg4[%add3A_371] : memref<320000xi32, #tpu.memory_space<hbm>> -> memref<128xi32, #tpu.memory_space<hbm>>
      tpu.enqueue_dma source(%dma_start3A_373 : memref<128xi32, #tpu.memory_space<hbm>>) target(%arg11 : memref<128xi32, #tpu.memory_space<vmem>>) target_semaphore(%arg25 : memref<!tpu.dma_semaphore, #tpu.memory_space<semaphore_mem>>)
      %dma_wait3A_374 = arith.constant 0 : i32
      %dma_wait3A_375 = tpu.memref_slice %arg3[%dma_wait3A_374] : memref<320000xi32, #tpu.memory_space<hbm>> -> memref<128xi32, #tpu.memory_space<hbm>>
      %dma_wait3A_376 = arith.constant 0 : i32
      %dma_wait3A_377 = tpu.memref_slice %arg3[%dma_wait3A_376] : memref<320000xi32, #tpu.memory_space<hbm>> -> memref<128xi32, #tpu.memory_space<hbm>>
      tpu.wait_dma2 semaphore(%arg27 : memref<!tpu.dma_semaphore, #tpu.memory_space<semaphore_mem>>) src(%dma_wait3A_377 : memref<128xi32, #tpu.memory_space<hbm>>) dst(%arg9 : memref<128xi32, #tpu.memory_space<vmem>>)
      %dma_wait3A_378 = arith.constant 0 : i32
      %dma_wait3A_379 = tpu.memref_slice %arg4[%dma_wait3A_378] : memref<320000xi32, #tpu.memory_space<hbm>> -> memref<128xi32, #tpu.memory_space<hbm>>
      %dma_wait3A_380 = arith.constant 0 : i32
      %dma_wait3A_381 = tpu.memref_slice %arg4[%dma_wait3A_380] : memref<320000xi32, #tpu.memory_space<hbm>> -> memref<128xi32, #tpu.memory_space<hbm>>
      tpu.wait_dma2 semaphore(%arg27 : memref<!tpu.dma_semaphore, #tpu.memory_space<semaphore_mem>>) src(%dma_wait3A_381 : memref<128xi32, #tpu.memory_space<hbm>>) dst(%arg13 : memref<128xi32, #tpu.memory_space<vmem>>)
      %dma_start3A_382 = arith.constant 0 : i32
      %dma_start3A_383 = arith.constant 0 : i32
      %dma_start3A_384 = tpu.memref_slice %arg2[%dma_start3A_382, %dma_start3A_383] : memref<10000x128xf32, #tpu.memory_space<hbm>> -> memref<10000x128xf32, #tpu.memory_space<hbm>>
      tpu.enqueue_indirect_dma source(%dma_start3A_384 : memref<10000x128xf32, #tpu.memory_space<hbm>>) target(%arg17 : memref<128x128xf32, #tpu.memory_space<vmem>>) offsets(%arg9 : memref<128xi32, #tpu.memory_space<vmem>>) semaphore(%arg21 : memref<!tpu.dma_semaphore, #tpu.memory_space<semaphore_mem>>)
      %add3A_385 = arith.constant 1 : i32
      %add3A_386 = arith.addi %add3A_350, %add3A_385 : i32
      %dma_wait3A_387 = arith.constant 0 : i32
      %dma_wait3A_388 = arith.constant 0 : i32
      %dma_wait3A_389 = tpu.memref_slice %arg2[%dma_wait3A_387, %dma_wait3A_388] : memref<10000x128xf32, #tpu.memory_space<hbm>> -> memref<10000x128xf32, #tpu.memory_space<hbm>>
      tpu.wait_indirect_dma semaphore(%arg21 : memref<!tpu.dma_semaphore, #tpu.memory_space<semaphore_mem>>) src(%dma_wait3A_389 : memref<10000x128xf32, #tpu.memory_space<hbm>>) dst(%arg17 : memref<128x128xf32, #tpu.memory_space<vmem>>)
      %dma_start3A_390 = arith.constant 0 : i32
      %dma_start3A_391 = arith.constant 0 : i32
      %dma_start3A_392 = tpu.memref_slice %arg19[%dma_start3A_390, %dma_start3A_391] : memref<10112x128xf32, #tpu.memory_space<vmem_shared>> -> memref<10112x128xf32, #tpu.memory_space<vmem_shared>>
      tpu.enqueue_indirect_dma source(%arg17 : memref<128x128xf32, #tpu.memory_space<vmem>>) target(%dma_start3A_392 : memref<10112x128xf32, #tpu.memory_space<vmem_shared>>) offsets(%arg13 : memref<128xi32, #tpu.memory_space<vmem>>) semaphore(%arg23 : memref<!tpu.dma_semaphore, #tpu.memory_space<semaphore_mem>>) {add = true}
      %dma_wait3A_393 = arith.constant 0 : i32
      %dma_wait3A_394 = arith.constant 0 : i32
      %dma_wait3A_395 = tpu.memref_slice %arg19[%dma_wait3A_393, %dma_wait3A_394] : memref<10112x128xf32, #tpu.memory_space<vmem_shared>> -> memref<10112x128xf32, #tpu.memory_space<vmem_shared>>
      tpu.wait_indirect_dma semaphore(%arg22 : memref<!tpu.dma_semaphore, #tpu.memory_space<semaphore_mem>>) src(%arg16 : memref<128x128xf32, #tpu.memory_space<vmem>>) dst(%dma_wait3A_395 : memref<10112x128xf32, #tpu.memory_space<vmem_shared>>)
      %add3A_396 = arith.constant 3 : i32
      %add3A_397 = arith.addi %add3A_386, %add3A_396 : i32
      %mul3A_398 = arith.constant 128 : i32
      %mul3A_399 = arith.muli %add3A_397, %mul3A_398 : i32
      %add3A_400 = arith.addi %mul3A_2, %mul3A_399 : i32
      %dma_start3A_401 = tpu.memref_slice %arg3[%add3A_400] : memref<320000xi32, #tpu.memory_space<hbm>> -> memref<128xi32, #tpu.memory_space<hbm>>
      %dma_start3A_402 = tpu.memref_slice %arg3[%add3A_400] : memref<320000xi32, #tpu.memory_space<hbm>> -> memref<128xi32, #tpu.memory_space<hbm>>
      tpu.enqueue_dma source(%dma_start3A_402 : memref<128xi32, #tpu.memory_space<hbm>>) target(%arg8 : memref<128xi32, #tpu.memory_space<vmem>>) target_semaphore(%arg26 : memref<!tpu.dma_semaphore, #tpu.memory_space<semaphore_mem>>)
      %mul3A_403 = arith.constant 128 : i32
      %mul3A_404 = arith.muli %add3A_397, %mul3A_403 : i32
      %add3A_405 = arith.addi %mul3A_2, %mul3A_404 : i32
      %dma_start3A_406 = tpu.memref_slice %arg4[%add3A_405] : memref<320000xi32, #tpu.memory_space<hbm>> -> memref<128xi32, #tpu.memory_space<hbm>>
      %dma_start3A_407 = tpu.memref_slice %arg4[%add3A_405] : memref<320000xi32, #tpu.memory_space<hbm>> -> memref<128xi32, #tpu.memory_space<hbm>>
      tpu.enqueue_dma source(%dma_start3A_407 : memref<128xi32, #tpu.memory_space<hbm>>) target(%arg12 : memref<128xi32, #tpu.memory_space<vmem>>) target_semaphore(%arg26 : memref<!tpu.dma_semaphore, #tpu.memory_space<semaphore_mem>>)
      %dma_wait3A_408 = arith.constant 0 : i32
      %dma_wait3A_409 = tpu.memref_slice %arg3[%dma_wait3A_408] : memref<320000xi32, #tpu.memory_space<hbm>> -> memref<128xi32, #tpu.memory_space<hbm>>
      %dma_wait3A_410 = arith.constant 0 : i32
      %dma_wait3A_411 = tpu.memref_slice %arg3[%dma_wait3A_410] : memref<320000xi32, #tpu.memory_space<hbm>> -> memref<128xi32, #tpu.memory_space<hbm>>
      tpu.wait_dma2 semaphore(%arg24 : memref<!tpu.dma_semaphore, #tpu.memory_space<semaphore_mem>>) src(%dma_wait3A_411 : memref<128xi32, #tpu.memory_space<hbm>>) dst(%arg6 : memref<128xi32, #tpu.memory_space<vmem>>)
      %dma_wait3A_412 = arith.constant 0 : i32
      %dma_wait3A_413 = tpu.memref_slice %arg4[%dma_wait3A_412] : memref<320000xi32, #tpu.memory_space<hbm>> -> memref<128xi32, #tpu.memory_space<hbm>>
      %dma_wait3A_414 = arith.constant 0 : i32
      %dma_wait3A_415 = tpu.memref_slice %arg4[%dma_wait3A_414] : memref<320000xi32, #tpu.memory_space<hbm>> -> memref<128xi32, #tpu.memory_space<hbm>>
      tpu.wait_dma2 semaphore(%arg24 : memref<!tpu.dma_semaphore, #tpu.memory_space<semaphore_mem>>) src(%dma_wait3A_415 : memref<128xi32, #tpu.memory_space<hbm>>) dst(%arg10 : memref<128xi32, #tpu.memory_space<vmem>>)
      %dma_start3A_416 = arith.constant 0 : i32
      %dma_start3A_417 = arith.constant 0 : i32
      %dma_start3A_418 = tpu.memref_slice %arg2[%dma_start3A_416, %dma_start3A_417] : memref<10000x128xf32, #tpu.memory_space<hbm>> -> memref<10000x128xf32, #tpu.memory_space<hbm>>
      tpu.enqueue_indirect_dma source(%dma_start3A_418 : memref<10000x128xf32, #tpu.memory_space<hbm>>) target(%arg16 : memref<128x128xf32, #tpu.memory_space<vmem>>) offsets(%arg6 : memref<128xi32, #tpu.memory_space<vmem>>) semaphore(%arg20 : memref<!tpu.dma_semaphore, #tpu.memory_space<semaphore_mem>>)
      %add3A_419 = arith.constant 2 : i32
      %add3A_420 = arith.addi %add3A_350, %add3A_419 : i32
      %dma_wait3A_421 = arith.constant 0 : i32
      %dma_wait3A_422 = arith.constant 0 : i32
      %dma_wait3A_423 = tpu.memref_slice %arg2[%dma_wait3A_421, %dma_wait3A_422] : memref<10000x128xf32, #tpu.memory_space<hbm>> -> memref<10000x128xf32, #tpu.memory_space<hbm>>
      tpu.wait_indirect_dma semaphore(%arg20 : memref<!tpu.dma_semaphore, #tpu.memory_space<semaphore_mem>>) src(%dma_wait3A_423 : memref<10000x128xf32, #tpu.memory_space<hbm>>) dst(%arg16 : memref<128x128xf32, #tpu.memory_space<vmem>>)
      %dma_start3A_424 = arith.constant 0 : i32
      %dma_start3A_425 = arith.constant 0 : i32
      %dma_start3A_426 = tpu.memref_slice %arg19[%dma_start3A_424, %dma_start3A_425] : memref<10112x128xf32, #tpu.memory_space<vmem_shared>> -> memref<10112x128xf32, #tpu.memory_space<vmem_shared>>
      tpu.enqueue_indirect_dma source(%arg16 : memref<128x128xf32, #tpu.memory_space<vmem>>) target(%dma_start3A_426 : memref<10112x128xf32, #tpu.memory_space<vmem_shared>>) offsets(%arg10 : memref<128xi32, #tpu.memory_space<vmem>>) semaphore(%arg22 : memref<!tpu.dma_semaphore, #tpu.memory_space<semaphore_mem>>) {add = true}
      %dma_wait3A_427 = arith.constant 0 : i32
      %dma_wait3A_428 = arith.constant 0 : i32
      %dma_wait3A_429 = tpu.memref_slice %arg19[%dma_wait3A_427, %dma_wait3A_428] : memref<10112x128xf32, #tpu.memory_space<vmem_shared>> -> memref<10112x128xf32, #tpu.memory_space<vmem_shared>>
      tpu.wait_indirect_dma semaphore(%arg23 : memref<!tpu.dma_semaphore, #tpu.memory_space<semaphore_mem>>) src(%arg16 : memref<128x128xf32, #tpu.memory_space<vmem>>) dst(%dma_wait3A_429 : memref<10112x128xf32, #tpu.memory_space<vmem_shared>>)
      %add3A_430 = arith.constant 3 : i32
      %add3A_431 = arith.addi %add3A_420, %add3A_430 : i32
      %mul3A_432 = arith.constant 128 : i32
      %mul3A_433 = arith.muli %add3A_431, %mul3A_432 : i32
      %add3A_434 = arith.addi %mul3A_2, %mul3A_433 : i32
      %dma_start3A_435 = tpu.memref_slice %arg3[%add3A_434] : memref<320000xi32, #tpu.memory_space<hbm>> -> memref<128xi32, #tpu.memory_space<hbm>>
      %dma_start3A_436 = tpu.memref_slice %arg3[%add3A_434] : memref<320000xi32, #tpu.memory_space<hbm>> -> memref<128xi32, #tpu.memory_space<hbm>>
      tpu.enqueue_dma source(%dma_start3A_436 : memref<128xi32, #tpu.memory_space<hbm>>) target(%arg9 : memref<128xi32, #tpu.memory_space<vmem>>) target_semaphore(%arg27 : memref<!tpu.dma_semaphore, #tpu.memory_space<semaphore_mem>>)
      %mul3A_437 = arith.constant 128 : i32
      %mul3A_438 = arith.muli %add3A_431, %mul3A_437 : i32
      %add3A_439 = arith.addi %mul3A_2, %mul3A_438 : i32
      %dma_start3A_440 = tpu.memref_slice %arg4[%add3A_439] : memref<320000xi32, #tpu.memory_space<hbm>> -> memref<128xi32, #tpu.memory_space<hbm>>
      %dma_start3A_441 = tpu.memref_slice %arg4[%add3A_439] : memref<320000xi32, #tpu.memory_space<hbm>> -> memref<128xi32, #tpu.memory_space<hbm>>
      tpu.enqueue_dma source(%dma_start3A_441 : memref<128xi32, #tpu.memory_space<hbm>>) target(%arg13 : memref<128xi32, #tpu.memory_space<vmem>>) target_semaphore(%arg27 : memref<!tpu.dma_semaphore, #tpu.memory_space<semaphore_mem>>)
      %dma_wait3A_442 = arith.constant 0 : i32
      %dma_wait3A_443 = tpu.memref_slice %arg3[%dma_wait3A_442] : memref<320000xi32, #tpu.memory_space<hbm>> -> memref<128xi32, #tpu.memory_space<hbm>>
      %dma_wait3A_444 = arith.constant 0 : i32
      %dma_wait3A_445 = tpu.memref_slice %arg3[%dma_wait3A_444] : memref<320000xi32, #tpu.memory_space<hbm>> -> memref<128xi32, #tpu.memory_space<hbm>>
      tpu.wait_dma2 semaphore(%arg25 : memref<!tpu.dma_semaphore, #tpu.memory_space<semaphore_mem>>) src(%dma_wait3A_445 : memref<128xi32, #tpu.memory_space<hbm>>) dst(%arg7 : memref<128xi32, #tpu.memory_space<vmem>>)
      %dma_wait3A_446 = arith.constant 0 : i32
      %dma_wait3A_447 = tpu.memref_slice %arg4[%dma_wait3A_446] : memref<320000xi32, #tpu.memory_space<hbm>> -> memref<128xi32, #tpu.memory_space<hbm>>
      %dma_wait3A_448 = arith.constant 0 : i32
      %dma_wait3A_449 = tpu.memref_slice %arg4[%dma_wait3A_448] : memref<320000xi32, #tpu.memory_space<hbm>> -> memref<128xi32, #tpu.memory_space<hbm>>
      tpu.wait_dma2 semaphore(%arg25 : memref<!tpu.dma_semaphore, #tpu.memory_space<semaphore_mem>>) src(%dma_wait3A_449 : memref<128xi32, #tpu.memory_space<hbm>>) dst(%arg11 : memref<128xi32, #tpu.memory_space<vmem>>)
      %dma_start3A_450 = arith.constant 0 : i32
      %dma_start3A_451 = arith.constant 0 : i32
      %dma_start3A_452 = tpu.memref_slice %arg2[%dma_start3A_450, %dma_start3A_451] : memref<10000x128xf32, #tpu.memory_space<hbm>> -> memref<10000x128xf32, #tpu.memory_space<hbm>>
      tpu.enqueue_indirect_dma source(%dma_start3A_452 : memref<10000x128xf32, #tpu.memory_space<hbm>>) target(%arg17 : memref<128x128xf32, #tpu.memory_space<vmem>>) offsets(%arg7 : memref<128xi32, #tpu.memory_space<vmem>>) semaphore(%arg21 : memref<!tpu.dma_semaphore, #tpu.memory_space<semaphore_mem>>)
      %add3A_453 = arith.constant 3 : i32
      %add3A_454 = arith.addi %add3A_350, %add3A_453 : i32
      %dma_wait3A_455 = arith.constant 0 : i32
      %dma_wait3A_456 = arith.constant 0 : i32
      %dma_wait3A_457 = tpu.memref_slice %arg2[%dma_wait3A_455, %dma_wait3A_456] : memref<10000x128xf32, #tpu.memory_space<hbm>> -> memref<10000x128xf32, #tpu.memory_space<hbm>>
      tpu.wait_indirect_dma semaphore(%arg21 : memref<!tpu.dma_semaphore, #tpu.memory_space<semaphore_mem>>) src(%dma_wait3A_457 : memref<10000x128xf32, #tpu.memory_space<hbm>>) dst(%arg17 : memref<128x128xf32, #tpu.memory_space<vmem>>)
      %dma_start3A_458 = arith.constant 0 : i32
      %dma_start3A_459 = arith.constant 0 : i32
      %dma_start3A_460 = tpu.memref_slice %arg19[%dma_start3A_458, %dma_start3A_459] : memref<10112x128xf32, #tpu.memory_space<vmem_shared>> -> memref<10112x128xf32, #tpu.memory_space<vmem_shared>>
      tpu.enqueue_indirect_dma source(%arg17 : memref<128x128xf32, #tpu.memory_space<vmem>>) target(%dma_start3A_460 : memref<10112x128xf32, #tpu.memory_space<vmem_shared>>) offsets(%arg11 : memref<128xi32, #tpu.memory_space<vmem>>) semaphore(%arg23 : memref<!tpu.dma_semaphore, #tpu.memory_space<semaphore_mem>>) {add = true}
      %dma_wait3A_461 = arith.constant 0 : i32
      %dma_wait3A_462 = arith.constant 0 : i32
      %dma_wait3A_463 = tpu.memref_slice %arg19[%dma_wait3A_461, %dma_wait3A_462] : memref<10112x128xf32, #tpu.memory_space<vmem_shared>> -> memref<10112x128xf32, #tpu.memory_space<vmem_shared>>
      tpu.wait_indirect_dma semaphore(%arg22 : memref<!tpu.dma_semaphore, #tpu.memory_space<semaphore_mem>>) src(%arg16 : memref<128x128xf32, #tpu.memory_space<vmem>>) dst(%dma_wait3A_463 : memref<10112x128xf32, #tpu.memory_space<vmem_shared>>)
      %add3A_464 = arith.constant 3 : i32
      %add3A_465 = arith.addi %add3A_454, %add3A_464 : i32
      %mul3A_466 = arith.constant 128 : i32
      %mul3A_467 = arith.muli %add3A_465, %mul3A_466 : i32
      %add3A_468 = arith.addi %mul3A_2, %mul3A_467 : i32
      %dma_start3A_469 = tpu.memref_slice %arg3[%add3A_468] : memref<320000xi32, #tpu.memory_space<hbm>> -> memref<128xi32, #tpu.memory_space<hbm>>
      %dma_start3A_470 = tpu.memref_slice %arg3[%add3A_468] : memref<320000xi32, #tpu.memory_space<hbm>> -> memref<128xi32, #tpu.memory_space<hbm>>
      tpu.enqueue_dma source(%dma_start3A_470 : memref<128xi32, #tpu.memory_space<hbm>>) target(%arg6 : memref<128xi32, #tpu.memory_space<vmem>>) target_semaphore(%arg24 : memref<!tpu.dma_semaphore, #tpu.memory_space<semaphore_mem>>)
      %mul3A_471 = arith.constant 128 : i32
      %mul3A_472 = arith.muli %add3A_465, %mul3A_471 : i32
      %add3A_473 = arith.addi %mul3A_2, %mul3A_472 : i32
      %dma_start3A_474 = tpu.memref_slice %arg4[%add3A_473] : memref<320000xi32, #tpu.memory_space<hbm>> -> memref<128xi32, #tpu.memory_space<hbm>>
      %dma_start3A_475 = tpu.memref_slice %arg4[%add3A_473] : memref<320000xi32, #tpu.memory_space<hbm>> -> memref<128xi32, #tpu.memory_space<hbm>>
      tpu.enqueue_dma source(%dma_start3A_475 : memref<128xi32, #tpu.memory_space<hbm>>) target(%arg10 : memref<128xi32, #tpu.memory_space<vmem>>) target_semaphore(%arg24 : memref<!tpu.dma_semaphore, #tpu.memory_space<semaphore_mem>>)
      %dma_wait3A_476 = arith.constant 0 : i32
      %dma_wait3A_477 = tpu.memref_slice %arg3[%dma_wait3A_476] : memref<320000xi32, #tpu.memory_space<hbm>> -> memref<128xi32, #tpu.memory_space<hbm>>
      %dma_wait3A_478 = arith.constant 0 : i32
      %dma_wait3A_479 = tpu.memref_slice %arg3[%dma_wait3A_478] : memref<320000xi32, #tpu.memory_space<hbm>> -> memref<128xi32, #tpu.memory_space<hbm>>
      tpu.wait_dma2 semaphore(%arg26 : memref<!tpu.dma_semaphore, #tpu.memory_space<semaphore_mem>>) src(%dma_wait3A_479 : memref<128xi32, #tpu.memory_space<hbm>>) dst(%arg8 : memref<128xi32, #tpu.memory_space<vmem>>)
      %dma_wait3A_480 = arith.constant 0 : i32
      %dma_wait3A_481 = tpu.memref_slice %arg4[%dma_wait3A_480] : memref<320000xi32, #tpu.memory_space<hbm>> -> memref<128xi32, #tpu.memory_space<hbm>>
      %dma_wait3A_482 = arith.constant 0 : i32
      %dma_wait3A_483 = tpu.memref_slice %arg4[%dma_wait3A_482] : memref<320000xi32, #tpu.memory_space<hbm>> -> memref<128xi32, #tpu.memory_space<hbm>>
      tpu.wait_dma2 semaphore(%arg26 : memref<!tpu.dma_semaphore, #tpu.memory_space<semaphore_mem>>) src(%dma_wait3A_483 : memref<128xi32, #tpu.memory_space<hbm>>) dst(%arg12 : memref<128xi32, #tpu.memory_space<vmem>>)
      %dma_start3A_484 = arith.constant 0 : i32
      %dma_start3A_485 = arith.constant 0 : i32
      %dma_start3A_486 = tpu.memref_slice %arg2[%dma_start3A_484, %dma_start3A_485] : memref<10000x128xf32, #tpu.memory_space<hbm>> -> memref<10000x128xf32, #tpu.memory_space<hbm>>
      tpu.enqueue_indirect_dma source(%dma_start3A_486 : memref<10000x128xf32, #tpu.memory_space<hbm>>) target(%arg16 : memref<128x128xf32, #tpu.memory_space<vmem>>) offsets(%arg8 : memref<128xi32, #tpu.memory_space<vmem>>) semaphore(%arg20 : memref<!tpu.dma_semaphore, #tpu.memory_space<semaphore_mem>>)
    }
    %scan3A_120 = arith.constant 17 : i32
    %dma_wait3A_121 = arith.constant 0 : i32
    %dma_wait3A_122 = arith.constant 0 : i32
    %dma_wait3A_123 = tpu.memref_slice %arg2[%dma_wait3A_121, %dma_wait3A_122] : memref<10000x128xf32, #tpu.memory_space<hbm>> -> memref<10000x128xf32, #tpu.memory_space<hbm>>
    tpu.wait_indirect_dma semaphore(%arg20 : memref<!tpu.dma_semaphore, #tpu.memory_space<semaphore_mem>>) src(%dma_wait3A_123 : memref<10000x128xf32, #tpu.memory_space<hbm>>) dst(%arg16 : memref<128x128xf32, #tpu.memory_space<vmem>>)
    %dma_start3A_124 = arith.constant 0 : i32
    %dma_start3A_125 = arith.constant 0 : i32
    %dma_start3A_126 = tpu.memref_slice %arg19[%dma_start3A_124, %dma_start3A_125] : memref<10112x128xf32, #tpu.memory_space<vmem_shared>> -> memref<10112x128xf32, #tpu.memory_space<vmem_shared>>
    tpu.enqueue_indirect_dma source(%arg16 : memref<128x128xf32, #tpu.memory_space<vmem>>) target(%dma_start3A_126 : memref<10112x128xf32, #tpu.memory_space<vmem_shared>>) offsets(%arg12 : memref<128xi32, #tpu.memory_space<vmem>>) semaphore(%arg22 : memref<!tpu.dma_semaphore, #tpu.memory_space<semaphore_mem>>) {add = true}
    %dma_wait3A_127 = arith.constant 0 : i32
    %dma_wait3A_128 = arith.constant 0 : i32
    %dma_wait3A_129 = tpu.memref_slice %arg19[%dma_wait3A_127, %dma_wait3A_128] : memref<10112x128xf32, #tpu.memory_space<vmem_shared>> -> memref<10112x128xf32, #tpu.memory_space<vmem_shared>>
    tpu.wait_indirect_dma semaphore(%arg23 : memref<!tpu.dma_semaphore, #tpu.memory_space<semaphore_mem>>) src(%arg16 : memref<128x128xf32, #tpu.memory_space<vmem>>) dst(%dma_wait3A_129 : memref<10112x128xf32, #tpu.memory_space<vmem_shared>>)
    %add3A_130 = arith.constant 9344 : i32
    %add3A_131 = arith.addi %mul3A_2, %add3A_130 : i32
    %dma_start3A_132 = tpu.memref_slice %arg3[%add3A_131] : memref<320000xi32, #tpu.memory_space<hbm>> -> memref<128xi32, #tpu.memory_space<hbm>>
    %dma_start3A_133 = tpu.memref_slice %arg3[%add3A_131] : memref<320000xi32, #tpu.memory_space<hbm>> -> memref<128xi32, #tpu.memory_space<hbm>>
    tpu.enqueue_dma source(%dma_start3A_133 : memref<128xi32, #tpu.memory_space<hbm>>) target(%arg7 : memref<128xi32, #tpu.memory_space<vmem>>) target_semaphore(%arg25 : memref<!tpu.dma_semaphore, #tpu.memory_space<semaphore_mem>>)
    %add3A_134 = arith.constant 9344 : i32
    %add3A_135 = arith.addi %mul3A_2, %add3A_134 : i32
    %dma_start3A_136 = tpu.memref_slice %arg4[%add3A_135] : memref<320000xi32, #tpu.memory_space<hbm>> -> memref<128xi32, #tpu.memory_space<hbm>>
    %dma_start3A_137 = tpu.memref_slice %arg4[%add3A_135] : memref<320000xi32, #tpu.memory_space<hbm>> -> memref<128xi32, #tpu.memory_space<hbm>>
    tpu.enqueue_dma source(%dma_start3A_137 : memref<128xi32, #tpu.memory_space<hbm>>) target(%arg11 : memref<128xi32, #tpu.memory_space<vmem>>) target_semaphore(%arg25 : memref<!tpu.dma_semaphore, #tpu.memory_space<semaphore_mem>>)
    %dma_wait3A_138 = arith.constant 0 : i32
    %dma_wait3A_139 = tpu.memref_slice %arg3[%dma_wait3A_138] : memref<320000xi32, #tpu.memory_space<hbm>> -> memref<128xi32, #tpu.memory_space<hbm>>
    %dma_wait3A_140 = arith.constant 0 : i32
    %dma_wait3A_141 = tpu.memref_slice %arg3[%dma_wait3A_140] : memref<320000xi32, #tpu.memory_space<hbm>> -> memref<128xi32, #tpu.memory_space<hbm>>
    tpu.wait_dma2 semaphore(%arg27 : memref<!tpu.dma_semaphore, #tpu.memory_space<semaphore_mem>>) src(%dma_wait3A_141 : memref<128xi32, #tpu.memory_space<hbm>>) dst(%arg9 : memref<128xi32, #tpu.memory_space<vmem>>)
    %dma_wait3A_142 = arith.constant 0 : i32
    %dma_wait3A_143 = tpu.memref_slice %arg4[%dma_wait3A_142] : memref<320000xi32, #tpu.memory_space<hbm>> -> memref<128xi32, #tpu.memory_space<hbm>>
    %dma_wait3A_144 = arith.constant 0 : i32
    %dma_wait3A_145 = tpu.memref_slice %arg4[%dma_wait3A_144] : memref<320000xi32, #tpu.memory_space<hbm>> -> memref<128xi32, #tpu.memory_space<hbm>>
    tpu.wait_dma2 semaphore(%arg27 : memref<!tpu.dma_semaphore, #tpu.memory_space<semaphore_mem>>) src(%dma_wait3A_145 : memref<128xi32, #tpu.memory_space<hbm>>) dst(%arg13 : memref<128xi32, #tpu.memory_space<vmem>>)
    %dma_start3A_146 = arith.constant 0 : i32
    %dma_start3A_147 = arith.constant 0 : i32
    %dma_start3A_148 = tpu.memref_slice %arg2[%dma_start3A_146, %dma_start3A_147] : memref<10000x128xf32, #tpu.memory_space<hbm>> -> memref<10000x128xf32, #tpu.memory_space<hbm>>
    tpu.enqueue_indirect_dma source(%dma_start3A_148 : memref<10000x128xf32, #tpu.memory_space<hbm>>) target(%arg17 : memref<128x128xf32, #tpu.memory_space<vmem>>) offsets(%arg9 : memref<128xi32, #tpu.memory_space<vmem>>) semaphore(%arg21 : memref<!tpu.dma_semaphore, #tpu.memory_space<semaphore_mem>>)
    %dma_wait3A_149 = arith.constant 0 : i32
    %dma_wait3A_150 = arith.constant 0 : i32
    %dma_wait3A_151 = tpu.memref_slice %arg2[%dma_wait3A_149, %dma_wait3A_150] : memref<10000x128xf32, #tpu.memory_space<hbm>> -> memref<10000x128xf32, #tpu.memory_space<hbm>>
    tpu.wait_indirect_dma semaphore(%arg21 : memref<!tpu.dma_semaphore, #tpu.memory_space<semaphore_mem>>) src(%dma_wait3A_151 : memref<10000x128xf32, #tpu.memory_space<hbm>>) dst(%arg17 : memref<128x128xf32, #tpu.memory_space<vmem>>)
    %dma_start3A_152 = arith.constant 0 : i32
    %dma_start3A_153 = arith.constant 0 : i32
    %dma_start3A_154 = tpu.memref_slice %arg19[%dma_start3A_152, %dma_start3A_153] : memref<10112x128xf32, #tpu.memory_space<vmem_shared>> -> memref<10112x128xf32, #tpu.memory_space<vmem_shared>>
    tpu.enqueue_indirect_dma source(%arg17 : memref<128x128xf32, #tpu.memory_space<vmem>>) target(%dma_start3A_154 : memref<10112x128xf32, #tpu.memory_space<vmem_shared>>) offsets(%arg13 : memref<128xi32, #tpu.memory_space<vmem>>) semaphore(%arg23 : memref<!tpu.dma_semaphore, #tpu.memory_space<semaphore_mem>>) {add = true}
    %dma_wait3A_155 = arith.constant 0 : i32
    %dma_wait3A_156 = arith.constant 0 : i32
    %dma_wait3A_157 = tpu.memref_slice %arg19[%dma_wait3A_155, %dma_wait3A_156] : memref<10112x128xf32, #tpu.memory_space<vmem_shared>> -> memref<10112x128xf32, #tpu.memory_space<vmem_shared>>
    tpu.wait_indirect_dma semaphore(%arg22 : memref<!tpu.dma_semaphore, #tpu.memory_space<semaphore_mem>>) src(%arg16 : memref<128x128xf32, #tpu.memory_space<vmem>>) dst(%dma_wait3A_157 : memref<10112x128xf32, #tpu.memory_space<vmem_shared>>)
    %add3A_158 = arith.constant 9472 : i32
    %add3A_159 = arith.addi %mul3A_2, %add3A_158 : i32
    %dma_start3A_160 = tpu.memref_slice %arg3[%add3A_159] : memref<320000xi32, #tpu.memory_space<hbm>> -> memref<128xi32, #tpu.memory_space<hbm>>
    %dma_start3A_161 = tpu.memref_slice %arg3[%add3A_159] : memref<320000xi32, #tpu.memory_space<hbm>> -> memref<128xi32, #tpu.memory_space<hbm>>
    tpu.enqueue_dma source(%dma_start3A_161 : memref<128xi32, #tpu.memory_space<hbm>>) target(%arg8 : memref<128xi32, #tpu.memory_space<vmem>>) target_semaphore(%arg26 : memref<!tpu.dma_semaphore, #tpu.memory_space<semaphore_mem>>)
    %add3A_162 = arith.constant 9472 : i32
    %add3A_163 = arith.addi %mul3A_2, %add3A_162 : i32
    %dma_start3A_164 = tpu.memref_slice %arg4[%add3A_163] : memref<320000xi32, #tpu.memory_space<hbm>> -> memref<128xi32, #tpu.memory_space<hbm>>
    %dma_start3A_165 = tpu.memref_slice %arg4[%add3A_163] : memref<320000xi32, #tpu.memory_space<hbm>> -> memref<128xi32, #tpu.memory_space<hbm>>
    tpu.enqueue_dma source(%dma_start3A_165 : memref<128xi32, #tpu.memory_space<hbm>>) target(%arg12 : memref<128xi32, #tpu.memory_space<vmem>>) target_semaphore(%arg26 : memref<!tpu.dma_semaphore, #tpu.memory_space<semaphore_mem>>)
    %dma_wait3A_166 = arith.constant 0 : i32
    %dma_wait3A_167 = tpu.memref_slice %arg3[%dma_wait3A_166] : memref<320000xi32, #tpu.memory_space<hbm>> -> memref<128xi32, #tpu.memory_space<hbm>>
    %dma_wait3A_168 = arith.constant 0 : i32
    %dma_wait3A_169 = tpu.memref_slice %arg3[%dma_wait3A_168] : memref<320000xi32, #tpu.memory_space<hbm>> -> memref<128xi32, #tpu.memory_space<hbm>>
    tpu.wait_dma2 semaphore(%arg24 : memref<!tpu.dma_semaphore, #tpu.memory_space<semaphore_mem>>) src(%dma_wait3A_169 : memref<128xi32, #tpu.memory_space<hbm>>) dst(%arg6 : memref<128xi32, #tpu.memory_space<vmem>>)
    %dma_wait3A_170 = arith.constant 0 : i32
    %dma_wait3A_171 = tpu.memref_slice %arg4[%dma_wait3A_170] : memref<320000xi32, #tpu.memory_space<hbm>> -> memref<128xi32, #tpu.memory_space<hbm>>
    %dma_wait3A_172 = arith.constant 0 : i32
    %dma_wait3A_173 = tpu.memref_slice %arg4[%dma_wait3A_172] : memref<320000xi32, #tpu.memory_space<hbm>> -> memref<128xi32, #tpu.memory_space<hbm>>
    tpu.wait_dma2 semaphore(%arg24 : memref<!tpu.dma_semaphore, #tpu.memory_space<semaphore_mem>>) src(%dma_wait3A_173 : memref<128xi32, #tpu.memory_space<hbm>>) dst(%arg10 : memref<128xi32, #tpu.memory_space<vmem>>)
    %dma_start3A_174 = arith.constant 0 : i32
    %dma_start3A_175 = arith.constant 0 : i32
    %dma_start3A_176 = tpu.memref_slice %arg2[%dma_start3A_174, %dma_start3A_175] : memref<10000x128xf32, #tpu.memory_space<hbm>> -> memref<10000x128xf32, #tpu.memory_space<hbm>>
    tpu.enqueue_indirect_dma source(%dma_start3A_176 : memref<10000x128xf32, #tpu.memory_space<hbm>>) target(%arg16 : memref<128x128xf32, #tpu.memory_space<vmem>>) offsets(%arg6 : memref<128xi32, #tpu.memory_space<vmem>>) semaphore(%arg20 : memref<!tpu.dma_semaphore, #tpu.memory_space<semaphore_mem>>)
    %dma_wait3A_177 = arith.constant 0 : i32
    %dma_wait3A_178 = arith.constant 0 : i32
    %dma_wait3A_179 = tpu.memref_slice %arg2[%dma_wait3A_177, %dma_wait3A_178] : memref<10000x128xf32, #tpu.memory_space<hbm>> -> memref<10000x128xf32, #tpu.memory_space<hbm>>
    tpu.wait_indirect_dma semaphore(%arg20 : memref<!tpu.dma_semaphore, #tpu.memory_space<semaphore_mem>>) src(%dma_wait3A_179 : memref<10000x128xf32, #tpu.memory_space<hbm>>) dst(%arg16 : memref<128x128xf32, #tpu.memory_space<vmem>>)
    %dma_start3A_180 = arith.constant 0 : i32
    %dma_start3A_181 = arith.constant 0 : i32
    %dma_start3A_182 = tpu.memref_slice %arg19[%dma_start3A_180, %dma_start3A_181] : memref<10112x128xf32, #tpu.memory_space<vmem_shared>> -> memref<10112x128xf32, #tpu.memory_space<vmem_shared>>
    tpu.enqueue_indirect_dma source(%arg16 : memref<128x128xf32, #tpu.memory_space<vmem>>) target(%dma_start3A_182 : memref<10112x128xf32, #tpu.memory_space<vmem_shared>>) offsets(%arg10 : memref<128xi32, #tpu.memory_space<vmem>>) semaphore(%arg22 : memref<!tpu.dma_semaphore, #tpu.memory_space<semaphore_mem>>) {add = true}
    %dma_wait3A_183 = arith.constant 0 : i32
    %dma_wait3A_184 = arith.constant 0 : i32
    %dma_wait3A_185 = tpu.memref_slice %arg19[%dma_wait3A_183, %dma_wait3A_184] : memref<10112x128xf32, #tpu.memory_space<vmem_shared>> -> memref<10112x128xf32, #tpu.memory_space<vmem_shared>>
    tpu.wait_indirect_dma semaphore(%arg23 : memref<!tpu.dma_semaphore, #tpu.memory_space<semaphore_mem>>) src(%arg16 : memref<128x128xf32, #tpu.memory_space<vmem>>) dst(%dma_wait3A_185 : memref<10112x128xf32, #tpu.memory_space<vmem_shared>>)
    %add3A_186 = arith.constant 9600 : i32
    %add3A_187 = arith.addi %mul3A_2, %add3A_186 : i32
    %dma_start3A_188 = tpu.memref_slice %arg3[%add3A_187] : memref<320000xi32, #tpu.memory_space<hbm>> -> memref<128xi32, #tpu.memory_space<hbm>>
    %dma_start3A_189 = tpu.memref_slice %arg3[%add3A_187] : memref<320000xi32, #tpu.memory_space<hbm>> -> memref<128xi32, #tpu.memory_space<hbm>>
    tpu.enqueue_dma source(%dma_start3A_189 : memref<128xi32, #tpu.memory_space<hbm>>) target(%arg9 : memref<128xi32, #tpu.memory_space<vmem>>) target_semaphore(%arg27 : memref<!tpu.dma_semaphore, #tpu.memory_space<semaphore_mem>>)
    %add3A_190 = arith.constant 9600 : i32
    %add3A_191 = arith.addi %mul3A_2, %add3A_190 : i32
    %dma_start3A_192 = tpu.memref_slice %arg4[%add3A_191] : memref<320000xi32, #tpu.memory_space<hbm>> -> memref<128xi32, #tpu.memory_space<hbm>>
    %dma_start3A_193 = tpu.memref_slice %arg4[%add3A_191] : memref<320000xi32, #tpu.memory_space<hbm>> -> memref<128xi32, #tpu.memory_space<hbm>>
    tpu.enqueue_dma source(%dma_start3A_193 : memref<128xi32, #tpu.memory_space<hbm>>) target(%arg13 : memref<128xi32, #tpu.memory_space<vmem>>) target_semaphore(%arg27 : memref<!tpu.dma_semaphore, #tpu.memory_space<semaphore_mem>>)
    %dma_wait3A_194 = arith.constant 0 : i32
    %dma_wait3A_195 = tpu.memref_slice %arg3[%dma_wait3A_194] : memref<320000xi32, #tpu.memory_space<hbm>> -> memref<128xi32, #tpu.memory_space<hbm>>
    %dma_wait3A_196 = arith.constant 0 : i32
    %dma_wait3A_197 = tpu.memref_slice %arg3[%dma_wait3A_196] : memref<320000xi32, #tpu.memory_space<hbm>> -> memref<128xi32, #tpu.memory_space<hbm>>
    tpu.wait_dma2 semaphore(%arg25 : memref<!tpu.dma_semaphore, #tpu.memory_space<semaphore_mem>>) src(%dma_wait3A_197 : memref<128xi32, #tpu.memory_space<hbm>>) dst(%arg7 : memref<128xi32, #tpu.memory_space<vmem>>)
    %dma_wait3A_198 = arith.constant 0 : i32
    %dma_wait3A_199 = tpu.memref_slice %arg4[%dma_wait3A_198] : memref<320000xi32, #tpu.memory_space<hbm>> -> memref<128xi32, #tpu.memory_space<hbm>>
    %dma_wait3A_200 = arith.constant 0 : i32
    %dma_wait3A_201 = tpu.memref_slice %arg4[%dma_wait3A_200] : memref<320000xi32, #tpu.memory_space<hbm>> -> memref<128xi32, #tpu.memory_space<hbm>>
    tpu.wait_dma2 semaphore(%arg25 : memref<!tpu.dma_semaphore, #tpu.memory_space<semaphore_mem>>) src(%dma_wait3A_201 : memref<128xi32, #tpu.memory_space<hbm>>) dst(%arg11 : memref<128xi32, #tpu.memory_space<vmem>>)
    %dma_start3A_202 = arith.constant 0 : i32
    %dma_start3A_203 = arith.constant 0 : i32
    %dma_start3A_204 = tpu.memref_slice %arg2[%dma_start3A_202, %dma_start3A_203] : memref<10000x128xf32, #tpu.memory_space<hbm>> -> memref<10000x128xf32, #tpu.memory_space<hbm>>
    tpu.enqueue_indirect_dma source(%dma_start3A_204 : memref<10000x128xf32, #tpu.memory_space<hbm>>) target(%arg17 : memref<128x128xf32, #tpu.memory_space<vmem>>) offsets(%arg7 : memref<128xi32, #tpu.memory_space<vmem>>) semaphore(%arg21 : memref<!tpu.dma_semaphore, #tpu.memory_space<semaphore_mem>>)
    %dma_wait3A_205 = arith.constant 0 : i32
    %dma_wait3A_206 = arith.constant 0 : i32
    %dma_wait3A_207 = tpu.memref_slice %arg2[%dma_wait3A_205, %dma_wait3A_206] : memref<10000x128xf32, #tpu.memory_space<hbm>> -> memref<10000x128xf32, #tpu.memory_space<hbm>>
    tpu.wait_indirect_dma semaphore(%arg21 : memref<!tpu.dma_semaphore, #tpu.memory_space<semaphore_mem>>) src(%dma_wait3A_207 : memref<10000x128xf32, #tpu.memory_space<hbm>>) dst(%arg17 : memref<128x128xf32, #tpu.memory_space<vmem>>)
    %dma_start3A_208 = arith.constant 0 : i32
    %dma_start3A_209 = arith.constant 0 : i32
    %dma_start3A_210 = tpu.memref_slice %arg19[%dma_start3A_208, %dma_start3A_209] : memref<10112x128xf32, #tpu.memory_space<vmem_shared>> -> memref<10112x128xf32, #tpu.memory_space<vmem_shared>>
    tpu.enqueue_indirect_dma source(%arg17 : memref<128x128xf32, #tpu.memory_space<vmem>>) target(%dma_start3A_210 : memref<10112x128xf32, #tpu.memory_space<vmem_shared>>) offsets(%arg11 : memref<128xi32, #tpu.memory_space<vmem>>) semaphore(%arg23 : memref<!tpu.dma_semaphore, #tpu.memory_space<semaphore_mem>>) {add = true}
    %dma_wait3A_211 = arith.constant 0 : i32
    %dma_wait3A_212 = arith.constant 0 : i32
    %dma_wait3A_213 = tpu.memref_slice %arg19[%dma_wait3A_211, %dma_wait3A_212] : memref<10112x128xf32, #tpu.memory_space<vmem_shared>> -> memref<10112x128xf32, #tpu.memory_space<vmem_shared>>
    tpu.wait_indirect_dma semaphore(%arg22 : memref<!tpu.dma_semaphore, #tpu.memory_space<semaphore_mem>>) src(%arg16 : memref<128x128xf32, #tpu.memory_space<vmem>>) dst(%dma_wait3A_213 : memref<10112x128xf32, #tpu.memory_space<vmem_shared>>)
    %add3A_214 = arith.constant 9728 : i32
    %add3A_215 = arith.addi %mul3A_2, %add3A_214 : i32
    %dma_start3A_216 = tpu.memref_slice %arg3[%add3A_215] : memref<320000xi32, #tpu.memory_space<hbm>> -> memref<128xi32, #tpu.memory_space<hbm>>
    %dma_start3A_217 = tpu.memref_slice %arg3[%add3A_215] : memref<320000xi32, #tpu.memory_space<hbm>> -> memref<128xi32, #tpu.memory_space<hbm>>
    tpu.enqueue_dma source(%dma_start3A_217 : memref<128xi32, #tpu.memory_space<hbm>>) target(%arg6 : memref<128xi32, #tpu.memory_space<vmem>>) target_semaphore(%arg24 : memref<!tpu.dma_semaphore, #tpu.memory_space<semaphore_mem>>)
    %add3A_218 = arith.constant 9728 : i32
    %add3A_219 = arith.addi %mul3A_2, %add3A_218 : i32
    %dma_start3A_220 = tpu.memref_slice %arg4[%add3A_219] : memref<320000xi32, #tpu.memory_space<hbm>> -> memref<128xi32, #tpu.memory_space<hbm>>
    %dma_start3A_221 = tpu.memref_slice %arg4[%add3A_219] : memref<320000xi32, #tpu.memory_space<hbm>> -> memref<128xi32, #tpu.memory_space<hbm>>
    tpu.enqueue_dma source(%dma_start3A_221 : memref<128xi32, #tpu.memory_space<hbm>>) target(%arg10 : memref<128xi32, #tpu.memory_space<vmem>>) target_semaphore(%arg24 : memref<!tpu.dma_semaphore, #tpu.memory_space<semaphore_mem>>)
    %dma_wait3A_222 = arith.constant 0 : i32
    %dma_wait3A_223 = tpu.memref_slice %arg3[%dma_wait3A_222] : memref<320000xi32, #tpu.memory_space<hbm>> -> memref<128xi32, #tpu.memory_space<hbm>>
    %dma_wait3A_224 = arith.constant 0 : i32
    %dma_wait3A_225 = tpu.memref_slice %arg3[%dma_wait3A_224] : memref<320000xi32, #tpu.memory_space<hbm>> -> memref<128xi32, #tpu.memory_space<hbm>>
    tpu.wait_dma2 semaphore(%arg26 : memref<!tpu.dma_semaphore, #tpu.memory_space<semaphore_mem>>) src(%dma_wait3A_225 : memref<128xi32, #tpu.memory_space<hbm>>) dst(%arg8 : memref<128xi32, #tpu.memory_space<vmem>>)
    %dma_wait3A_226 = arith.constant 0 : i32
    %dma_wait3A_227 = tpu.memref_slice %arg4[%dma_wait3A_226] : memref<320000xi32, #tpu.memory_space<hbm>> -> memref<128xi32, #tpu.memory_space<hbm>>
    %dma_wait3A_228 = arith.constant 0 : i32
    %dma_wait3A_229 = tpu.memref_slice %arg4[%dma_wait3A_228] : memref<320000xi32, #tpu.memory_space<hbm>> -> memref<128xi32, #tpu.memory_space<hbm>>
    tpu.wait_dma2 semaphore(%arg26 : memref<!tpu.dma_semaphore, #tpu.memory_space<semaphore_mem>>) src(%dma_wait3A_229 : memref<128xi32, #tpu.memory_space<hbm>>) dst(%arg12 : memref<128xi32, #tpu.memory_space<vmem>>)
    %dma_start3A_230 = arith.constant 0 : i32
    %dma_start3A_231 = arith.constant 0 : i32
    %dma_start3A_232 = tpu.memref_slice %arg2[%dma_start3A_230, %dma_start3A_231] : memref<10000x128xf32, #tpu.memory_space<hbm>> -> memref<10000x128xf32, #tpu.memory_space<hbm>>
    tpu.enqueue_indirect_dma source(%dma_start3A_232 : memref<10000x128xf32, #tpu.memory_space<hbm>>) target(%arg16 : memref<128x128xf32, #tpu.memory_space<vmem>>) offsets(%arg8 : memref<128xi32, #tpu.memory_space<vmem>>) semaphore(%arg20 : memref<!tpu.dma_semaphore, #tpu.memory_space<semaphore_mem>>)
    %dma_wait3A_233 = arith.constant 0 : i32
    %dma_wait3A_234 = arith.constant 0 : i32
    %dma_wait3A_235 = tpu.memref_slice %arg2[%dma_wait3A_233, %dma_wait3A_234] : memref<10000x128xf32, #tpu.memory_space<hbm>> -> memref<10000x128xf32, #tpu.memory_space<hbm>>
    tpu.wait_indirect_dma semaphore(%arg20 : memref<!tpu.dma_semaphore, #tpu.memory_space<semaphore_mem>>) src(%dma_wait3A_235 : memref<10000x128xf32, #tpu.memory_space<hbm>>) dst(%arg16 : memref<128x128xf32, #tpu.memory_space<vmem>>)
    %dma_start3A_236 = arith.constant 0 : i32
    %dma_start3A_237 = arith.constant 0 : i32
    %dma_start3A_238 = tpu.memref_slice %arg19[%dma_start3A_236, %dma_start3A_237] : memref<10112x128xf32, #tpu.memory_space<vmem_shared>> -> memref<10112x128xf32, #tpu.memory_space<vmem_shared>>
    tpu.enqueue_indirect_dma source(%arg16 : memref<128x128xf32, #tpu.memory_space<vmem>>) target(%dma_start3A_238 : memref<10112x128xf32, #tpu.memory_space<vmem_shared>>) offsets(%arg12 : memref<128xi32, #tpu.memory_space<vmem>>) semaphore(%arg22 : memref<!tpu.dma_semaphore, #tpu.memory_space<semaphore_mem>>) {add = true}
    %dma_wait3A_239 = arith.constant 0 : i32
    %dma_wait3A_240 = arith.constant 0 : i32
    %dma_wait3A_241 = tpu.memref_slice %arg19[%dma_wait3A_239, %dma_wait3A_240] : memref<10112x128xf32, #tpu.memory_space<vmem_shared>> -> memref<10112x128xf32, #tpu.memory_space<vmem_shared>>
    tpu.wait_indirect_dma semaphore(%arg23 : memref<!tpu.dma_semaphore, #tpu.memory_space<semaphore_mem>>) src(%arg16 : memref<128x128xf32, #tpu.memory_space<vmem>>) dst(%dma_wait3A_241 : memref<10112x128xf32, #tpu.memory_space<vmem_shared>>)
    %add3A_242 = arith.constant 9856 : i32
    %add3A_243 = arith.addi %mul3A_2, %add3A_242 : i32
    %dma_start3A_244 = tpu.memref_slice %arg3[%add3A_243] : memref<320000xi32, #tpu.memory_space<hbm>> -> memref<128xi32, #tpu.memory_space<hbm>>
    %dma_start3A_245 = tpu.memref_slice %arg3[%add3A_243] : memref<320000xi32, #tpu.memory_space<hbm>> -> memref<128xi32, #tpu.memory_space<hbm>>
    tpu.enqueue_dma source(%dma_start3A_245 : memref<128xi32, #tpu.memory_space<hbm>>) target(%arg7 : memref<128xi32, #tpu.memory_space<vmem>>) target_semaphore(%arg25 : memref<!tpu.dma_semaphore, #tpu.memory_space<semaphore_mem>>)
    %add3A_246 = arith.constant 9856 : i32
    %add3A_247 = arith.addi %mul3A_2, %add3A_246 : i32
    %dma_start3A_248 = tpu.memref_slice %arg4[%add3A_247] : memref<320000xi32, #tpu.memory_space<hbm>> -> memref<128xi32, #tpu.memory_space<hbm>>
    %dma_start3A_249 = tpu.memref_slice %arg4[%add3A_247] : memref<320000xi32, #tpu.memory_space<hbm>> -> memref<128xi32, #tpu.memory_space<hbm>>
    tpu.enqueue_dma source(%dma_start3A_249 : memref<128xi32, #tpu.memory_space<hbm>>) target(%arg11 : memref<128xi32, #tpu.memory_space<vmem>>) target_semaphore(%arg25 : memref<!tpu.dma_semaphore, #tpu.memory_space<semaphore_mem>>)
    %dma_wait3A_250 = arith.constant 0 : i32
    %dma_wait3A_251 = tpu.memref_slice %arg3[%dma_wait3A_250] : memref<320000xi32, #tpu.memory_space<hbm>> -> memref<128xi32, #tpu.memory_space<hbm>>
    %dma_wait3A_252 = arith.constant 0 : i32
    %dma_wait3A_253 = tpu.memref_slice %arg3[%dma_wait3A_252] : memref<320000xi32, #tpu.memory_space<hbm>> -> memref<128xi32, #tpu.memory_space<hbm>>
    tpu.wait_dma2 semaphore(%arg27 : memref<!tpu.dma_semaphore, #tpu.memory_space<semaphore_mem>>) src(%dma_wait3A_253 : memref<128xi32, #tpu.memory_space<hbm>>) dst(%arg9 : memref<128xi32, #tpu.memory_space<vmem>>)
    %dma_wait3A_254 = arith.constant 0 : i32
    %dma_wait3A_255 = tpu.memref_slice %arg4[%dma_wait3A_254] : memref<320000xi32, #tpu.memory_space<hbm>> -> memref<128xi32, #tpu.memory_space<hbm>>
    %dma_wait3A_256 = arith.constant 0 : i32
    %dma_wait3A_257 = tpu.memref_slice %arg4[%dma_wait3A_256] : memref<320000xi32, #tpu.memory_space<hbm>> -> memref<128xi32, #tpu.memory_space<hbm>>
    tpu.wait_dma2 semaphore(%arg27 : memref<!tpu.dma_semaphore, #tpu.memory_space<semaphore_mem>>) src(%dma_wait3A_257 : memref<128xi32, #tpu.memory_space<hbm>>) dst(%arg13 : memref<128xi32, #tpu.memory_space<vmem>>)
    %dma_start3A_258 = arith.constant 0 : i32
    %dma_start3A_259 = arith.constant 0 : i32
    %dma_start3A_260 = tpu.memref_slice %arg2[%dma_start3A_258, %dma_start3A_259] : memref<10000x128xf32, #tpu.memory_space<hbm>> -> memref<10000x128xf32, #tpu.memory_space<hbm>>
    tpu.enqueue_indirect_dma source(%dma_start3A_260 : memref<10000x128xf32, #tpu.memory_space<hbm>>) target(%arg17 : memref<128x128xf32, #tpu.memory_space<vmem>>) offsets(%arg9 : memref<128xi32, #tpu.memory_space<vmem>>) semaphore(%arg21 : memref<!tpu.dma_semaphore, #tpu.memory_space<semaphore_mem>>)
    %dma_wait3A_261 = arith.constant 0 : i32
    %dma_wait3A_262 = arith.constant 0 : i32
    %dma_wait3A_263 = tpu.memref_slice %arg2[%dma_wait3A_261, %dma_wait3A_262] : memref<10000x128xf32, #tpu.memory_space<hbm>> -> memref<10000x128xf32, #tpu.memory_space<hbm>>
    tpu.wait_indirect_dma semaphore(%arg21 : memref<!tpu.dma_semaphore, #tpu.memory_space<semaphore_mem>>) src(%dma_wait3A_263 : memref<10000x128xf32, #tpu.memory_space<hbm>>) dst(%arg17 : memref<128x128xf32, #tpu.memory_space<vmem>>)
    %dma_start3A_264 = arith.constant 0 : i32
    %dma_start3A_265 = arith.constant 0 : i32
    %dma_start3A_266 = tpu.memref_slice %arg19[%dma_start3A_264, %dma_start3A_265] : memref<10112x128xf32, #tpu.memory_space<vmem_shared>> -> memref<10112x128xf32, #tpu.memory_space<vmem_shared>>
    tpu.enqueue_indirect_dma source(%arg17 : memref<128x128xf32, #tpu.memory_space<vmem>>) target(%dma_start3A_266 : memref<10112x128xf32, #tpu.memory_space<vmem_shared>>) offsets(%arg13 : memref<128xi32, #tpu.memory_space<vmem>>) semaphore(%arg23 : memref<!tpu.dma_semaphore, #tpu.memory_space<semaphore_mem>>) {add = true}
    %dma_wait3A_267 = arith.constant 0 : i32
    %dma_wait3A_268 = arith.constant 0 : i32
    %dma_wait3A_269 = tpu.memref_slice %arg19[%dma_wait3A_267, %dma_wait3A_268] : memref<10112x128xf32, #tpu.memory_space<vmem_shared>> -> memref<10112x128xf32, #tpu.memory_space<vmem_shared>>
    tpu.wait_indirect_dma semaphore(%arg22 : memref<!tpu.dma_semaphore, #tpu.memory_space<semaphore_mem>>) src(%arg16 : memref<128x128xf32, #tpu.memory_space<vmem>>) dst(%dma_wait3A_269 : memref<10112x128xf32, #tpu.memory_space<vmem_shared>>)
    %dma_wait3A_270 = arith.constant 0 : i32
    %dma_wait3A_271 = tpu.memref_slice %arg3[%dma_wait3A_270] : memref<320000xi32, #tpu.memory_space<hbm>> -> memref<128xi32, #tpu.memory_space<hbm>>
    %dma_wait3A_272 = arith.constant 0 : i32
    %dma_wait3A_273 = tpu.memref_slice %arg3[%dma_wait3A_272] : memref<320000xi32, #tpu.memory_space<hbm>> -> memref<128xi32, #tpu.memory_space<hbm>>
    tpu.wait_dma2 semaphore(%arg24 : memref<!tpu.dma_semaphore, #tpu.memory_space<semaphore_mem>>) src(%dma_wait3A_273 : memref<128xi32, #tpu.memory_space<hbm>>) dst(%arg6 : memref<128xi32, #tpu.memory_space<vmem>>)
    %dma_wait3A_274 = arith.constant 0 : i32
    %dma_wait3A_275 = tpu.memref_slice %arg4[%dma_wait3A_274] : memref<320000xi32, #tpu.memory_space<hbm>> -> memref<128xi32, #tpu.memory_space<hbm>>
    %dma_wait3A_276 = arith.constant 0 : i32
    %dma_wait3A_277 = tpu.memref_slice %arg4[%dma_wait3A_276] : memref<320000xi32, #tpu.memory_space<hbm>> -> memref<128xi32, #tpu.memory_space<hbm>>
    tpu.wait_dma2 semaphore(%arg24 : memref<!tpu.dma_semaphore, #tpu.memory_space<semaphore_mem>>) src(%dma_wait3A_277 : memref<128xi32, #tpu.memory_space<hbm>>) dst(%arg10 : memref<128xi32, #tpu.memory_space<vmem>>)
    %dma_start3A_278 = arith.constant 0 : i32
    %dma_start3A_279 = arith.constant 0 : i32
    %dma_start3A_280 = tpu.memref_slice %arg2[%dma_start3A_278, %dma_start3A_279] : memref<10000x128xf32, #tpu.memory_space<hbm>> -> memref<10000x128xf32, #tpu.memory_space<hbm>>
    tpu.enqueue_indirect_dma source(%dma_start3A_280 : memref<10000x128xf32, #tpu.memory_space<hbm>>) target(%arg16 : memref<128x128xf32, #tpu.memory_space<vmem>>) offsets(%arg6 : memref<128xi32, #tpu.memory_space<vmem>>) semaphore(%arg20 : memref<!tpu.dma_semaphore, #tpu.memory_space<semaphore_mem>>)
    %dma_wait3A_281 = arith.constant 0 : i32
    %dma_wait3A_282 = arith.constant 0 : i32
    %dma_wait3A_283 = tpu.memref_slice %arg2[%dma_wait3A_281, %dma_wait3A_282] : memref<10000x128xf32, #tpu.memory_space<hbm>> -> memref<10000x128xf32, #tpu.memory_space<hbm>>
    tpu.wait_indirect_dma semaphore(%arg20 : memref<!tpu.dma_semaphore, #tpu.memory_space<semaphore_mem>>) src(%dma_wait3A_283 : memref<10000x128xf32, #tpu.memory_space<hbm>>) dst(%arg16 : memref<128x128xf32, #tpu.memory_space<vmem>>)
    %dma_start3A_284 = arith.constant 0 : i32
    %dma_start3A_285 = arith.constant 0 : i32
    %dma_start3A_286 = tpu.memref_slice %arg19[%dma_start3A_284, %dma_start3A_285] : memref<10112x128xf32, #tpu.memory_space<vmem_shared>> -> memref<10112x128xf32, #tpu.memory_space<vmem_shared>>
    tpu.enqueue_indirect_dma source(%arg16 : memref<128x128xf32, #tpu.memory_space<vmem>>) target(%dma_start3A_286 : memref<10112x128xf32, #tpu.memory_space<vmem_shared>>) offsets(%arg10 : memref<128xi32, #tpu.memory_space<vmem>>) semaphore(%arg22 : memref<!tpu.dma_semaphore, #tpu.memory_space<semaphore_mem>>) {add = true}
    %dma_wait3A_287 = arith.constant 0 : i32
    %dma_wait3A_288 = arith.constant 0 : i32
    %dma_wait3A_289 = tpu.memref_slice %arg19[%dma_wait3A_287, %dma_wait3A_288] : memref<10112x128xf32, #tpu.memory_space<vmem_shared>> -> memref<10112x128xf32, #tpu.memory_space<vmem_shared>>
    tpu.wait_indirect_dma semaphore(%arg23 : memref<!tpu.dma_semaphore, #tpu.memory_space<semaphore_mem>>) src(%arg16 : memref<128x128xf32, #tpu.memory_space<vmem>>) dst(%dma_wait3A_289 : memref<10112x128xf32, #tpu.memory_space<vmem_shared>>)
    %dma_wait3A_290 = arith.constant 0 : i32
    %dma_wait3A_291 = tpu.memref_slice %arg3[%dma_wait3A_290] : memref<320000xi32, #tpu.memory_space<hbm>> -> memref<128xi32, #tpu.memory_space<hbm>>
    %dma_wait3A_292 = arith.constant 0 : i32
    %dma_wait3A_293 = tpu.memref_slice %arg3[%dma_wait3A_292] : memref<320000xi32, #tpu.memory_space<hbm>> -> memref<128xi32, #tpu.memory_space<hbm>>
    tpu.wait_dma2 semaphore(%arg25 : memref<!tpu.dma_semaphore, #tpu.memory_space<semaphore_mem>>) src(%dma_wait3A_293 : memref<128xi32, #tpu.memory_space<hbm>>) dst(%arg7 : memref<128xi32, #tpu.memory_space<vmem>>)
    %dma_wait3A_294 = arith.constant 0 : i32
    %dma_wait3A_295 = tpu.memref_slice %arg4[%dma_wait3A_294] : memref<320000xi32, #tpu.memory_space<hbm>> -> memref<128xi32, #tpu.memory_space<hbm>>
    %dma_wait3A_296 = arith.constant 0 : i32
    %dma_wait3A_297 = tpu.memref_slice %arg4[%dma_wait3A_296] : memref<320000xi32, #tpu.memory_space<hbm>> -> memref<128xi32, #tpu.memory_space<hbm>>
    tpu.wait_dma2 semaphore(%arg25 : memref<!tpu.dma_semaphore, #tpu.memory_space<semaphore_mem>>) src(%dma_wait3A_297 : memref<128xi32, #tpu.memory_space<hbm>>) dst(%arg11 : memref<128xi32, #tpu.memory_space<vmem>>)
    %dma_start3A_298 = arith.constant 0 : i32
    %dma_start3A_299 = arith.constant 0 : i32
    %dma_start3A_300 = tpu.memref_slice %arg2[%dma_start3A_298, %dma_start3A_299] : memref<10000x128xf32, #tpu.memory_space<hbm>> -> memref<10000x128xf32, #tpu.memory_space<hbm>>
    tpu.enqueue_indirect_dma source(%dma_start3A_300 : memref<10000x128xf32, #tpu.memory_space<hbm>>) target(%arg17 : memref<128x128xf32, #tpu.memory_space<vmem>>) offsets(%arg7 : memref<128xi32, #tpu.memory_space<vmem>>) semaphore(%arg21 : memref<!tpu.dma_semaphore, #tpu.memory_space<semaphore_mem>>)
    %dma_wait3A_301 = arith.constant 0 : i32
    %dma_wait3A_302 = arith.constant 0 : i32
    %dma_wait3A_303 = tpu.memref_slice %arg2[%dma_wait3A_301, %dma_wait3A_302] : memref<10000x128xf32, #tpu.memory_space<hbm>> -> memref<10000x128xf32, #tpu.memory_space<hbm>>
    tpu.wait_indirect_dma semaphore(%arg21 : memref<!tpu.dma_semaphore, #tpu.memory_space<semaphore_mem>>) src(%dma_wait3A_303 : memref<10000x128xf32, #tpu.memory_space<hbm>>) dst(%arg17 : memref<128x128xf32, #tpu.memory_space<vmem>>)
    %dma_start3A_304 = arith.constant 0 : i32
    %dma_start3A_305 = arith.constant 0 : i32
    %dma_start3A_306 = tpu.memref_slice %arg19[%dma_start3A_304, %dma_start3A_305] : memref<10112x128xf32, #tpu.memory_space<vmem_shared>> -> memref<10112x128xf32, #tpu.memory_space<vmem_shared>>
    tpu.enqueue_indirect_dma source(%arg17 : memref<128x128xf32, #tpu.memory_space<vmem>>) target(%dma_start3A_306 : memref<10112x128xf32, #tpu.memory_space<vmem_shared>>) offsets(%arg11 : memref<128xi32, #tpu.memory_space<vmem>>) semaphore(%arg23 : memref<!tpu.dma_semaphore, #tpu.memory_space<semaphore_mem>>) {add = true}
    %dma_wait3A_307 = arith.constant 0 : i32
    %dma_wait3A_308 = arith.constant 0 : i32
    %dma_wait3A_309 = tpu.memref_slice %arg19[%dma_wait3A_307, %dma_wait3A_308] : memref<10112x128xf32, #tpu.memory_space<vmem_shared>> -> memref<10112x128xf32, #tpu.memory_space<vmem_shared>>
    tpu.wait_indirect_dma semaphore(%arg22 : memref<!tpu.dma_semaphore, #tpu.memory_space<semaphore_mem>>) src(%arg16 : memref<128x128xf32, #tpu.memory_space<vmem>>) dst(%dma_wait3A_309 : memref<10112x128xf32, #tpu.memory_space<vmem_shared>>)
    %dma_wait3A_310 = arith.constant 0 : i32
    %dma_wait3A_311 = arith.constant 0 : i32
    %dma_wait3A_312 = tpu.memref_slice %arg19[%dma_wait3A_310, %dma_wait3A_311] : memref<10112x128xf32, #tpu.memory_space<vmem_shared>> -> memref<10112x128xf32, #tpu.memory_space<vmem_shared>>
    tpu.wait_indirect_dma semaphore(%arg23 : memref<!tpu.dma_semaphore, #tpu.memory_space<semaphore_mem>>) src(%arg16 : memref<128x128xf32, #tpu.memory_space<vmem>>) dst(%dma_wait3A_312 : memref<10112x128xf32, #tpu.memory_space<vmem_shared>>)
    %dma_wait3A_313 = arith.constant 0 : i32
    %dma_wait3A_314 = tpu.memref_slice %arg3[%dma_wait3A_313] : memref<320000xi32, #tpu.memory_space<hbm>> -> memref<16xi32, #tpu.memory_space<hbm>>
    %dma_wait3A_315 = arith.constant 0 : i32
    %dma_wait3A_316 = tpu.memref_slice %arg3[%dma_wait3A_315] : memref<320000xi32, #tpu.memory_space<hbm>> -> memref<16xi32, #tpu.memory_space<hbm>>
    tpu.wait_dma2 semaphore(%arg28 : memref<!tpu.dma_semaphore, #tpu.memory_space<semaphore_mem>>) src(%dma_wait3A_316 : memref<16xi32, #tpu.memory_space<hbm>>) dst(%arg14 : memref<16xi32, #tpu.memory_space<vmem>>)
    %dma_wait3A_317 = arith.constant 0 : i32
    %dma_wait3A_318 = tpu.memref_slice %arg4[%dma_wait3A_317] : memref<320000xi32, #tpu.memory_space<hbm>> -> memref<16xi32, #tpu.memory_space<hbm>>
    %dma_wait3A_319 = arith.constant 0 : i32
    %dma_wait3A_320 = tpu.memref_slice %arg4[%dma_wait3A_319] : memref<320000xi32, #tpu.memory_space<hbm>> -> memref<16xi32, #tpu.memory_space<hbm>>
    tpu.wait_dma2 semaphore(%arg28 : memref<!tpu.dma_semaphore, #tpu.memory_space<semaphore_mem>>) src(%dma_wait3A_320 : memref<16xi32, #tpu.memory_space<hbm>>) dst(%arg15 : memref<16xi32, #tpu.memory_space<vmem>>)
    %dma_start3A_321 = arith.constant 0 : i32
    %dma_start3A_322 = arith.constant 0 : i32
    %dma_start3A_323 = tpu.memref_slice %arg2[%dma_start3A_321, %dma_start3A_322] : memref<10000x128xf32, #tpu.memory_space<hbm>> -> memref<10000x128xf32, #tpu.memory_space<hbm>>
    tpu.enqueue_indirect_dma source(%dma_start3A_323 : memref<10000x128xf32, #tpu.memory_space<hbm>>) target(%arg18 : memref<16x128xf32, #tpu.memory_space<vmem>>) offsets(%arg14 : memref<16xi32, #tpu.memory_space<vmem>>) semaphore(%arg20 : memref<!tpu.dma_semaphore, #tpu.memory_space<semaphore_mem>>)
    %dma_wait3A_324 = arith.constant 0 : i32
    %dma_wait3A_325 = arith.constant 0 : i32
    %dma_wait3A_326 = tpu.memref_slice %arg2[%dma_wait3A_324, %dma_wait3A_325] : memref<10000x128xf32, #tpu.memory_space<hbm>> -> memref<10000x128xf32, #tpu.memory_space<hbm>>
    tpu.wait_indirect_dma semaphore(%arg20 : memref<!tpu.dma_semaphore, #tpu.memory_space<semaphore_mem>>) src(%dma_wait3A_326 : memref<10000x128xf32, #tpu.memory_space<hbm>>) dst(%arg18 : memref<16x128xf32, #tpu.memory_space<vmem>>)
    "tpu.region"() ({
      %run_scoped3A = tpu.sem_alloc : memref<!tpu.dma_semaphore, #tpu.memory_space<semaphore_mem>>
      %dma_start3A_346 = arith.constant 0 : i32
      %dma_start3A_347 = arith.constant 0 : i32
      %dma_start3A_348 = tpu.memref_slice %arg19[%dma_start3A_346, %dma_start3A_347] : memref<10112x128xf32, #tpu.memory_space<vmem_shared>> -> memref<10112x128xf32, #tpu.memory_space<vmem_shared>>
      tpu.enqueue_indirect_dma source(%arg18 : memref<16x128xf32, #tpu.memory_space<vmem>>) target(%dma_start3A_348 : memref<10112x128xf32, #tpu.memory_space<vmem_shared>>) offsets(%arg15 : memref<16xi32, #tpu.memory_space<vmem>>) semaphore(%run_scoped3A : memref<!tpu.dma_semaphore, #tpu.memory_space<semaphore_mem>>) {add = true}
      %dma_wait3A_349 = arith.constant 0 : i32
      %dma_wait3A_350 = arith.constant 0 : i32
      %dma_wait3A_351 = tpu.memref_slice %arg19[%dma_wait3A_349, %dma_wait3A_350] : memref<10112x128xf32, #tpu.memory_space<vmem_shared>> -> memref<10112x128xf32, #tpu.memory_space<vmem_shared>>
      tpu.wait_indirect_dma semaphore(%run_scoped3A : memref<!tpu.dma_semaphore, #tpu.memory_space<semaphore_mem>>) src(%arg18 : memref<16x128xf32, #tpu.memory_space<vmem>>) dst(%dma_wait3A_351 : memref<10112x128xf32, #tpu.memory_space<vmem_shared>>)
      tpu.yield
    }) : () -> ()
    %barrier3A_327 = arith.constant 0 : index
    tpu.barrier barrier_id(%barrier3A_327)
    %add3A_328 = arith.constant 0 : i32
    %add3A_329 = arith.addi %mul3A_4, %add3A_328 : i32
    "tpu.region"() ({
      %run_scoped3A = tpu.sem_alloc : memref<!tpu.dma_semaphore, #tpu.memory_space<semaphore_mem>>
      %dma_start3A_346 = arith.constant 0 : i32
      %dma_start3A_347 = tpu.memref_slice %arg19[%add3A_329, %dma_start3A_346] : memref<10112x128xf32, #tpu.memory_space<vmem_shared>> -> memref<128x128xf32, #tpu.memory_space<vmem_shared>>
      %dma_start3A_348 = arith.constant 0 : i32
      %dma_start3A_349 = tpu.memref_slice %arg19[%add3A_329, %dma_start3A_348] : memref<10112x128xf32, #tpu.memory_space<vmem_shared>> -> memref<128x128xf32, #tpu.memory_space<vmem_shared>>
      tpu.enqueue_dma source(%dma_start3A_349 : memref<128x128xf32, #tpu.memory_space<vmem_shared>>) target(%arg16 : memref<128x128xf32, #tpu.memory_space<vmem>>) target_semaphore(%run_scoped3A : memref<!tpu.dma_semaphore, #tpu.memory_space<semaphore_mem>>)
      %dma_wait3A_350 = arith.constant 0 : i32
      %dma_wait3A_351 = tpu.memref_slice %arg19[%add3A_329, %dma_wait3A_350] : memref<10112x128xf32, #tpu.memory_space<vmem_shared>> -> memref<128x128xf32, #tpu.memory_space<vmem_shared>>
      %dma_wait3A_352 = arith.constant 0 : i32
      %dma_wait3A_353 = tpu.memref_slice %arg19[%add3A_329, %dma_wait3A_352] : memref<10112x128xf32, #tpu.memory_space<vmem_shared>> -> memref<128x128xf32, #tpu.memory_space<vmem_shared>>
      tpu.wait_dma2 semaphore(%run_scoped3A : memref<!tpu.dma_semaphore, #tpu.memory_space<semaphore_mem>>) src(%dma_wait3A_353 : memref<128x128xf32, #tpu.memory_space<vmem_shared>>) dst(%arg16 : memref<128x128xf32, #tpu.memory_space<vmem>>)
      tpu.yield
    }) : () -> ()
    %add3A_330 = arith.constant 0 : i32
    %add3A_331 = arith.addi %mul3A_4, %add3A_330 : i32
    "tpu.region"() ({
      %run_scoped3A = tpu.sem_alloc : memref<!tpu.dma_semaphore, #tpu.memory_space<semaphore_mem>>
      %dma_start3A_346 = arith.constant 0 : i32
      %dma_start3A_347 = tpu.memref_slice %arg5[%arg0, %add3A_331, %dma_start3A_346] : memref<2x10112x128xf32, #tpu.memory_space<hbm>> -> memref<1x128x128xf32, #tpu.memory_space<hbm>>
      %dma_start3A_348 = tpu.memref_squeeze %dma_start3A_347 : memref<1x128x128xf32, #tpu.memory_space<hbm>> -> memref<128x128xf32, #tpu.memory_space<hbm>>
      %dma_start3A_349 = arith.constant 0 : i32
      %dma_start3A_350 = tpu.memref_slice %arg5[%arg0, %add3A_331, %dma_start3A_349] : memref<2x10112x128xf32, #tpu.memory_space<hbm>> -> memref<1x128x128xf32, #tpu.memory_space<hbm>>
      %dma_start3A_351 = tpu.memref_squeeze %dma_start3A_350 : memref<1x128x128xf32, #tpu.memory_space<hbm>> -> memref<128x128xf32, #tpu.memory_space<hbm>>
      tpu.enqueue_dma source(%arg16 : memref<128x128xf32, #tpu.memory_space<vmem>>) target(%dma_start3A_351 : memref<128x128xf32, #tpu.memory_space<hbm>>) target_semaphore(%run_scoped3A : memref<!tpu.dma_semaphore, #tpu.memory_space<semaphore_mem>>)
      %dma_wait3A_352 = arith.constant 0 : i32
      %dma_wait3A_353 = tpu.memref_slice %arg5[%arg0, %add3A_331, %dma_wait3A_352] : memref<2x10112x128xf32, #tpu.memory_space<hbm>> -> memref<1x128x128xf32, #tpu.memory_space<hbm>>
      %dma_wait3A_354 = tpu.memref_squeeze %dma_wait3A_353 : memref<1x128x128xf32, #tpu.memory_space<hbm>> -> memref<128x128xf32, #tpu.memory_space<hbm>>
      %dma_wait3A_355 = arith.constant 0 : i32
      %dma_wait3A_356 = tpu.memref_slice %arg5[%arg0, %add3A_331, %dma_wait3A_355] : memref<2x10112x128xf32, #tpu.memory_space<hbm>> -> memref<1x128x128xf32, #tpu.memory_space<hbm>>
      %dma_wait3A_357 = tpu.memref_squeeze %dma_wait3A_356 : memref<1x128x128xf32, #tpu.memory_space<hbm>> -> memref<128x128xf32, #tpu.memory_space<hbm>>
      tpu.wait_dma2 semaphore(%run_scoped3A : memref<!tpu.dma_semaphore, #tpu.memory_space<semaphore_mem>>) src(%arg16 : memref<128x128xf32, #tpu.memory_space<vmem>>) dst(%dma_wait3A_357 : memref<128x128xf32, #tpu.memory_space<hbm>>)
      tpu.yield
    }) : () -> ()
    %add3A_332 = arith.constant 128 : i32
    %add3A_333 = arith.addi %mul3A_4, %add3A_332 : i32
    "tpu.region"() ({
      %run_scoped3A = tpu.sem_alloc : memref<!tpu.dma_semaphore, #tpu.memory_space<semaphore_mem>>
      %dma_start3A_346 = arith.constant 0 : i32
      %dma_start3A_347 = tpu.memref_slice %arg19[%add3A_333, %dma_start3A_346] : memref<10112x128xf32, #tpu.memory_space<vmem_shared>> -> memref<128x128xf32, #tpu.memory_space<vmem_shared>>
      %dma_start3A_348 = arith.constant 0 : i32
      %dma_start3A_349 = tpu.memref_slice %arg19[%add3A_333, %dma_start3A_348] : memref<10112x128xf32, #tpu.memory_space<vmem_shared>> -> memref<128x128xf32, #tpu.memory_space<vmem_shared>>
      tpu.enqueue_dma source(%dma_start3A_349 : memref<128x128xf32, #tpu.memory_space<vmem_shared>>) target(%arg16 : memref<128x128xf32, #tpu.memory_space<vmem>>) target_semaphore(%run_scoped3A : memref<!tpu.dma_semaphore, #tpu.memory_space<semaphore_mem>>)
      %dma_wait3A_350 = arith.constant 0 : i32
      %dma_wait3A_351 = tpu.memref_slice %arg19[%add3A_333, %dma_wait3A_350] : memref<10112x128xf32, #tpu.memory_space<vmem_shared>> -> memref<128x128xf32, #tpu.memory_space<vmem_shared>>
      %dma_wait3A_352 = arith.constant 0 : i32
      %dma_wait3A_353 = tpu.memref_slice %arg19[%add3A_333, %dma_wait3A_352] : memref<10112x128xf32, #tpu.memory_space<vmem_shared>> -> memref<128x128xf32, #tpu.memory_space<vmem_shared>>
      tpu.wait_dma2 semaphore(%run_scoped3A : memref<!tpu.dma_semaphore, #tpu.memory_space<semaphore_mem>>) src(%dma_wait3A_353 : memref<128x128xf32, #tpu.memory_space<vmem_shared>>) dst(%arg16 : memref<128x128xf32, #tpu.memory_space<vmem>>)
      tpu.yield
    }) : () -> ()
    %add3A_334 = arith.constant 128 : i32
    %add3A_335 = arith.addi %mul3A_4, %add3A_334 : i32
    "tpu.region"() ({
      %run_scoped3A = tpu.sem_alloc : memref<!tpu.dma_semaphore, #tpu.memory_space<semaphore_mem>>
      %dma_start3A_346 = arith.constant 0 : i32
      %dma_start3A_347 = tpu.memref_slice %arg5[%arg0, %add3A_335, %dma_start3A_346] : memref<2x10112x128xf32, #tpu.memory_space<hbm>> -> memref<1x128x128xf32, #tpu.memory_space<hbm>>
      %dma_start3A_348 = tpu.memref_squeeze %dma_start3A_347 : memref<1x128x128xf32, #tpu.memory_space<hbm>> -> memref<128x128xf32, #tpu.memory_space<hbm>>
      %dma_start3A_349 = arith.constant 0 : i32
      %dma_start3A_350 = tpu.memref_slice %arg5[%arg0, %add3A_335, %dma_start3A_349] : memref<2x10112x128xf32, #tpu.memory_space<hbm>> -> memref<1x128x128xf32, #tpu.memory_space<hbm>>
      %dma_start3A_351 = tpu.memref_squeeze %dma_start3A_350 : memref<1x128x128xf32, #tpu.memory_space<hbm>> -> memref<128x128xf32, #tpu.memory_space<hbm>>
      tpu.enqueue_dma source(%arg16 : memref<128x128xf32, #tpu.memory_space<vmem>>) target(%dma_start3A_351 : memref<128x128xf32, #tpu.memory_space<hbm>>) target_semaphore(%run_scoped3A : memref<!tpu.dma_semaphore, #tpu.memory_space<semaphore_mem>>)
      %dma_wait3A_352 = arith.constant 0 : i32
      %dma_wait3A_353 = tpu.memref_slice %arg5[%arg0, %add3A_335, %dma_wait3A_352] : memref<2x10112x128xf32, #tpu.memory_space<hbm>> -> memref<1x128x128xf32, #tpu.memory_space<hbm>>
      %dma_wait3A_354 = tpu.memref_squeeze %dma_wait3A_353 : memref<1x128x128xf32, #tpu.memory_space<hbm>> -> memref<128x128xf32, #tpu.memory_space<hbm>>
      %dma_wait3A_355 = arith.constant 0 : i32
      %dma_wait3A_356 = tpu.memref_slice %arg5[%arg0, %add3A_335, %dma_wait3A_355] : memref<2x10112x128xf32, #tpu.memory_space<hbm>> -> memref<1x128x128xf32, #tpu.memory_space<hbm>>
      %dma_wait3A_357 = tpu.memref_squeeze %dma_wait3A_356 : memref<1x128x128xf32, #tpu.memory_space<hbm>> -> memref<128x128xf32, #tpu.memory_space<hbm>>
      tpu.wait_dma2 semaphore(%run_scoped3A : memref<!tpu.dma_semaphore, #tpu.memory_space<semaphore_mem>>) src(%arg16 : memref<128x128xf32, #tpu.memory_space<vmem>>) dst(%dma_wait3A_357 : memref<128x128xf32, #tpu.memory_space<hbm>>)
      tpu.yield
    }) : () -> ()
    %add3A_336 = arith.constant 256 : i32
    %add3A_337 = arith.addi %mul3A_4, %add3A_336 : i32
    "tpu.region"() ({
      %run_scoped3A = tpu.sem_alloc : memref<!tpu.dma_semaphore, #tpu.memory_space<semaphore_mem>>
      %dma_start3A_346 = arith.constant 0 : i32
      %dma_start3A_347 = tpu.memref_slice %arg19[%add3A_337, %dma_start3A_346] : memref<10112x128xf32, #tpu.memory_space<vmem_shared>> -> memref<128x128xf32, #tpu.memory_space<vmem_shared>>
      %dma_start3A_348 = arith.constant 0 : i32
      %dma_start3A_349 = tpu.memref_slice %arg19[%add3A_337, %dma_start3A_348] : memref<10112x128xf32, #tpu.memory_space<vmem_shared>> -> memref<128x128xf32, #tpu.memory_space<vmem_shared>>
      tpu.enqueue_dma source(%dma_start3A_349 : memref<128x128xf32, #tpu.memory_space<vmem_shared>>) target(%arg16 : memref<128x128xf32, #tpu.memory_space<vmem>>) target_semaphore(%run_scoped3A : memref<!tpu.dma_semaphore, #tpu.memory_space<semaphore_mem>>)
      %dma_wait3A_350 = arith.constant 0 : i32
      %dma_wait3A_351 = tpu.memref_slice %arg19[%add3A_337, %dma_wait3A_350] : memref<10112x128xf32, #tpu.memory_space<vmem_shared>> -> memref<128x128xf32, #tpu.memory_space<vmem_shared>>
      %dma_wait3A_352 = arith.constant 0 : i32
      %dma_wait3A_353 = tpu.memref_slice %arg19[%add3A_337, %dma_wait3A_352] : memref<10112x128xf32, #tpu.memory_space<vmem_shared>> -> memref<128x128xf32, #tpu.memory_space<vmem_shared>>
      tpu.wait_dma2 semaphore(%run_scoped3A : memref<!tpu.dma_semaphore, #tpu.memory_space<semaphore_mem>>) src(%dma_wait3A_353 : memref<128x128xf32, #tpu.memory_space<vmem_shared>>) dst(%arg16 : memref<128x128xf32, #tpu.memory_space<vmem>>)
      tpu.yield
    }) : () -> ()
    %add3A_338 = arith.constant 256 : i32
    %add3A_339 = arith.addi %mul3A_4, %add3A_338 : i32
    "tpu.region"() ({
      %run_scoped3A = tpu.sem_alloc : memref<!tpu.dma_semaphore, #tpu.memory_space<semaphore_mem>>
      %dma_start3A_346 = arith.constant 0 : i32
      %dma_start3A_347 = tpu.memref_slice %arg5[%arg0, %add3A_339, %dma_start3A_346] : memref<2x10112x128xf32, #tpu.memory_space<hbm>> -> memref<1x128x128xf32, #tpu.memory_space<hbm>>
      %dma_start3A_348 = tpu.memref_squeeze %dma_start3A_347 : memref<1x128x128xf32, #tpu.memory_space<hbm>> -> memref<128x128xf32, #tpu.memory_space<hbm>>
      %dma_start3A_349 = arith.constant 0 : i32
      %dma_start3A_350 = tpu.memref_slice %arg5[%arg0, %add3A_339, %dma_start3A_349] : memref<2x10112x128xf32, #tpu.memory_space<hbm>> -> memref<1x128x128xf32, #tpu.memory_space<hbm>>
      %dma_start3A_351 = tpu.memref_squeeze %dma_start3A_350 : memref<1x128x128xf32, #tpu.memory_space<hbm>> -> memref<128x128xf32, #tpu.memory_space<hbm>>
      tpu.enqueue_dma source(%arg16 : memref<128x128xf32, #tpu.memory_space<vmem>>) target(%dma_start3A_351 : memref<128x128xf32, #tpu.memory_space<hbm>>) target_semaphore(%run_scoped3A : memref<!tpu.dma_semaphore, #tpu.memory_space<semaphore_mem>>)
      %dma_wait3A_352 = arith.constant 0 : i32
      %dma_wait3A_353 = tpu.memref_slice %arg5[%arg0, %add3A_339, %dma_wait3A_352] : memref<2x10112x128xf32, #tpu.memory_space<hbm>> -> memref<1x128x128xf32, #tpu.memory_space<hbm>>
      %dma_wait3A_354 = tpu.memref_squeeze %dma_wait3A_353 : memref<1x128x128xf32, #tpu.memory_space<hbm>> -> memref<128x128xf32, #tpu.memory_space<hbm>>
      %dma_wait3A_355 = arith.constant 0 : i32
      %dma_wait3A_356 = tpu.memref_slice %arg5[%arg0, %add3A_339, %dma_wait3A_355] : memref<2x10112x128xf32, #tpu.memory_space<hbm>> -> memref<1x128x128xf32, #tpu.memory_space<hbm>>
      %dma_wait3A_357 = tpu.memref_squeeze %dma_wait3A_356 : memref<1x128x128xf32, #tpu.memory_space<hbm>> -> memref<128x128xf32, #tpu.memory_space<hbm>>
      tpu.wait_dma2 semaphore(%run_scoped3A : memref<!tpu.dma_semaphore, #tpu.memory_space<semaphore_mem>>) src(%arg16 : memref<128x128xf32, #tpu.memory_space<vmem>>) dst(%dma_wait3A_357 : memref<128x128xf32, #tpu.memory_space<hbm>>)
      tpu.yield
    }) : () -> ()
    %add3A_340 = arith.constant 384 : i32
    %add3A_341 = arith.addi %mul3A_4, %add3A_340 : i32
    "tpu.region"() ({
      %run_scoped3A = tpu.sem_alloc : memref<!tpu.dma_semaphore, #tpu.memory_space<semaphore_mem>>
      %dma_start3A_346 = arith.constant 0 : i32
      %dma_start3A_347 = tpu.memref_slice %arg19[%add3A_341, %dma_start3A_346] : memref<10112x128xf32, #tpu.memory_space<vmem_shared>> -> memref<128x128xf32, #tpu.memory_space<vmem_shared>>
      %dma_start3A_348 = arith.constant 0 : i32
      %dma_start3A_349 = tpu.memref_slice %arg19[%add3A_341, %dma_start3A_348] : memref<10112x128xf32, #tpu.memory_space<vmem_shared>> -> memref<128x128xf32, #tpu.memory_space<vmem_shared>>
      tpu.enqueue_dma source(%dma_start3A_349 : memref<128x128xf32, #tpu.memory_space<vmem_shared>>) target(%arg16 : memref<128x128xf32, #tpu.memory_space<vmem>>) target_semaphore(%run_scoped3A : memref<!tpu.dma_semaphore, #tpu.memory_space<semaphore_mem>>)
      %dma_wait3A_350 = arith.constant 0 : i32
      %dma_wait3A_351 = tpu.memref_slice %arg19[%add3A_341, %dma_wait3A_350] : memref<10112x128xf32, #tpu.memory_space<vmem_shared>> -> memref<128x128xf32, #tpu.memory_space<vmem_shared>>
      %dma_wait3A_352 = arith.constant 0 : i32
      %dma_wait3A_353 = tpu.memref_slice %arg19[%add3A_341, %dma_wait3A_352] : memref<10112x128xf32, #tpu.memory_space<vmem_shared>> -> memref<128x128xf32, #tpu.memory_space<vmem_shared>>
      tpu.wait_dma2 semaphore(%run_scoped3A : memref<!tpu.dma_semaphore, #tpu.memory_space<semaphore_mem>>) src(%dma_wait3A_353 : memref<128x128xf32, #tpu.memory_space<vmem_shared>>) dst(%arg16 : memref<128x128xf32, #tpu.memory_space<vmem>>)
      tpu.yield
    }) : () -> ()
    %add3A_342 = arith.constant 384 : i32
    %add3A_343 = arith.addi %mul3A_4, %add3A_342 : i32
    "tpu.region"() ({
      %run_scoped3A = tpu.sem_alloc : memref<!tpu.dma_semaphore, #tpu.memory_space<semaphore_mem>>
      %dma_start3A_346 = arith.constant 0 : i32
      %dma_start3A_347 = tpu.memref_slice %arg5[%arg0, %add3A_343, %dma_start3A_346] : memref<2x10112x128xf32, #tpu.memory_space<hbm>> -> memref<1x128x128xf32, #tpu.memory_space<hbm>>
      %dma_start3A_348 = tpu.memref_squeeze %dma_start3A_347 : memref<1x128x128xf32, #tpu.memory_space<hbm>> -> memref<128x128xf32, #tpu.memory_space<hbm>>
      %dma_start3A_349 = arith.constant 0 : i32
      %dma_start3A_350 = tpu.memref_slice %arg5[%arg0, %add3A_343, %dma_start3A_349] : memref<2x10112x128xf32, #tpu.memory_space<hbm>> -> memref<1x128x128xf32, #tpu.memory_space<hbm>>
      %dma_start3A_351 = tpu.memref_squeeze %dma_start3A_350 : memref<1x128x128xf32, #tpu.memory_space<hbm>> -> memref<128x128xf32, #tpu.memory_space<hbm>>
      tpu.enqueue_dma source(%arg16 : memref<128x128xf32, #tpu.memory_space<vmem>>) target(%dma_start3A_351 : memref<128x128xf32, #tpu.memory_space<hbm>>) target_semaphore(%run_scoped3A : memref<!tpu.dma_semaphore, #tpu.memory_space<semaphore_mem>>)
      %dma_wait3A_352 = arith.constant 0 : i32
      %dma_wait3A_353 = tpu.memref_slice %arg5[%arg0, %add3A_343, %dma_wait3A_352] : memref<2x10112x128xf32, #tpu.memory_space<hbm>> -> memref<1x128x128xf32, #tpu.memory_space<hbm>>
      %dma_wait3A_354 = tpu.memref_squeeze %dma_wait3A_353 : memref<1x128x128xf32, #tpu.memory_space<hbm>> -> memref<128x128xf32, #tpu.memory_space<hbm>>
      %dma_wait3A_355 = arith.constant 0 : i32
      %dma_wait3A_356 = tpu.memref_slice %arg5[%arg0, %add3A_343, %dma_wait3A_355] : memref<2x10112x128xf32, #tpu.memory_space<hbm>> -> memref<1x128x128xf32, #tpu.memory_space<hbm>>
      %dma_wait3A_357 = tpu.memref_squeeze %dma_wait3A_356 : memref<1x128x128xf32, #tpu.memory_space<hbm>> -> memref<128x128xf32, #tpu.memory_space<hbm>>
      tpu.wait_dma2 semaphore(%run_scoped3A : memref<!tpu.dma_semaphore, #tpu.memory_space<semaphore_mem>>) src(%arg16 : memref<128x128xf32, #tpu.memory_space<vmem>>) dst(%dma_wait3A_357 : memref<128x128xf32, #tpu.memory_space<hbm>>)
      tpu.yield
    }) : () -> ()
    %add3A_344 = arith.constant 512 : i32
    %add3A_345 = arith.addi %mul3A_4, %add3A_344 : i32
    "tpu.region"() ({
      %run_scoped3A = tpu.sem_alloc : memref<!tpu.dma_semaphore, #tpu.memory_space<semaphore_mem>>
      %dma_start3A_346 = arith.constant 0 : i32
      %dma_start3A_347 = arith.constant 0 : i32
      %dma_start3A_348 = tpu.memref_slice %arg16[%dma_start3A_346, %dma_start3A_347] : memref<128x128xf32, #tpu.memory_space<vmem>> -> memref<120x128xf32, #tpu.memory_space<vmem>>
      %dma_start3A_349 = arith.constant 0 : i32
      %dma_start3A_350 = tpu.memref_slice %arg19[%add3A_345, %dma_start3A_349] : memref<10112x128xf32, #tpu.memory_space<vmem_shared>> -> memref<120x128xf32, #tpu.memory_space<vmem_shared>>
      %dma_start3A_351 = arith.constant 0 : i32
      %dma_start3A_352 = arith.constant 0 : i32
      %dma_start3A_353 = tpu.memref_slice %arg16[%dma_start3A_351, %dma_start3A_352] : memref<128x128xf32, #tpu.memory_space<vmem>> -> memref<120x128xf32, #tpu.memory_space<vmem>>
      %dma_start3A_354 = arith.constant 0 : i32
      %dma_start3A_355 = tpu.memref_slice %arg19[%add3A_345, %dma_start3A_354] : memref<10112x128xf32, #tpu.memory_space<vmem_shared>> -> memref<120x128xf32, #tpu.memory_space<vmem_shared>>
      tpu.enqueue_dma source(%dma_start3A_355 : memref<120x128xf32, #tpu.memory_space<vmem_shared>>) target(%dma_start3A_353 : memref<120x128xf32, #tpu.memory_space<vmem>>) target_semaphore(%run_scoped3A : memref<!tpu.dma_semaphore, #tpu.memory_space<semaphore_mem>>)
      %dma_wait3A_356 = arith.constant 0 : i32
      %dma_wait3A_357 = arith.constant 0 : i32
      %dma_wait3A_358 = tpu.memref_slice %arg16[%dma_wait3A_356, %dma_wait3A_357] : memref<128x128xf32, #tpu.memory_space<vmem>> -> memref<120x128xf32, #tpu.memory_space<vmem>>
      %dma_wait3A_359 = arith.constant 0 : i32
      %dma_wait3A_360 = tpu.memref_slice %arg19[%add3A_345, %dma_wait3A_359] : memref<10112x128xf32, #tpu.memory_space<vmem_shared>> -> memref<120x128xf32, #tpu.memory_space<vmem_shared>>
      %dma_wait3A_361 = arith.constant 0 : i32
      %dma_wait3A_362 = arith.constant 0 : i32
      %dma_wait3A_363 = tpu.memref_slice %arg16[%dma_wait3A_361, %dma_wait3A_362] : memref<128x128xf32, #tpu.memory_space<vmem>> -> memref<120x128xf32, #tpu.memory_space<vmem>>
      %dma_wait3A_364 = arith.constant 0 : i32
      %dma_wait3A_365 = tpu.memref_slice %arg19[%add3A_345, %dma_wait3A_364] : memref<10112x128xf32, #tpu.memory_space<vmem_shared>> -> memref<120x128xf32, #tpu.memory_space<vmem_shared>>
      tpu.wait_dma2 semaphore(%run_scoped3A : memref<!tpu.dma_semaphore, #tpu.memory_space<semaphore_mem>>) src(%dma_wait3A_365 : memref<120x128xf32, #tpu.memory_space<vmem_shared>>) dst(%dma_wait3A_363 : memref<120x128xf32, #tpu.memory_space<vmem>>)
      tpu.yield
    }) : () -> ()
    "tpu.region"() ({
      %run_scoped3A = tpu.sem_alloc : memref<!tpu.dma_semaphore, #tpu.memory_space<semaphore_mem>>
      %dma_start3A_346 = arith.constant 0 : i32
      %dma_start3A_347 = arith.constant 0 : i32
      %dma_start3A_348 = tpu.memref_slice %arg16[%dma_start3A_346, %dma_start3A_347] : memref<128x128xf32, #tpu.memory_space<vmem>> -> memref<120x128xf32, #tpu.memory_space<vmem>>
      %dma_start3A_349 = arith.constant 0 : i32
      %dma_start3A_350 = tpu.memref_slice %arg5[%arg0, %add3A_345, %dma_start3A_349] : memref<2x10112x128xf32, #tpu.memory_space<hbm>> -> memref<1x120x128xf32, #tpu.memory_space<hbm>>
      %dma_start3A_351 = tpu.memref_squeeze %dma_start3A_350 : memref<1x120x128xf32, #tpu.memory_space<hbm>> -> memref<120x128xf32, #tpu.memory_space<hbm>>
      %dma_start3A_352 = arith.constant 0 : i32
      %dma_start3A_353 = tpu.memref_slice %arg5[%arg0, %add3A_345, %dma_start3A_352] : memref<2x10112x128xf32, #tpu.memory_space<hbm>> -> memref<1x120x128xf32, #tpu.memory_space<hbm>>
      %dma_start3A_354 = tpu.memref_squeeze %dma_start3A_353 : memref<1x120x128xf32, #tpu.memory_space<hbm>> -> memref<120x128xf32, #tpu.memory_space<hbm>>
      %dma_start3A_355 = arith.constant 0 : i32
      %dma_start3A_356 = arith.constant 0 : i32
      %dma_start3A_357 = tpu.memref_slice %arg16[%dma_start3A_355, %dma_start3A_356] : memref<128x128xf32, #tpu.memory_space<vmem>> -> memref<120x128xf32, #tpu.memory_space<vmem>>
      tpu.enqueue_dma source(%dma_start3A_357 : memref<120x128xf32, #tpu.memory_space<vmem>>) target(%dma_start3A_354 : memref<120x128xf32, #tpu.memory_space<hbm>>) target_semaphore(%run_scoped3A : memref<!tpu.dma_semaphore, #tpu.memory_space<semaphore_mem>>)
      %dma_wait3A_358 = arith.constant 0 : i32
      %dma_wait3A_359 = arith.constant 0 : i32
      %dma_wait3A_360 = tpu.memref_slice %arg16[%dma_wait3A_358, %dma_wait3A_359] : memref<128x128xf32, #tpu.memory_space<vmem>> -> memref<120x128xf32, #tpu.memory_space<vmem>>
      %dma_wait3A_361 = arith.constant 0 : i32
      %dma_wait3A_362 = tpu.memref_slice %arg5[%arg0, %add3A_345, %dma_wait3A_361] : memref<2x10112x128xf32, #tpu.memory_space<hbm>> -> memref<1x120x128xf32, #tpu.memory_space<hbm>>
      %dma_wait3A_363 = tpu.memref_squeeze %dma_wait3A_362 : memref<1x120x128xf32, #tpu.memory_space<hbm>> -> memref<120x128xf32, #tpu.memory_space<hbm>>
      %dma_wait3A_364 = arith.constant 0 : i32
      %dma_wait3A_365 = tpu.memref_slice %arg5[%arg0, %add3A_345, %dma_wait3A_364] : memref<2x10112x128xf32, #tpu.memory_space<hbm>> -> memref<1x120x128xf32, #tpu.memory_space<hbm>>
      %dma_wait3A_366 = tpu.memref_squeeze %dma_wait3A_365 : memref<1x120x128xf32, #tpu.memory_space<hbm>> -> memref<120x128xf32, #tpu.memory_space<hbm>>
      %dma_wait3A_367 = arith.constant 0 : i32
      %dma_wait3A_368 = arith.constant 0 : i32
      %dma_wait3A_369 = tpu.memref_slice %arg16[%dma_wait3A_367, %dma_wait3A_368] : memref<128x128xf32, #tpu.memory_space<vmem>> -> memref<120x128xf32, #tpu.memory_space<vmem>>
      tpu.wait_dma2 semaphore(%run_scoped3A : memref<!tpu.dma_semaphore, #tpu.memory_space<semaphore_mem>>) src(%dma_wait3A_369 : memref<120x128xf32, #tpu.memory_space<vmem>>) dst(%dma_wait3A_366 : memref<120x128xf32, #tpu.memory_space<hbm>>)
      tpu.yield
    }) : () -> ()
    return
  }
}

module attributes {stable_mosaic.version = 14 : i64} {
  func.func @_mm_body(%arg0: i32, %arg1: memref<1000x128xf32, #tpu.memory_space<vmem>>, %arg2: memref<128x128xf32, #tpu.memory_space<vmem>>, %arg3: memref<1000x1xf32, #tpu.memory_space<vmem>>, %arg4: memref<1000x128xf32, #tpu.memory_space<vmem>>, %arg5: memref<1000x1xf32, #tpu.memory_space<vmem>>) attributes {dimension_semantics = [#tpu.dimension_semantics<arbitrary>], iteration_bounds = array<i64: 10>, scalar_prefetch = 0 : i64, scratch_operands = 0 : i64, tpu.core_type = #tpu.core_type<tc>, window_params = [{transform_indices = @transform_0, window_bounds = array<i64: 1000, 128>}, {pipeline_mode = #tpu.pipeline_mode<synchronous>, transform_indices = @transform_1, window_bounds = array<i64: 128, 128>}, {transform_indices = @transform_2, window_bounds = array<i64: 1000, 1>}, {transform_indices = @transform_3, window_bounds = array<i64: 1000, 128>}, {transform_indices = @transform_4, window_bounds = array<i64: 1000, 1>}]} {
    %get3A = arith.constant 0 : index
    %get3A_0 = arith.constant 0 : index
    %get3A_1 = vector.load %arg3[%get3A, %get3A_0] : memref<1000x1xf32, #tpu.memory_space<vmem>>, vector<1000x1xf32>
    %add3A = arith.constant 1.000000e+00 : f32
    %add3A_2 = vector.broadcast %add3A : f32 to vector<1000x1xf32>
    %add3A_3 = arith.addf %get3A_1, %add3A_2 : vector<1000x1xf32>
    %rsqrt3A = math.rsqrt %add3A_3 : vector<1000x1xf32>
    %get3A_4 = arith.constant 0 : index
    %get3A_5 = arith.constant 0 : index
    %get3A_6 = vector.load %arg1[%get3A_4, %get3A_5] : memref<1000x128xf32, #tpu.memory_space<vmem>>, vector<1000x128xf32>
    %get3A_7 = arith.constant 0 : index
    %get3A_8 = arith.constant 0 : index
    %get3A_9 = vector.load %arg2[%get3A_7, %get3A_8] : memref<128x128xf32, #tpu.memory_space<vmem>>, vector<128x128xf32>
    %dot_general3A = arith.constant dense<0.000000e+00> : vector<1000x128xf32>
    %dot_general3A_10 = tpu.matmul %get3A_6, %get3A_9, %dot_general3A {dimension_numbers = #tpu.dot_dimension_numbers<[1], [0], [0], [1], [0, 0, 1, 1], [], []>, transpose_lhs_hint = false} : vector<1000x128xf32>, vector<128x128xf32>, vector<1000x128xf32> -> vector<1000x128xf32>
    %mul3A = vector.broadcast %rsqrt3A : vector<1000x1xf32> to vector<1000x128xf32>
    %mul3A_11 = arith.mulf %dot_general3A_10, %mul3A : vector<1000x128xf32>
    %swap3A = arith.constant 0 : index
    %swap3A_12 = arith.constant 0 : index
    %swap3A_13 = vector.load %arg4[%swap3A, %swap3A_12] : memref<1000x128xf32, #tpu.memory_space<vmem>>, vector<1000x128xf32>
    tpu.vector_store %arg4[%swap3A, %swap3A_12], %mul3A_11 {strides = array<i32>} : memref<1000x128xf32, #tpu.memory_space<vmem>>, vector<1000x128xf32>,
    %swap3A_14 = arith.constant 0 : index
    %swap3A_15 = arith.constant 0 : index
    %swap3A_16 = vector.load %arg5[%swap3A_14, %swap3A_15] : memref<1000x1xf32, #tpu.memory_space<vmem>>, vector<1000x1xf32>
    tpu.vector_store %arg5[%swap3A_14, %swap3A_15], %rsqrt3A {strides = array<i32>} : memref<1000x1xf32, #tpu.memory_space<vmem>>, vector<1000x1xf32>,
    return
  }
  func.func @transform_0(%arg0: i32) -> (i32, i32) {
    %c0_i32 = arith.constant 0 : i32
    %c0_i32_0 = arith.constant 0 : i32
    return %arg0, %c0_i32 : i32, i32
  }
  func.func @transform_1(%arg0: i32) -> (i32, i32) {
    %c0_i32 = arith.constant 0 : i32
    %c0_i32_0 = arith.constant 0 : i32
    %c0_i32_1 = arith.constant 0 : i32
    return %c0_i32, %c0_i32_0 : i32, i32
  }
  func.func @transform_2(%arg0: i32) -> (i32, i32) {
    %c0_i32 = arith.constant 0 : i32
    %c0_i32_0 = arith.constant 0 : i32
    return %arg0, %c0_i32 : i32, i32
  }
  func.func @transform_3(%arg0: i32) -> (i32, i32) {
    %c0_i32 = arith.constant 0 : i32
    %c0_i32_0 = arith.constant 0 : i32
    return %arg0, %c0_i32 : i32, i32
  }
  func.func @transform_4(%arg0: i32) -> (i32, i32) {
    %c0_i32 = arith.constant 0 : i32
    %c0_i32_0 = arith.constant 0 : i32
    return %arg0, %c0_i32 : i32, i32
  }
}

module attributes {stable_mosaic.version = 14 : i64} {
  func.func @_fin_body(%arg0: i32, %arg1: memref<1x1000x128xf32, #tpu.memory_space<vmem>>, %arg2: memref<1x1000x128xf32, #tpu.memory_space<vmem>>, %arg3: memref<1000x128xf32, #tpu.memory_space<vmem>>, %arg4: memref<1000x1xf32, #tpu.memory_space<vmem>>, %arg5: memref<1x128xf32, #tpu.memory_space<vmem>>, %arg6: memref<1x128xf32, #tpu.memory_space<vmem>>, %arg7: memref<1x128xf32, #tpu.memory_space<vmem>>, %arg8: memref<1000x128xf32, #tpu.memory_space<vmem>>) attributes {dimension_semantics = [#tpu.dimension_semantics<arbitrary>], iteration_bounds = array<i64: 10>, scalar_prefetch = 0 : i64, scratch_operands = 0 : i64, tpu.core_type = #tpu.core_type<tc>, window_params = [{transform_indices = @transform_0, window_bounds = array<i64: 1, 1000, 128>}, {transform_indices = @transform_1, window_bounds = array<i64: 1, 1000, 128>}, {transform_indices = @transform_2, window_bounds = array<i64: 1000, 128>}, {transform_indices = @transform_3, window_bounds = array<i64: 1000, 1>}, {pipeline_mode = #tpu.pipeline_mode<synchronous>, transform_indices = @transform_4, window_bounds = array<i64: 1, 128>}, {pipeline_mode = #tpu.pipeline_mode<synchronous>, transform_indices = @transform_5, window_bounds = array<i64: 1, 128>}, {pipeline_mode = #tpu.pipeline_mode<synchronous>, transform_indices = @transform_6, window_bounds = array<i64: 1, 128>}, {transform_indices = @transform_7, window_bounds = array<i64: 1000, 128>}]} {
    %get3A = arith.constant 0 : index
    %get3A_0 = arith.constant 0 : index
    %get3A_1 = arith.constant 0 : index
    %get3A_2 = vector.load %arg1[%get3A, %get3A_0, %get3A_1] : memref<1x1000x128xf32, #tpu.memory_space<vmem>>, vector<1x1000x128xf32>
    %get3A_3 = vector.shape_cast %get3A_2 : vector<1x1000x128xf32> to vector<1000x128xf32>
    %get3A_4 = arith.constant 0 : index
    %get3A_5 = arith.constant 0 : index
    %get3A_6 = arith.constant 0 : index
    %get3A_7 = vector.load %arg2[%get3A_4, %get3A_5, %get3A_6] : memref<1x1000x128xf32, #tpu.memory_space<vmem>>, vector<1x1000x128xf32>
    %get3A_8 = vector.shape_cast %get3A_7 : vector<1x1000x128xf32> to vector<1000x128xf32>
    %add3A = arith.addf %get3A_3, %get3A_8 : vector<1000x128xf32>
    %get3A_9 = arith.constant 0 : index
    %get3A_10 = arith.constant 0 : index
    %get3A_11 = vector.load %arg3[%get3A_9, %get3A_10] : memref<1000x128xf32, #tpu.memory_space<vmem>>, vector<1000x128xf32>
    %add3A_12 = arith.addf %add3A, %get3A_11 : vector<1000x128xf32>
    %get3A_13 = arith.constant 0 : index
    %get3A_14 = arith.constant 0 : index
    %get3A_15 = vector.load %arg4[%get3A_13, %get3A_14] : memref<1000x1xf32, #tpu.memory_space<vmem>>, vector<1000x1xf32>
    %mul3A = vector.broadcast %get3A_15 : vector<1000x1xf32> to vector<1000x128xf32>
    %mul3A_16 = arith.mulf %add3A_12, %mul3A : vector<1000x128xf32>
    %get3A_17 = arith.constant 0 : index
    %get3A_18 = arith.constant 0 : index
    %get3A_19 = vector.load %arg5[%get3A_17, %get3A_18] : memref<1x128xf32, #tpu.memory_space<vmem>>, vector<1x128xf32>
    %add3A_20 = vector.broadcast %get3A_19 : vector<1x128xf32> to vector<1000x128xf32>
    %add3A_21 = arith.addf %mul3A_16, %add3A_20 : vector<1000x128xf32>
    %reduce_sum3A = arith.constant dense<0.000000e+00> : vector<1000xf32>
    %reduce_sum3A_22 = vector.multi_reduction <add>, %add3A_21, %reduce_sum3A [1] : vector<1000x128xf32> to vector<1000xf32>
    %broadcast_in_dim3A = vector.shape_cast %reduce_sum3A_22 : vector<1000xf32> to vector<1000x1xf32>
    %div3A = arith.constant 1.280000e+02 : f32
    %div3A_23 = vector.broadcast %div3A : f32 to vector<1000x1xf32>
    %div3A_24 = arith.divf %broadcast_in_dim3A, %div3A_23 : vector<1000x1xf32>
    %sub3A = vector.broadcast %div3A_24 : vector<1000x1xf32> to vector<1000x128xf32>
    %sub3A_25 = arith.subf %add3A_21, %sub3A : vector<1000x128xf32>
    %mul3A_26 = arith.mulf %sub3A_25, %sub3A_25 : vector<1000x128xf32>
    %reduce_sum3A_27 = arith.constant dense<0.000000e+00> : vector<1000xf32>
    %reduce_sum3A_28 = vector.multi_reduction <add>, %mul3A_26, %reduce_sum3A_27 [1] : vector<1000x128xf32> to vector<1000xf32>
    %broadcast_in_dim3A_29 = vector.shape_cast %reduce_sum3A_28 : vector<1000xf32> to vector<1000x1xf32>
    %div3A_30 = arith.constant 1.280000e+02 : f32
    %div3A_31 = vector.broadcast %div3A_30 : f32 to vector<1000x1xf32>
    %div3A_32 = arith.divf %broadcast_in_dim3A_29, %div3A_31 : vector<1000x1xf32>
    %add3A_33 = arith.constant 9.99999974E-6 : f32
    %add3A_34 = vector.broadcast %add3A_33 : f32 to vector<1000x1xf32>
    %add3A_35 = arith.addf %div3A_32, %add3A_34 : vector<1000x1xf32>
    %rsqrt3A = math.rsqrt %add3A_35 : vector<1000x1xf32>
    %mul3A_36 = vector.broadcast %rsqrt3A : vector<1000x1xf32> to vector<1000x128xf32>
    %mul3A_37 = arith.mulf %sub3A_25, %mul3A_36 : vector<1000x128xf32>
    %get3A_38 = arith.constant 0 : index
    %get3A_39 = arith.constant 0 : index
    %get3A_40 = vector.load %arg6[%get3A_38, %get3A_39] : memref<1x128xf32, #tpu.memory_space<vmem>>, vector<1x128xf32>
    %mul3A_41 = vector.broadcast %get3A_40 : vector<1x128xf32> to vector<1000x128xf32>
    %mul3A_42 = arith.mulf %mul3A_37, %mul3A_41 : vector<1000x128xf32>
    %get3A_43 = arith.constant 0 : index
    %get3A_44 = arith.constant 0 : index
    %get3A_45 = vector.load %arg7[%get3A_43, %get3A_44] : memref<1x128xf32, #tpu.memory_space<vmem>>, vector<1x128xf32>
    %add3A_46 = vector.broadcast %get3A_45 : vector<1x128xf32> to vector<1000x128xf32>
    %add3A_47 = arith.addf %mul3A_42, %add3A_46 : vector<1000x128xf32>
    %max3A = arith.constant 0.000000e+00 : f32
    %max3A_48 = vector.broadcast %max3A : f32 to vector<1000x128xf32>
    %max3A_49 = arith.maximumf %add3A_47, %max3A_48 : vector<1000x128xf32>
    %swap3A = arith.constant 0 : index
    %swap3A_50 = arith.constant 0 : index
    %swap3A_51 = vector.load %arg8[%swap3A, %swap3A_50] : memref<1000x128xf32, #tpu.memory_space<vmem>>, vector<1000x128xf32>
    tpu.vector_store %arg8[%swap3A, %swap3A_50], %max3A_49 {strides = array<i32>} : memref<1000x128xf32, #tpu.memory_space<vmem>>, vector<1000x128xf32>,
    return
  }
  func.func @transform_0(%arg0: i32) -> (i32, i32, i32) {
    %c0_i32 = arith.constant 0 : i32
    %c0_i32_0 = arith.constant 0 : i32
    %c0_i32_1 = arith.constant 0 : i32
    return %c0_i32, %arg0, %c0_i32_0 : i32, i32, i32
  }
  func.func @transform_1(%arg0: i32) -> (i32, i32, i32) {
    %c1_i32 = arith.constant 1 : i32
    %c0_i32 = arith.constant 0 : i32
    %c0_i32_0 = arith.constant 0 : i32
    return %c1_i32, %arg0, %c0_i32 : i32, i32, i32
  }
  func.func @transform_2(%arg0: i32) -> (i32, i32) {
    %c0_i32 = arith.constant 0 : i32
    %c0_i32_0 = arith.constant 0 : i32
    return %arg0, %c0_i32 : i32, i32
  }
  func.func @transform_3(%arg0: i32) -> (i32, i32) {
    %c0_i32 = arith.constant 0 : i32
    %c0_i32_0 = arith.constant 0 : i32
    return %arg0, %c0_i32 : i32, i32
  }
  func.func @transform_4(%arg0: i32) -> (i32, i32) {
    %c0_i32 = arith.constant 0 : i32
    %c0_i32_0 = arith.constant 0 : i32
    %c0_i32_1 = arith.constant 0 : i32
    return %c0_i32, %c0_i32_0 : i32, i32
  }
  func.func @transform_5(%arg0: i32) -> (i32, i32) {
    %c0_i32 = arith.constant 0 : i32
    %c0_i32_0 = arith.constant 0 : i32
    %c0_i32_1 = arith.constant 0 : i32
    return %c0_i32, %c0_i32_0 : i32, i32
  }
  func.func @transform_6(%arg0: i32) -> (i32, i32) {
    %c0_i32 = arith.constant 0 : i32
    %c0_i32_0 = arith.constant 0 : i32
    %c0_i32_1 = arith.constant 0 : i32
    return %c0_i32, %c0_i32_0 : i32, i32
  }
  func.func @transform_7(%arg0: i32) -> (i32, i32) {
    %c0_i32 = arith.constant 0 : i32
    %c0_i32_0 = arith.constant 0 : i32
    return %arg0, %c0_i32 : i32, i32
  }
}

</mosaic_0001>

<sc_bundles>
// kernel: kernel.6.cloned.1.call-start
scs
__scs_entry_jumppad:
0x0: {  	(pc) =	sbr.rel $0x88, $3  }
0x1: {  	(tag) =	ssettag $0x0;
	lr =	simm.s32 $0x1  }
0x2: {  	[smem:$0x3F9B] =	sst lr;
	_ =	strace $0xD0000000  }
0x3: {  	_ = 	snop  }
0x4: {  	_ = 	snop  }
0x5: {  	_ = 	snop  }
0x6: {  	_ = 	snop  }
0x7: {  	_ = 	snop  }
__scs_overlays_trampoline_lowered:
0x8: {  	[smem:$0x3FAA] =	sst s0  }
0x9: {  	[smem:$0x3FAB] =	sst s1  }
0xa: {  	[smem:$0x3FAC] =	sst s2  }
0xb: {  	[smem:$0x3FAD] =	sst s3  }
0xc: {  	[smem:$0x3FAE] =	sst s4  }
0xd: {  	[smem:$0x3FAF] =	sst s5  }
0xe: {  	[smem:$0x3FB0] =	sst s6  }
0xf: {  	[smem:$0x3FB1] =	sst s7  }
0x10: {  	[smem:$0x3FB2] =	sst s8  }
0x11: {  	[smem:$0x3FB3] =	sst s9;
	s0 =	simm.s32 @!p0 $0x0  }
0x12: {  	s1 =	sld [smem:$0x3F99];
	s0 =	simm.s32 @p0 $0x1  }
0x13: {  	[smem:$0x3FB4] =	sst s0;
	s0 =	simm.s32 @!p1 $0x0  }
0x14: {  	s2 =	sld [smem:$0x3F98];
	s0 =	simm.s32 @p1 $0x1  }
0x15: {  	[smem:$0x3FB5] =	sst s0;
	s0 =	simm.s32 @!p2 $0x0  }
0x16: {  	s3 =	sld [smem:$0x3FDB];
	s0 =	simm.s32 @p2 $0x1  }
0x17: {  	s4 =	simm.s32 $0x1BF5;
	[smem:$0x3FB7] =	sst s0  }
0x18: {  	s0 =	sld [smem:$0x3F9A];
	_ =	swait.ge [sflag:s4], $0x0  }
0x19: {  	s7 =	sld [smem:$0x3F9B]  }
0x1a: {  	s8 =	sadd.s32 $0xFFFFE003, lr  }
0x1b: {  	s9 =	sadd.s32 $0xFFFFFEF7, lr;
	s5 =	simm.s32 $0xFFFFFFFF;
	p2 =	slt.u32 s8, $0xFFFFF086  }
0x1c: {  	p1 =	slt.u32 s9, $0xF7A;
	s5 =	simm.s32 @!p2 $0x0  }
0x1d: {  	s5 =	simm.s32 @p1 $0x1;
	p0 =	seq.s32 s7, s2  }
0x1e: {  	s7 =	smul.u32 @!p0 $0xF7A, s2;
	p2 =	seq.s32 @!p0 s5, $0x0  }
0x1f: {  	s9 =	smul.u32 $0xF7A, s1;
	s8 =	simm.s32 @!p0 $0x1BF5;
	p2 =	por !p2, p0  }
0x20: {  	[sflag:s8] =	ssyncset.s32 @!p0 $0xFFFFF086;
	s6 =	sadd.s32 @!p0 s3, s7;
	s7 =	simm.s32 @!p0 $0x108  }
0x21: {  	s3 =	sadd.s32 s3, s9;
	s6 =	sadd.s32 @!p0 $0x88, s6;
	s7 =	simm.s32 @p2 $0x1082  }
0x22: {  	[simem:s7], [sflag:s8] =	dma.local @!p0 [hbm:s6], $0xF7A  }
0x23: {  	s9 =	sor.u32 $0xD0000000, s2;
	s6 =	simm.s32 $0x108;
	_ =	swait.ge @!p0 [sflag:s8], $0x0  }
0x24: {  	s3 =	sadd.s32 $0x88, s3;
	s6 =	simm.s32 @!p1 $0x1082;
	[sflag:s4] =	ssyncset.s32 $0xFFFFF086  }
0x25: {  	[simem:s6], [sflag:s4] =	dma.local [hbm:s3], $0xF7A  }
0x26: {  	[smem:$0x3F9B] =	sst s1;
	(tag) =	ssettag s2;
	_ =	strace s9  }
0x27: {  	s1 =	sld [smem:$0x3FAB]  }
0x28: {  	s2 =	sld [smem:$0x3FAC]  }
0x29: {  	s4 =	sld [smem:$0x3FAE]  }
0x2a: {  	p0 =	seq.s32 s5, $0x0;
	s5 =	sld [smem:$0x3FAF]  }
0x2b: {  	s6 =	sld [smem:$0x3FB0]  }
0x2c: {  	s7 =	sld [smem:$0x3FB1]  }
0x2d: {  	s3 =	simm.s32 $0x108;
	s8 =	sld [smem:$0x3FB2]  }
0x2e: {  	s3 =	simm.s32 @!p0 $0x1082;
	s9 =	sld [smem:$0x3FB3]  }
0x2f: {  	lr =	sadd.s32 s0, s3;
	s0 =	sld [smem:$0x3FAA]  }
0x30: {  	s3 =	sld [smem:$0x3FAD]  }
0x31: {  	[smem:$0x3FB6] =	sst s10  }
0x32: {  	s10 =	sld [smem:$0x3FB4];
	_ =	sdelay $0x3  }
0x33: {  	p0 =	seq.s32 s10, $0x1;
	s10 =	sld [smem:$0x3FB6];
	_ =	sdelay $0x3  }
0x34: {  	[smem:$0x3FB6] =	sst s10  }
0x35: {  	s10 =	sld [smem:$0x3FB5];
	_ =	sdelay $0x3  }
0x36: {  	p1 =	seq.s32 s10, $0x1;
	s10 =	sld [smem:$0x3FB6];
	_ =	sdelay $0x3  }
0x37: {  	[smem:$0x3FB6] =	sst s10  }
0x38: {  	s10 =	sld [smem:$0x3FB7]  }
0x39: {  	_ = 	snop;
	(pc) =	sbr.ind lr, $3  }
0x3a: {  	_ = 	snop  }
0x3b: {  	_ = 	snop  }
0x3c: {  	p2 =	seq.s32 s10, $0x1;
	s10 =	sld [smem:$0x3FB6]  }
0x3d: {  	_ =	shalt  }
0x3e: {  	_ =	shalt  }
0x3f: {  	_ =	shalt  }
0x40: {  	_ =	shalt  }
0x41: {  	_ =	shalt  }
0x42: {  	_ =	shalt  }
0x43: {  	_ =	shalt  }
0x44: {  	_ =	shalt  }
0x45: {  	_ =	shalt  }
0x46: {  	_ =	shalt  }
0x47: {  	_ =	shalt  }
0x48: {  	_ =	shalt  }
0x49: {  	_ =	shalt  }
0x4a: {  	_ =	shalt  }
0x4b: {  	_ =	shalt  }
0x4c: {  	_ =	shalt  }
0x4d: {  	_ =	shalt  }
0x4e: {  	_ =	shalt  }
0x4f: {  	_ =	shalt  }
0x50: {  	_ =	shalt  }
0x51: {  	_ =	shalt  }
0x52: {  	_ =	shalt  }
0x53: {  	_ =	shalt  }
0x54: {  	_ =	shalt  }
0x55: {  	_ =	shalt  }
0x56: {  	_ =	shalt  }
0x57: {  	_ =	shalt  }
0x58: {  	_ =	shalt  }
0x59: {  	_ =	shalt  }
0x5a: {  	_ =	shalt  }
0x5b: {  	_ =	shalt  }
0x5c: {  	_ =	shalt  }
0x5d: {  	_ =	shalt  }
0x5e: {  	_ =	shalt  }
0x5f: {  	_ =	shalt  }
0x60: {  	_ =	shalt  }
0x61: {  	_ =	shalt  }
0x62: {  	_ =	shalt  }
0x63: {  	_ =	shalt  }
0x64: {  	_ =	shalt  }
0x65: {  	_ =	shalt  }
0x66: {  	_ =	shalt  }
0x67: {  	_ =	shalt  }
0x68: {  	_ =	shalt  }
0x69: {  	_ =	shalt  }
0x6a: {  	_ =	shalt  }
0x6b: {  	_ =	shalt  }
0x6c: {  	_ =	shalt  }
0x6d: {  	_ =	shalt  }
0x6e: {  	_ =	shalt  }
0x6f: {  	_ =	shalt  }
0x70: {  	_ =	shalt  }
0x71: {  	_ =	shalt  }
0x72: {  	_ =	shalt  }
0x73: {  	_ =	shalt  }
0x74: {  	_ =	shalt  }
0x75: {  	_ =	shalt  }
0x76: {  	_ =	shalt  }
0x77: {  	_ =	shalt  }
0x78: {  	_ =	shalt  }
0x79: {  	_ =	shalt  }
0x7a: {  	_ =	shalt  }
0x7b: {  	_ =	shalt  }
0x7c: {  	_ =	shalt  }
0x7d: {  	_ =	shalt  }
0x7e: {  	_ =	shalt  }
0x7f: {  	_ =	shalt  }
0x80: {  	_ =	shalt  }
0x81: {  	_ =	shalt  }
0x82: {  	_ =	shalt  }
0x83: {  	_ =	shalt  }
0x84: {  	_ =	shalt  }
0x85: {  	_ =	shalt  }
0x86: {  	_ =	shalt  }
0x87: {  	_ =	shalt  }
.Lfunc_end0:
.L_simem_size_0:
called_computation_lowered:
.L_overlay_start_0:
0x88: {  	s2 =	sld [smem:$0x3FD9]  }
0x89: {  	s3 =	sld [smem:$0x3FFE];
	_ =	sdelay $0x1  }
0x8a: {  	s1 =	srdreg.scid  }
0x8b: {  	s0 =	sand.u32 $0x1, s1  }
0x8c: {  	s17 =	sshll.u32 s0, $0xA;
	s2 =	sadd.s32 s3, s2  }
0x8d: {  	s2 =	sadd.s32 s2, s17  }
0x8e: {  	[smem:$0x3FC2] =	sst s2  }
0x8f: {  	_ = 	snop  }
0x90: {  	s2 =	sld [smem:$0x3FD0];
	(tm) =	ssettm $0x1  }
0x91: {  	s18 =	sld [smem:$0x3FFB];
	_ =	sdelay $0x3  }
0x92: {  	_ =	strace s18  }
0x93: {  	s3 =	sld [smem:$0x3FFC];
	_ =	sdelay $0x3  }
0x94: {  	_ =	strace s3  }
0x95: {  	s3 =	sld [smem:$0x3FFD];
	_ =	sdelay $0x3  }
0x96: {  	_ =	strace s3  }
0x97: {  	_ =	strace $0x8FFFFFFF  }
0x98: {  	s19 =	sld [smem:$0x3FDB];
	_ =	sdelay $0x1  }
0x99: {  	s4 =	simm.s32 $_scs_section_size  }
0x9a: {  	s5 =	simm.s32 $_size__tile_overlayer_lowered;
	s6 =	simm.s32 $_tile_overlayer_lowered  }
0x9b: {  	s22 =	simm.s32 $0x1BFF;
	s21 =	sshll.u32 s6, $0x1;
	s3 =	sadd.s32 s4, s19  }
0x9c: {  	s7 =	simm.s32 $0x0;
	s20 =	sshll.u32 s5, $0x1;
	s5 =	sadd.s32 s21, s3  }
0x9d: {  	[timem:s7], [sflag:s22] =	dma.local [hbm:s5], s20  }
0x9e: {  	_ =	swait.ge [sflag:s22], s20  }
0x9f: {  	s4 =	ssub.s32 $0x0, s20;
	[sflag:s22] =	ssyncset.done $0x0  }
0xa0: {  	[sflag:s22] =	ssyncadd.s32 s4;
	_ =	sdelay $0x1  }
0xa1: {  	s23 =	simm.s32 $0x1B8B  }
0xa2: {  	_ =	swait.ge [sflag:s23], $0x1  }
0xa3: {  	[sflag:s23] =	ssyncset.done $0x0  }
0xa4: {  	s25 =	simm.s32 $0x1B8E;
	s24 =	sld [smem:$0x3FFE];
	[sflag:s23] =	ssyncadd.s32 $0xFFFFFFFF  }
0xa5: {  	s26 =	simm.s32 $execute0_lowered;
	[smem:$0x3FD2] =	sst s25  }
0xa6: {  	s5 =	sshll.u32 s26, $0x1;
	_ =	strace $0x80000046;
	[dreg:$0x1] =	wrdreg $0xFFFFFFFF  }
0xa7: {  	s28 =	simm.s32 $_size_execute0_lowered;
	s3 =	sadd.s32 s3, s5;
	[dreg:$0x0] =	wrdreg $0x0  }
0xa8: {  	s5 =	sshll.u32 s28, $0x1;
	[dreg:$0x2] =	wrdreg s3  }
0xa9: {  	[dreg:$0x3] =	wrdreg s5  }
0xaa: {  	[dreg:$0x4] =	wrdreg $0xC0  }
0xab: {  	_ =	task [dreg:s7], $0x5FFFF  }
0xac: {  	[dreg:$0x1] =	wrdreg $0xFFFFFFFF  }
0xad: {  	[dreg:$0x0] =	wrdreg $0x60  }
0xae: {  	[dreg:$0x2] =	wrdreg s24  }
0xaf: {  	[dreg:$0x3] =	wrdreg s2  }
0xb0: {  	[dreg:$0x4] =	wrdreg $0x5800  }
0xb1: {  	[dreg:$0x5] =	wrdreg $0x9  }
0xb2: {  	_ =	task.clear_ibuf [dreg:s7], $0x6FFFF;
	_ =	strace $0x90000046  }
0xb3: {  	s29 =	simm.s32 $0x9;
	_ =	strace $0x80000048  }
0xb4: {  	_ =	swait.ge [sflag:s29], $0x1  }
0xb5: {  	[sflag:s29] =	ssyncadd.s32 $0xFFFFFFFF  }
0xb6: {  	_ =	strace $0x90000048  }
0xb7: {  	_ =	sfence  }
0xb8: {  	s30 =	sld [smem:$0x0];
	_ =	sdelay $0x2  }
0xb9: {  	s31 =	sshll.u32 s1, $0xD;
	s1 =	sshrl.u32 s1, $0x2  }
0xba: {  	s3 =	sand.u32 $0x4000, s31;
	s1 =	sadd.s32 s1, s30  }
0xbb: {  	s0 =	sor.u32 s3, s0;
	s1 =	sshll.u32 s1, $0x11  }
0xbc: {  	s0 =	sor.u32 s1, s0  }
0xbd: {  	s0 =	sadd.s32 $0x8F2B, s0  }
0xbe: {  	[sflag:s0] =	ssyncadd.remote.s32 $0x1  }
0xbf: {  	_ =	sfence.sel $0xFFFF  }
0xc0: {  	[dreg:$0x0] =	wrdreg $0xFFFFFFFF;
	(pc) =	sbr.abs _section_cstart, $3  }
0xc1: {  	[dreg:$0x1] =	wrdreg $0xFFFFFFFF  }
0xc2: {  	_ =	task.clear_ibuf [dreg:s7], $0x2FFFF;
	_ =	strace $0x9FFFFFFF  }
0xc3: {  	(tm) =	ssettm $0x7FFFFFFF  }
tec
execute0_lowered:
.L_overlay_start_1:
0x0: {  	(tag) =	ssettag $0x1  }
0x1: {  	s0 =	rddreg [dreg:$0x0];
	s1 =	srdreg.scid  }
0x2: {  	s8 =	stileid.u32;
	s5 =	rddreg [dreg:$0x1]  }
0x3: {  	s2 =	rddreg [dreg:$0x2];
	s28 =	simm.s32 $0xA;
	s29 =	simm.s32 $0x1  }
0x4: {  	s30 =	simm.s32 $0x280;
	s31 =	simm.s32 $0x2;
	s15 =	smul.u32 $0x278, s8  }
0x5: {  	s1 =	sand.u32 $0x1, s1;
	s3 =	sshll.u32 s8, $0x1;
	s8 =	smul.u32 $0x4E20, s8  }
0x6: {  	s0 =	sadd.s32 $0xBC00, s0;
	s4 =	sor.u32 s1, s3;
	s10 =	smul.u32 $0x2710, s1  }
0x7: {  	s3 =	simm.s32 $0x0;
	s6 =	ssub.s32 $0x2, s1;
	s4 =	smul.u32 $0x2710, s4  }
0x8: {  	s1 =	smul.u32 $0x2780, s1;
	[smem:$0x7FF] =	sst s3;
	s7 =	sshrl.u32 s6, $0x1  }
0x9: {  	_ =	strace $0x80000047;
	s6 =	ssub.s32 s6, s7;
	s4 =	sshrl.u32 s4, $0x3  }
0xa: {  	s8 =	sadd.s32 s10, s8;
	s1 =	sadd.s32 s15, s1;
	s4 =	sadd.s32 s0, s4  }
0xb: {  	s10 =	simm.s32 $0x9;
	s23 =	sadd.s32 $0x580, s8;
	s9 =	sadd.s32 $0x4E0, s4  }
0xc: {  	s1 =	sshrl.u32 s1, $0x3;
	s16 =	sadd.s32 $0x10, s4;
	[dreg:$0x4] =	wrdreg s9  }
0xd: {  	s24 =	sadd.s32 $0x500, s8;
	s17 =	sadd.s32 $0x20, s4;
	[dreg:$0x5] =	wrdreg s16  }
0xe: {  	s25 =	sadd.s32 $0x480, s8;
	s18 =	sadd.s32 $0x30, s4;
	[dreg:$0x6] =	wrdreg s17  }
0xf: {  	s26 =	sadd.s32 $0x400, s8;
	s11 =	sadd.s32 $0x40, s4;
	[dreg:$0x7] =	wrdreg s18  }
0x10: {  	s8 =	simm.s32 $0x8;
	s19 =	sadd.s32 $0x50, s4;
	[dreg:$0x8] =	wrdreg s11  }
0x11: {  	s7 =	sshrl.u32 s23, $0x3;
	s20 =	sadd.s32 $0x60, s4;
	[dreg:$0x9] =	wrdreg s19  }
0x12: {  	s23 =	simm.s32 $0x80;
	s21 =	sadd.s32 $0x70, s4;
	[dreg:$0xa] =	wrdreg s20  }
0x13: {  	s22 =	sadd.s32 $0x4C0, s4;
	s9 =	sadd.s32 s15, s2;
	[dreg:$0xb] =	wrdreg s21  }
0x14: {  	[dreg:$0xc] =	wrdreg s22;
	s15 =	sadd.s32 $0x4D0, s4;
	s16 =	sadd.s32 s5, s1  }
0x15: {  	s17 =	smax.u32 s6, $0x1;
	s18 =	sadd.s32 s7, s0;
	s1 =	sshrl.u32 s24, $0x3  }
0x16: {  	s5 =	sshrl.u32 s25, $0x3;
	s6 =	sshrl.u32 s26, $0x3;
	s22 =	simm.s32 $0x200  }
0x17: {  	s24 =	simm.s32 $0x100;
	s25 =	simm.s32 $0x180;
	s26 =	simm.s32 $0x300  }
0x18: {  	s7 =	simm.s32 $0x7;
	s11 =	simm.s32 $0x0;
	s19 =	sadd.s32 s1, s0  }
0x19: {  	s20 =	sadd.s32 s5, s0;
	s21 =	sadd.s32 s6, s0;
	s1 =	simm.s32 $0x3  }
0x1a: {  	v0 =	vimm.f32 $1.000000000e+00;
	v1 =	vimm.f32 $0.0e+00;
	s0 =	simm.s32 $0x5;
	s5 =	simm.s32 $0x4;
	s6 =	simm.s32 $0x6  }
.LBB2_1:
0x1b: {  	s12 =	rddreg [dreg:$0x4]  }
0x1c: {  	[tilespmem:s22], [sflag:$0x9] =	stream.linear.gather [hbm4b:s12+s3], $0x10, $0x38;
	[tilespmem:$0x7F8] =	vst v63  }
0x1d: {  	_ = 	snop  }
0x1e: {  	[tilespmem:s3], [sflag:$0x1] =	stream.linear.gather [hbm4b:s4+s3], $0x80, $0x38;
	[tilespmem:$0x7F8] =	vst v63  }
0x1f: {  	s13 =	rddreg [dreg:$0x5]  }
0x20: {  	[tilespmem:s23], [sflag:$0x2] =	stream.linear.gather [hbm4b:s13+s3], $0x80, $0x38;
	[tilespmem:$0x7F8] =	vst v63  }
0x21: {  	s14 =	rddreg [dreg:$0x6]  }
0x22: {  	[tilespmem:s24], [sflag:$0x3] =	stream.linear.gather [hbm4b:s14+s3], $0x80, $0x38;
	[tilespmem:$0x7F8] =	vst v63  }
0x23: {  	s13 =	rddreg [dreg:$0x7]  }
0x24: {  	[tilespmem:s25], [sflag:$0x4] =	stream.linear.gather [hbm4b:s13+s3], $0x80, $0x38;
	[tilespmem:$0x7F8] =	vst v63  }
0x25: {  	[tilespmem:$0x280] =	vst v0  }
0x26: {  	[tilespmem:$0x290] =	vst v0  }
0x27: {  	[tilespmem:$0x2A0] =	vst v0  }
0x28: {  	[tilespmem:$0x2B0] =	vst v0  }
0x29: {  	[tilespmem:$0x2C0] =	vst v0  }
0x2a: {  	[tilespmem:$0x2D0] =	vst v0  }
0x2b: {  	[tilespmem:$0x2E0] =	vst v0  }
0x2c: {  	[tilespmem:$0x2F0] =	vst v0  }
0x2d: {  	[tilespmem:$0x300] =	vst v1  }
0x2e: {  	[tilespmem:$0x310] =	vst v1  }
0x2f: {  	[tilespmem:$0x320] =	vst v1  }
0x30: {  	[tilespmem:$0x330] =	vst v1  }
0x31: {  	[tilespmem:$0x340] =	vst v1  }
0x32: {  	[tilespmem:$0x350] =	vst v1  }
0x33: {  	[tilespmem:$0x360] =	vst v1  }
0x34: {  	[tilespmem:$0x370] =	vst v1  }
0x35: {  	[tilespmem:$0x380] =	vst v1  }
0x36: {  	[tilespmem:$0x390] =	vst v1  }
0x37: {  	[tilespmem:$0x3A0] =	vst v1  }
0x38: {  	[tilespmem:$0x3B0] =	vst v1  }
0x39: {  	[tilespmem:$0x3C0] =	vst v1  }
0x3a: {  	[tilespmem:$0x3D0] =	vst v1  }
0x3b: {  	[tilespmem:$0x3E0] =	vst v1  }
0x3c: {  	[tilespmem:$0x3F0] =	vst v1  }
0x3d: {  	[tilespmem:$0x400] =	vst v1  }
0x3e: {  	[tilespmem:$0x410] =	vst v1  }
0x3f: {  	[tilespmem:$0x420] =	vst v1  }
0x40: {  	[tilespmem:$0x430] =	vst v1  }
0x41: {  	[tilespmem:$0x440] =	vst v1  }
0x42: {  	[tilespmem:$0x450] =	vst v1  }
0x43: {  	[tilespmem:$0x460] =	vst v1  }
0x44: {  	[tilespmem:$0x470] =	vst v1  }
0x45: {  	[tilespmem:$0x480] =	vst v1  }
0x46: {  	[tilespmem:$0x490] =	vst v1  }
0x47: {  	[tilespmem:$0x4A0] =	vst v1  }
0x48: {  	[tilespmem:$0x4B0] =	vst v1  }
0x49: {  	[tilespmem:$0x4C0] =	vst v1  }
0x4a: {  	[tilespmem:$0x4D0] =	vst v1  }
0x4b: {  	[tilespmem:$0x4E0] =	vst v1  }
0x4c: {  	[tilespmem:$0x4F0] =	vst v1  }
0x4d: {  	[tilespmem:$0x500] =	vst v1  }
0x4e: {  	[tilespmem:$0x510] =	vst v1  }
0x4f: {  	[tilespmem:$0x520] =	vst v1  }
0x50: {  	[tilespmem:$0x530] =	vst v1  }
0x51: {  	[tilespmem:$0x540] =	vst v1  }
0x52: {  	[tilespmem:$0x550] =	vst v1  }
0x53: {  	[tilespmem:$0x560] =	vst v1  }
0x54: {  	[tilespmem:$0x570] =	vst v1  }
0x55: {  	[spmem:s9] =	stream.linear.scatter [tilespmem:s26], [sflag:$0xA], $0x278, $0x38;
	[tilespmem:$0x7F8] =	vst v63  }
0x56: {  	_ =	swait.ge [sflag:s28], $0x278  }
0x57: {  	[sflag:s28] =	ssyncset.done $0x0  }
0x58: {  	[sflag:s28] =	ssyncadd.s32 $0xFFFFFD88  }
0x59: {  	[bflag:$0x0] =	sbarrier.arrive $0xFFFF  }
0x5a: {  	_ =	swait.ge [sflag:s29], $0x80  }
0x5b: {  	[sflag:s29] =	ssyncset.done $0x0  }
0x5c: {  	[sflag:s29] =	ssyncadd.s32 $0xFFFFFF80  }
0x5d: {  	[spmem:s2] =	stream.indirect.scatter.add.f32 [tilespmem:s30], [sflag:$0x5], $0x1, s3, s23, $0xb8;
	[tilespmem:$0x7F8] =	vst v63  }
0x5e: {  	_ =	swait.ge [sflag:s31], $0x80  }
0x5f: {  	[sflag:s31] =	ssyncset.done $0x0  }
0x60: {  	[sflag:s31] =	ssyncadd.s32 $0xFFFFFF80  }
0x61: {  	[spmem:s2] =	stream.indirect.scatter.add.f32 [tilespmem:s30], [sflag:$0x6], $0x1, s23, s23, $0xb8;
	[tilespmem:$0x7F8] =	vst v63  }
0x62: {  	_ =	swait.ge [sflag:s1], $0x80  }
0x63: {  	[sflag:s1] =	ssyncset.done $0x0  }
0x64: {  	[sflag:s1] =	ssyncadd.s32 $0xFFFFFF80  }
0x65: {  	[spmem:s2] =	stream.indirect.scatter.add.f32 [tilespmem:s30], [sflag:$0x7], $0x1, s24, s23, $0xb8;
	[tilespmem:$0x7F8] =	vst v63  }
0x66: {  	_ =	swait.ge [sflag:s0], $0x80  }
0x67: {  	[sflag:s0] =	ssyncset.done $0x0  }
0x68: {  	s14 =	rddreg [dreg:$0x8];
	[sflag:s0] =	ssyncadd.s32 $0xFFFFFF80  }
0x69: {  	[tilespmem:s3], [sflag:$0x1] =	stream.linear.gather [hbm4b:s14+s3], $0x80, $0x38;
	[tilespmem:$0x7F8] =	vst v63  }
0x6a: {  	_ =	swait.ge [sflag:s5], $0x80  }
0x6b: {  	[sflag:s5] =	ssyncset.done $0x0  }
0x6c: {  	[sflag:s5] =	ssyncadd.s32 $0xFFFFFF80  }
0x6d: {  	[spmem:s2] =	stream.indirect.scatter.add.f32 [tilespmem:s30], [sflag:$0x8], $0x1, s25, s23, $0xb8;
	[tilespmem:$0x7F8] =	vst v63  }
0x6e: {  	_ =	swait.ge [sflag:s6], $0x80  }
0x6f: {  	[sflag:s6] =	ssyncset.done $0x0  }
0x70: {  	s13 =	rddreg [dreg:$0x9];
	[sflag:s6] =	ssyncadd.s32 $0xFFFFFF80  }
0x71: {  	[tilespmem:s23], [sflag:$0x2] =	stream.linear.gather [hbm4b:s13+s3], $0x80, $0x38;
	[tilespmem:$0x7F8] =	vst v63  }
0x72: {  	_ =	swait.ge [sflag:s29], $0x80  }
0x73: {  	[sflag:s29] =	ssyncset.done $0x0  }
0x74: {  	[sflag:s29] =	ssyncadd.s32 $0xFFFFFF80  }
0x75: {  	[spmem:s2] =	stream.indirect.scatter.add.f32 [tilespmem:s30], [sflag:$0x5], $0x1, s3, s23, $0xb8;
	[tilespmem:$0x7F8] =	vst v63  }
0x76: {  	_ =	swait.ge [sflag:s7], $0x80  }
0x77: {  	[sflag:s7] =	ssyncset.done $0x0  }
0x78: {  	s14 =	rddreg [dreg:$0xa];
	[sflag:s7] =	ssyncadd.s32 $0xFFFFFF80  }
0x79: {  	[tilespmem:s24], [sflag:$0x3] =	stream.linear.gather [hbm4b:s14+s3], $0x80, $0x38;
	[tilespmem:$0x7F8] =	vst v63  }
0x7a: {  	_ =	swait.ge [sflag:s31], $0x80  }
0x7b: {  	[sflag:s31] =	ssyncset.done $0x0  }
0x7c: {  	[sflag:s31] =	ssyncadd.s32 $0xFFFFFF80  }
0x7d: {  	[spmem:s2] =	stream.indirect.scatter.add.f32 [tilespmem:s30], [sflag:$0x6], $0x1, s23, s23, $0xb8;
	[tilespmem:$0x7F8] =	vst v63  }
0x7e: {  	_ =	swait.ge [sflag:s8], $0x80  }
0x7f: {  	[sflag:s8] =	ssyncset.done $0x0  }
0x80: {  	s13 =	rddreg [dreg:$0xb];
	[sflag:s8] =	ssyncadd.s32 $0xFFFFFF80  }
0x81: {  	[tilespmem:s25], [sflag:$0x4] =	stream.linear.gather [hbm4b:s13+s3], $0x80, $0x38;
	[tilespmem:$0x7F8] =	vst v63  }
0x82: {  	_ =	swait.ge [sflag:s1], $0x80  }
0x83: {  	[sflag:s1] =	ssyncset.done $0x0  }
0x84: {  	[sflag:s1] =	ssyncadd.s32 $0xFFFFFF80  }
0x85: {  	[spmem:s2] =	stream.indirect.scatter.add.f32 [tilespmem:s30], [sflag:$0x7], $0x1, s24, s23, $0xb8;
	[tilespmem:$0x7F8] =	vst v63  }
0x86: {  	_ =	swait.ge [sflag:s0], $0x80  }
0x87: {  	[sflag:s0] =	ssyncset.done $0x0  }
0x88: {  	s14 =	sadd.s32 $0x0, s21;
	[sflag:s0] =	ssyncadd.s32 $0xFFFFFF80  }
0x89: {  	[tilespmem:s3], [sflag:$0x1] =	stream.linear.gather [hbm4b:s14+s3], $0x80, $0x38;
	[tilespmem:$0x7F8] =	vst v63  }
0x8a: {  	_ =	swait.ge [sflag:s5], $0x80  }
0x8b: {  	[sflag:s5] =	ssyncset.done $0x0  }
0x8c: {  	[sflag:s5] =	ssyncadd.s32 $0xFFFFFF80  }
0x8d: {  	[spmem:s2] =	stream.indirect.scatter.add.f32 [tilespmem:s30], [sflag:$0x8], $0x1, s25, s23, $0xb8;
	[tilespmem:$0x7F8] =	vst v63  }
0x8e: {  	_ =	swait.ge [sflag:s6], $0x80  }
0x8f: {  	[sflag:s6] =	ssyncset.done $0x0  }
0x90: {  	s13 =	sadd.s32 $0x0, s20;
	[sflag:s6] =	ssyncadd.s32 $0xFFFFFF80  }
0x91: {  	[tilespmem:s23], [sflag:$0x2] =	stream.linear.gather [hbm4b:s13+s3], $0x80, $0x38;
	[tilespmem:$0x7F8] =	vst v63  }
0x92: {  	_ =	swait.ge [sflag:s29], $0x80  }
0x93: {  	[sflag:s29] =	ssyncset.done $0x0  }
0x94: {  	[sflag:s29] =	ssyncadd.s32 $0xFFFFFF80  }
0x95: {  	[spmem:s2] =	stream.indirect.scatter.add.f32 [tilespmem:s30], [sflag:$0x5], $0x1, s3, s23, $0xb8;
	[tilespmem:$0x7F8] =	vst v63  }
0x96: {  	_ =	swait.ge [sflag:s7], $0x80  }
0x97: {  	[sflag:s7] =	ssyncset.done $0x0  }
0x98: {  	s14 =	sadd.s32 $0x0, s19;
	[sflag:s7] =	ssyncadd.s32 $0xFFFFFF80  }
0x99: {  	[tilespmem:s24], [sflag:$0x3] =	stream.linear.gather [hbm4b:s14+s3], $0x80, $0x38;
	[tilespmem:$0x7F8] =	vst v63  }
0x9a: {  	_ =	swait.ge [sflag:s31], $0x80  }
0x9b: {  	[sflag:s31] =	ssyncset.done $0x0  }
0x9c: {  	[sflag:s31] =	ssyncadd.s32 $0xFFFFFF80  }
0x9d: {  	[spmem:s2] =	stream.indirect.scatter.add.f32 [tilespmem:s30], [sflag:$0x6], $0x1, s23, s23, $0xb8;
	[tilespmem:$0x7F8] =	vst v63  }
0x9e: {  	_ =	swait.ge [sflag:s8], $0x80  }
0x9f: {  	[sflag:s8] =	ssyncset.done $0x0  }
0xa0: {  	s12 =	simm.s32 $0x40;
	s13 =	sadd.s32 $0x0, s18;
	[sflag:s8] =	ssyncadd.s32 $0xFFFFFF80  }
.LBB2_2:
0xa1: {  	[tilespmem:s25], [sflag:$0x4] =	stream.linear.gather [hbm4b:s13+s3], $0x80, $0x38;
	[tilespmem:$0x7F8] =	vst v63  }
0xa2: {  	s13 =	smov.u32 s12  }
0xa3: {  	p0 =	sne.s32 s12, $0x400;
	s12 =	sadd.s32 $0x40, s12;
	_ =	swait.ge [sflag:s1], $0x80  }
0xa4: {  	[sflag:s1] =	ssyncset.done $0x0  }
0xa5: {  	[sflag:s1] =	ssyncadd.s32 $0xFFFFFF80  }
0xa6: {  	[spmem:s2] =	stream.indirect.scatter.add.f32 [tilespmem:s30], [sflag:$0x7], $0x1, s24, s23, $0xb8;
	[tilespmem:$0x7F8] =	vst v63  }
0xa7: {  	_ =	swait.ge [sflag:s0], $0x80  }
0xa8: {  	[sflag:s0] =	ssyncset.done $0x0  }
0xa9: {  	s14 =	sadd.s32 s13, s21;
	[sflag:s0] =	ssyncadd.s32 $0xFFFFFF80  }
0xaa: {  	[tilespmem:s3], [sflag:$0x1] =	stream.linear.gather [hbm4b:s14+s3], $0x80, $0x38;
	[tilespmem:$0x7F8] =	vst v63  }
0xab: {  	_ =	swait.ge [sflag:s5], $0x80  }
0xac: {  	[sflag:s5] =	ssyncset.done $0x0  }
0xad: {  	[sflag:s5] =	ssyncadd.s32 $0xFFFFFF80  }
0xae: {  	[spmem:s2] =	stream.indirect.scatter.add.f32 [tilespmem:s30], [sflag:$0x8], $0x1, s25, s23, $0xb8;
	[tilespmem:$0x7F8] =	vst v63  }
0xaf: {  	_ =	swait.ge [sflag:s6], $0x80  }
0xb0: {  	[sflag:s6] =	ssyncset.done $0x0  }
0xb1: {  	s14 =	sadd.s32 s13, s20;
	[sflag:s6] =	ssyncadd.s32 $0xFFFFFF80  }
0xb2: {  	[tilespmem:s23], [sflag:$0x2] =	stream.linear.gather [hbm4b:s14+s3], $0x80, $0x38;
	[tilespmem:$0x7F8] =	vst v63  }
0xb3: {  	_ =	swait.ge [sflag:s29], $0x80  }
0xb4: {  	[sflag:s29] =	ssyncset.done $0x0  }
0xb5: {  	[sflag:s29] =	ssyncadd.s32 $0xFFFFFF80  }
0xb6: {  	[spmem:s2] =	stream.indirect.scatter.add.f32 [tilespmem:s30], [sflag:$0x5], $0x1, s3, s23, $0xb8;
	[tilespmem:$0x7F8] =	vst v63  }
0xb7: {  	_ =	swait.ge [sflag:s7], $0x80  }
0xb8: {  	[sflag:s7] =	ssyncset.done $0x0  }
0xb9: {  	s14 =	sadd.s32 s13, s19;
	[sflag:s7] =	ssyncadd.s32 $0xFFFFFF80  }
0xba: {  	[tilespmem:s24], [sflag:$0x3] =	stream.linear.gather [hbm4b:s14+s3], $0x80, $0x38;
	[tilespmem:$0x7F8] =	vst v63  }
0xbb: {  	_ =	swait.ge [sflag:s31], $0x80  }
0xbc: {  	[sflag:s31] =	ssyncset.done $0x0  }
.Ltmp0:
0xbd: {  	[sflag:s31] =	ssyncadd.s32 $0xFFFFFF80;
	(pc) =	sbr.rel @p0 .LBB2_2-.Ltmp0, $4  }
0xbe: {  	[spmem:s2] =	stream.indirect.scatter.add.f32 [tilespmem:s30], [sflag:$0x6], $0x1, s23, s23, $0xb8;
	[tilespmem:$0x7F8] =	vst v63  }
0xbf: {  	_ =	swait.ge [sflag:s8], $0x80  }
0xc0: {  	[sflag:s8] =	ssyncset.done $0x0  }
0xc1: {  	s13 =	sadd.s32 s13, s18;
	[sflag:s8] =	ssyncadd.s32 $0xFFFFFF80  }
0xc2: {  	[tilespmem:s25], [sflag:$0x4] =	stream.linear.gather [hbm4b:s13+s3], $0x80, $0x38;
	[tilespmem:$0x7F8] =	vst v63  }
0xc3: {  	_ =	swait.ge [sflag:s1], $0x80  }
0xc4: {  	[sflag:s1] =	ssyncset.done $0x0  }
0xc5: {  	[sflag:s1] =	ssyncadd.s32 $0xFFFFFF80  }
0xc6: {  	[spmem:s2] =	stream.indirect.scatter.add.f32 [tilespmem:s30], [sflag:$0x7], $0x1, s24, s23, $0xb8;
	[tilespmem:$0x7F8] =	vst v63  }
0xc7: {  	_ =	swait.ge [sflag:s0], $0x80  }
0xc8: {  	[sflag:s0] =	ssyncset.done $0x0  }
0xc9: {  	s12 =	rddreg [dreg:$0xc];
	[sflag:s0] =	ssyncadd.s32 $0xFFFFFF80  }
0xca: {  	[tilespmem:s3], [sflag:$0x1] =	stream.linear.gather [hbm4b:s12+s3], $0x80, $0x38;
	[tilespmem:$0x7F8] =	vst v63  }
0xcb: {  	_ =	swait.ge [sflag:s5], $0x80  }
0xcc: {  	[sflag:s5] =	ssyncset.done $0x0  }
0xcd: {  	[sflag:s5] =	ssyncadd.s32 $0xFFFFFF80  }
0xce: {  	[spmem:s2] =	stream.indirect.scatter.add.f32 [tilespmem:s30], [sflag:$0x8], $0x1, s25, s23, $0xb8;
	[tilespmem:$0x7F8] =	vst v63  }
0xcf: {  	_ =	swait.ge [sflag:s6], $0x80  }
0xd0: {  	[sflag:s6] =	ssyncset.done $0x0  }
0xd1: {  	[sflag:s6] =	ssyncadd.s32 $0xFFFFFF80  }
0xd2: {  	[tilespmem:s23], [sflag:$0x2] =	stream.linear.gather [hbm4b:s15+s3], $0x80, $0x38;
	[tilespmem:$0x7F8] =	vst v63  }
0xd3: {  	_ =	swait.ge [sflag:s29], $0x80  }
0xd4: {  	[sflag:s29] =	ssyncset.done $0x0  }
0xd5: {  	[sflag:s29] =	ssyncadd.s32 $0xFFFFFF80  }
0xd6: {  	[spmem:s2] =	stream.indirect.scatter.add.f32 [tilespmem:s30], [sflag:$0x5], $0x1, s3, s23, $0xb8;
	[tilespmem:$0x7F8] =	vst v63  }
0xd7: {  	_ =	swait.ge [sflag:s7], $0x80  }
0xd8: {  	[sflag:s7] =	ssyncset.done $0x0  }
0xd9: {  	[sflag:s7] =	ssyncadd.s32 $0xFFFFFF80  }
0xda: {  	_ =	swait.ge [sflag:s31], $0x80  }
0xdb: {  	[sflag:s31] =	ssyncset.done $0x0  }
0xdc: {  	[sflag:s31] =	ssyncadd.s32 $0xFFFFFF80  }
0xdd: {  	[spmem:s2] =	stream.indirect.scatter.add.f32 [tilespmem:s30], [sflag:$0x6], $0x1, s23, s23, $0xb8;
	[tilespmem:$0x7F8] =	vst v63  }
0xde: {  	_ =	swait.ge [sflag:s8], $0x80  }
0xdf: {  	[sflag:s8] =	ssyncset.done $0x0  }
0xe0: {  	[sflag:s8] =	ssyncadd.s32 $0xFFFFFF80  }
0xe1: {  	_ =	swait.ge [sflag:s0], $0x80  }
0xe2: {  	[sflag:s0] =	ssyncset.done $0x0  }
0xe3: {  	[sflag:s0] =	ssyncadd.s32 $0xFFFFFF80  }
0xe4: {  	_ =	swait.ge [sflag:s6], $0x80  }
0xe5: {  	[sflag:s6] =	ssyncset.done $0x0  }
0xe6: {  	[sflag:s6] =	ssyncadd.s32 $0xFFFFFF80  }
0xe7: {  	_ =	swait.ge [sflag:s10], $0x10  }
0xe8: {  	[sflag:s10] =	ssyncset.done $0x0  }
0xe9: {  	s14 =	simm.s32 $0x10;
	[sflag:s10] =	ssyncadd.s32 $0xFFFFFFF0  }
0xea: {  	[spmem:s2] =	stream.indirect.scatter.add.f32 [tilespmem:s30], [sflag:$0xA], $0x1, s22, s14, $0xb8;
	[tilespmem:$0x7F8] =	vst v63  }
0xeb: {  	_ =	swait.ge [sflag:s28], $0x10  }
0xec: {  	[sflag:s28] =	ssyncset.done $0x0  }
0xed: {  	[sflag:s28] =	ssyncadd.s32 $0xFFFFFFF0  }
0xee: {  	[bflag:$0x0] =	sbarrier.arrive $0xFFFF  }
0xef: {  	[tilespmem:s26], [sflag:$0xA] =	stream.linear.gather [spmem:s9], $0x278, $0x38;
	[tilespmem:$0x7F8] =	vst v63  }
0xf0: {  	s11 =	sadd.s32 $0x1, s11;
	_ =	swait.ge [sflag:s28], $0x278  }
0xf1: {  	p0 =	sne.s32 s11, s17;
	[sflag:s28] =	ssyncset.done $0x0  }
.Ltmp1:
0xf2: {  	[sflag:s28] =	ssyncadd.s32 $0xFFFFFD88;
	(pc) =	sbr.rel @p0 .LBB2_1-.Ltmp1, $4  }
0xf3: {  	[hbm4b:s16+s3] =	stream.linear.scatter [tilespmem:s26], [sflag:$0xA], $0x278, $0x38;
	[tilespmem:$0x7F8] =	vst v63  }
0xf4: {  	_ =	swait.ge [sflag:s28], $0x278  }
0xf5: {  	[sflag:s28] =	ssyncset.done $0x0  }
0xf6: {  	[sflag:s28] =	ssyncadd.s32 $0xFFFFFD88  }
0xf7: {  	_ =	sfence.sel $0x180000  }
0xf8: {  	[bflag:$0x0] =	sbarrier.arrive $0xFFFF  }
0xf9: {  	_ =	strace $0x90000047  }
0xfa: {  	s0 =	stileid.u32;
	[bflag:$0x2] =	sbarrier.arrive $0xFFFF  }
0xfb: {  	p0 =	sne.s32 s0, $0x0;
	s0 =	rddreg [dreg:$0x3]  }
0xfc: {  	s0 =	sadd.s32 @!p0 $0x100000, s0  }
0xfd: {  	[sflag:s0] =	ssyncadd.tile.s32 @!p0 $0x1;
	_ =	shalt  }
.Lfunc_end2:
_tile_overlayer_lowered:
.L_overlay_start_2:
0xfe: {  	(tag) =	ssettag $0x2  }
0xff: {  	s0 =	rddreg [dreg:$0x0];
	s2 =	stileid.u32  }
0x100: {  	s1 =	rddreg [dreg:$0x1];
	p0 =	sne.s32 s2, $0x0  }
0x101: {  	s3 =	rddreg [dreg:$0x2];
	[bflag:$0x3] =	sbarrier.arrive $0xFFFF;
	s2 =	simm.s32 @!p0 $0x1C0A  }
0x102: {  	[timem:s3], [sflag:s2] =	dma.local @!p0 [hbm:s0], s1  }
0x103: {  	s0 =	simm.s32 @!p0 $0xA  }
0x104: {  	_ =	swait.ge @!p0 [sflag:s0], s1  }
0x105: {  	s1 =	ssub.s32 @!p0 $0x0, s1;
	[sflag:s0] =	ssyncset.done @!p0 $0x0  }
0x106: {  	[sflag:s0] =	ssyncadd.s32 @!p0 s1  }
0x107: {  	[bflag:$0x3] =	sbarrier.arrive $0xFFFF  }
0x108: {  	_ =	shalt  }

// kernel: kernel.9.cloned.1.call-start
scs
__scs_entry_jumppad:
0x0: {  	(pc) =	sbr.rel $0x88, $3  }
0x1: {  	(tag) =	ssettag $0x0;
	lr =	simm.s32 $0x1  }
0x2: {  	[smem:$0x3F9B] =	sst lr;
	_ =	strace $0xD0000000  }
0x3: {  	_ = 	snop  }
0x4: {  	_ = 	snop  }
0x5: {  	_ = 	snop  }
0x6: {  	_ = 	snop  }
0x7: {  	_ = 	snop  }
__scs_overlays_trampoline_lowered:
0x8: {  	[smem:$0x3FAA] =	sst s0  }
0x9: {  	[smem:$0x3FAB] =	sst s1  }
0xa: {  	[smem:$0x3FAC] =	sst s2  }
0xb: {  	[smem:$0x3FAD] =	sst s3  }
0xc: {  	[smem:$0x3FAE] =	sst s4  }
0xd: {  	[smem:$0x3FAF] =	sst s5  }
0xe: {  	[smem:$0x3FB0] =	sst s6  }
0xf: {  	[smem:$0x3FB1] =	sst s7  }
0x10: {  	[smem:$0x3FB2] =	sst s8  }
0x11: {  	[smem:$0x3FB3] =	sst s9;
	s0 =	simm.s32 @!p0 $0x0  }
0x12: {  	s1 =	sld [smem:$0x3F99];
	s0 =	simm.s32 @p0 $0x1  }
0x13: {  	[smem:$0x3FB4] =	sst s0;
	s0 =	simm.s32 @!p1 $0x0  }
0x14: {  	s2 =	sld [smem:$0x3F98];
	s0 =	simm.s32 @p1 $0x1  }
0x15: {  	[smem:$0x3FB5] =	sst s0;
	s0 =	simm.s32 @!p2 $0x0  }
0x16: {  	s3 =	sld [smem:$0x3FDB];
	s0 =	simm.s32 @p2 $0x1  }
0x17: {  	s4 =	simm.s32 $0x1BF5;
	[smem:$0x3FB7] =	sst s0  }
0x18: {  	s0 =	sld [smem:$0x3F9A];
	_ =	swait.ge [sflag:s4], $0x0  }
0x19: {  	s7 =	sld [smem:$0x3F9B]  }
0x1a: {  	s8 =	sadd.s32 $0xFFFFE003, lr  }
0x1b: {  	s9 =	sadd.s32 $0xFFFFFEF7, lr;
	s5 =	simm.s32 $0xFFFFFFFF;
	p2 =	slt.u32 s8, $0xFFFFF086  }
0x1c: {  	p1 =	slt.u32 s9, $0xF7A;
	s5 =	simm.s32 @!p2 $0x0  }
0x1d: {  	s5 =	simm.s32 @p1 $0x1;
	p0 =	seq.s32 s7, s2  }
0x1e: {  	s7 =	smul.u32 @!p0 $0xF7A, s2;
	p2 =	seq.s32 @!p0 s5, $0x0  }
0x1f: {  	s9 =	smul.u32 $0xF7A, s1;
	s8 =	simm.s32 @!p0 $0x1BF5;
	p2 =	por !p2, p0  }
0x20: {  	[sflag:s8] =	ssyncset.s32 @!p0 $0xFFFFF086;
	s6 =	sadd.s32 @!p0 s3, s7;
	s7 =	simm.s32 @!p0 $0x108  }
0x21: {  	s3 =	sadd.s32 s3, s9;
	s6 =	sadd.s32 @!p0 $0x88, s6;
	s7 =	simm.s32 @p2 $0x1082  }
0x22: {  	[simem:s7], [sflag:s8] =	dma.local @!p0 [hbm:s6], $0xF7A  }
0x23: {  	s9 =	sor.u32 $0xD0000000, s2;
	s6 =	simm.s32 $0x108;
	_ =	swait.ge @!p0 [sflag:s8], $0x0  }
0x24: {  	s3 =	sadd.s32 $0x88, s3;
	s6 =	simm.s32 @!p1 $0x1082;
	[sflag:s4] =	ssyncset.s32 $0xFFFFF086  }
0x25: {  	[simem:s6], [sflag:s4] =	dma.local [hbm:s3], $0xF7A  }
0x26: {  	[smem:$0x3F9B] =	sst s1;
	(tag) =	ssettag s2;
	_ =	strace s9  }
0x27: {  	s1 =	sld [smem:$0x3FAB]  }
0x28: {  	s2 =	sld [smem:$0x3FAC]  }
0x29: {  	s4 =	sld [smem:$0x3FAE]  }
0x2a: {  	p0 =	seq.s32 s5, $0x0;
	s5 =	sld [smem:$0x3FAF]  }
0x2b: {  	s6 =	sld [smem:$0x3FB0]  }
0x2c: {  	s7 =	sld [smem:$0x3FB1]  }
0x2d: {  	s3 =	simm.s32 $0x108;
	s8 =	sld [smem:$0x3FB2]  }
0x2e: {  	s3 =	simm.s32 @!p0 $0x1082;
	s9 =	sld [smem:$0x3FB3]  }
0x2f: {  	lr =	sadd.s32 s0, s3;
	s0 =	sld [smem:$0x3FAA]  }
0x30: {  	s3 =	sld [smem:$0x3FAD]  }
0x31: {  	[smem:$0x3FB6] =	sst s10  }
0x32: {  	s10 =	sld [smem:$0x3FB4];
	_ =	sdelay $0x3  }
0x33: {  	p0 =	seq.s32 s10, $0x1;
	s10 =	sld [smem:$0x3FB6];
	_ =	sdelay $0x3  }
0x34: {  	[smem:$0x3FB6] =	sst s10  }
0x35: {  	s10 =	sld [smem:$0x3FB5];
	_ =	sdelay $0x3  }
0x36: {  	p1 =	seq.s32 s10, $0x1;
	s10 =	sld [smem:$0x3FB6];
	_ =	sdelay $0x3  }
0x37: {  	[smem:$0x3FB6] =	sst s10  }
0x38: {  	s10 =	sld [smem:$0x3FB7]  }
0x39: {  	_ = 	snop;
	(pc) =	sbr.ind lr, $3  }
0x3a: {  	_ = 	snop  }
0x3b: {  	_ = 	snop  }
0x3c: {  	p2 =	seq.s32 s10, $0x1;
	s10 =	sld [smem:$0x3FB6]  }
0x3d: {  	_ =	shalt  }
0x3e: {  	_ =	shalt  }
0x3f: {  	_ =	shalt  }
0x40: {  	_ =	shalt  }
0x41: {  	_ =	shalt  }
0x42: {  	_ =	shalt  }
0x43: {  	_ =	shalt  }
0x44: {  	_ =	shalt  }
0x45: {  	_ =	shalt  }
0x46: {  	_ =	shalt  }
0x47: {  	_ =	shalt  }
0x48: {  	_ =	shalt  }
0x49: {  	_ =	shalt  }
0x4a: {  	_ =	shalt  }
0x4b: {  	_ =	shalt  }
0x4c: {  	_ =	shalt  }
0x4d: {  	_ =	shalt  }
0x4e: {  	_ =	shalt  }
0x4f: {  	_ =	shalt  }
0x50: {  	_ =	shalt  }
0x51: {  	_ =	shalt  }
0x52: {  	_ =	shalt  }
0x53: {  	_ =	shalt  }
0x54: {  	_ =	shalt  }
0x55: {  	_ =	shalt  }
0x56: {  	_ =	shalt  }
0x57: {  	_ =	shalt  }
0x58: {  	_ =	shalt  }
0x59: {  	_ =	shalt  }
0x5a: {  	_ =	shalt  }
0x5b: {  	_ =	shalt  }
0x5c: {  	_ =	shalt  }
0x5d: {  	_ =	shalt  }
0x5e: {  	_ =	shalt  }
0x5f: {  	_ =	shalt  }
0x60: {  	_ =	shalt  }
0x61: {  	_ =	shalt  }
0x62: {  	_ =	shalt  }
0x63: {  	_ =	shalt  }
0x64: {  	_ =	shalt  }
0x65: {  	_ =	shalt  }
0x66: {  	_ =	shalt  }
0x67: {  	_ =	shalt  }
0x68: {  	_ =	shalt  }
0x69: {  	_ =	shalt  }
0x6a: {  	_ =	shalt  }
0x6b: {  	_ =	shalt  }
0x6c: {  	_ =	shalt  }
0x6d: {  	_ =	shalt  }
0x6e: {  	_ =	shalt  }
0x6f: {  	_ =	shalt  }
0x70: {  	_ =	shalt  }
0x71: {  	_ =	shalt  }
0x72: {  	_ =	shalt  }
0x73: {  	_ =	shalt  }
0x74: {  	_ =	shalt  }
0x75: {  	_ =	shalt  }
0x76: {  	_ =	shalt  }
0x77: {  	_ =	shalt  }
0x78: {  	_ =	shalt  }
0x79: {  	_ =	shalt  }
0x7a: {  	_ =	shalt  }
0x7b: {  	_ =	shalt  }
0x7c: {  	_ =	shalt  }
0x7d: {  	_ =	shalt  }
0x7e: {  	_ =	shalt  }
0x7f: {  	_ =	shalt  }
0x80: {  	_ =	shalt  }
0x81: {  	_ =	shalt  }
0x82: {  	_ =	shalt  }
0x83: {  	_ =	shalt  }
0x84: {  	_ =	shalt  }
0x85: {  	_ =	shalt  }
0x86: {  	_ =	shalt  }
0x87: {  	_ =	shalt  }
.Lfunc_end0:
.L_simem_size_0:
called_computation.1_lowered:
.L_overlay_start_0:
0x88: {  	s2 =	sld [smem:$0x3FD9]  }
0x89: {  	s3 =	sld [smem:$0x3FFE];
	_ =	sdelay $0x1  }
0x8a: {  	s1 =	srdreg.scid  }
0x8b: {  	s0 =	sand.u32 $0x1, s1  }
0x8c: {  	s17 =	sshll.u32 s0, $0xA;
	s2 =	sadd.s32 s3, s2  }
0x8d: {  	s2 =	sadd.s32 s2, s17  }
0x8e: {  	[smem:$0x3FC2] =	sst s2  }
0x8f: {  	_ = 	snop  }
0x90: {  	s2 =	sld [smem:$0x3FD0];
	(tm) =	ssettm $0x1  }
0x91: {  	s18 =	sld [smem:$0x3FFB];
	_ =	sdelay $0x3  }
0x92: {  	_ =	strace s18  }
0x93: {  	s3 =	sld [smem:$0x3FFC];
	_ =	sdelay $0x3  }
0x94: {  	_ =	strace s3  }
0x95: {  	s3 =	sld [smem:$0x3FFD];
	_ =	sdelay $0x3  }
0x96: {  	_ =	strace s3  }
0x97: {  	_ =	strace $0x8FFFFFFF  }
0x98: {  	s19 =	sld [smem:$0x3FDB];
	_ =	sdelay $0x1  }
0x99: {  	s4 =	simm.s32 $_scs_section_size  }
0x9a: {  	s5 =	simm.s32 $_size__tile_overlayer_lowered;
	s6 =	simm.s32 $_tile_overlayer_lowered  }
0x9b: {  	s22 =	simm.s32 $0x1BFF;
	s21 =	sshll.u32 s6, $0x1;
	s3 =	sadd.s32 s4, s19  }
0x9c: {  	s7 =	simm.s32 $0x0;
	s20 =	sshll.u32 s5, $0x1;
	s5 =	sadd.s32 s21, s3  }
0x9d: {  	[timem:s7], [sflag:s22] =	dma.local [hbm:s5], s20  }
0x9e: {  	_ =	swait.ge [sflag:s22], s20  }
0x9f: {  	s4 =	ssub.s32 $0x0, s20;
	[sflag:s22] =	ssyncset.done $0x0  }
0xa0: {  	[sflag:s22] =	ssyncadd.s32 s4;
	_ =	sdelay $0x1  }
0xa1: {  	s23 =	simm.s32 $0x1B8B  }
0xa2: {  	_ =	swait.ge [sflag:s23], $0x1  }
0xa3: {  	[sflag:s23] =	ssyncset.done $0x0  }
0xa4: {  	s25 =	simm.s32 $0x1B8E;
	s24 =	sld [smem:$0x3FFE];
	[sflag:s23] =	ssyncadd.s32 $0xFFFFFFFF  }
0xa5: {  	s26 =	simm.s32 $execute0_lowered;
	[smem:$0x3FD2] =	sst s25  }
0xa6: {  	s5 =	sshll.u32 s26, $0x1;
	_ =	strace $0x80000049;
	[dreg:$0x1] =	wrdreg $0xFFFFFFFF  }
0xa7: {  	s28 =	simm.s32 $_size_execute0_lowered;
	s3 =	sadd.s32 s3, s5;
	[dreg:$0x0] =	wrdreg $0x0  }
0xa8: {  	s5 =	sshll.u32 s28, $0x1;
	[dreg:$0x2] =	wrdreg s3  }
0xa9: {  	[dreg:$0x3] =	wrdreg s5  }
0xaa: {  	[dreg:$0x4] =	wrdreg $0xC0  }
0xab: {  	_ =	task [dreg:s7], $0x5FFFF  }
0xac: {  	[dreg:$0x1] =	wrdreg $0xFFFFFFFF  }
0xad: {  	[dreg:$0x0] =	wrdreg $0x60  }
0xae: {  	[dreg:$0x2] =	wrdreg s2  }
0xaf: {  	[dreg:$0x3] =	wrdreg s24  }
0xb0: {  	[dreg:$0x4] =	wrdreg $0x8D000  }
0xb1: {  	[dreg:$0x5] =	wrdreg $0x9  }
0xb2: {  	_ =	task.clear_ibuf [dreg:s7], $0x6FFFF;
	_ =	strace $0x90000049  }
0xb3: {  	s29 =	simm.s32 $0x9;
	_ =	strace $0x8000004B  }
0xb4: {  	_ =	swait.ge [sflag:s29], $0x1  }
0xb5: {  	[sflag:s29] =	ssyncadd.s32 $0xFFFFFFFF  }
0xb6: {  	_ =	strace $0x9000004B  }
0xb7: {  	_ =	sfence  }
0xb8: {  	s30 =	sld [smem:$0x0];
	_ =	sdelay $0x2  }
0xb9: {  	s31 =	sshll.u32 s1, $0xD;
	s1 =	sshrl.u32 s1, $0x2  }
0xba: {  	s3 =	sand.u32 $0x4000, s31;
	s1 =	sadd.s32 s1, s30  }
0xbb: {  	s0 =	sor.u32 s3, s0;
	s1 =	sshll.u32 s1, $0x11  }
0xbc: {  	s0 =	sor.u32 s1, s0  }
0xbd: {  	s0 =	sadd.s32 $0x8F2B, s0  }
0xbe: {  	[sflag:s0] =	ssyncadd.remote.s32 $0x1  }
0xbf: {  	_ =	sfence.sel $0xFFFF  }
0xc0: {  	[dreg:$0x0] =	wrdreg $0xFFFFFFFF;
	(pc) =	sbr.abs _section_cstart, $3  }
0xc1: {  	[dreg:$0x1] =	wrdreg $0xFFFFFFFF  }
0xc2: {  	_ =	task.clear_ibuf [dreg:s7], $0x2FFFF;
	_ =	strace $0x9FFFFFFF  }
0xc3: {  	(tm) =	ssettm $0x7FFFFFFF  }
tec
execute0_lowered:
.L_overlay_start_1:
0x0: {  	(tag) =	ssettag $0x1  }
0x1: {  	s1 =	rddreg [dreg:$0x0]  }
0x2: {  	s0 =	rddreg [dreg:$0x1]  }
0x3: {  	s3 =	rddreg [dreg:$0x2]  }
0x4: {  	s2 =	srdreg.scid;
	s17 =	stileid.u32  }
0x5: {  	s4 =	simm.s32 $0x0;
	s28 =	simm.s32 $0x2;
	s29 =	simm.s32 $0x3  }
0x6: {  	s30 =	simm.s32 $0x7;
	s31 =	simm.s32 $0x4;
	s10 =	smul.u32 $0x13C00, s17  }
0x7: {  	s8 =	sand.u32 $0x1, s2;
	s15 =	sshll.u32 s17, $0x1;
	s13 =	smul.u32 $0x4E20, s17  }
0x8: {  	[smem:$0x7FF] =	sst s4;
	s5 =	sadd.s32 $0x1E00, s0;
	s12 =	smul.u32 $0x13C000, s8  }
0x9: {  	s11 =	sadd.s32 $0x15A00, s0;
	s2 =	sor.u32 s8, s15;
	s14 =	smul.u32 $0x2710, s8  }
0xa: {  	_ =	strace $0x8000004A;
	s7 =	ssub.s32 $0x2, s8;
	s6 =	smul.u32 $0x2710, s2  }
0xb: {  	s2 =	sadd.s32 $0xBC00, s0;
	s16 =	sshrl.u32 s7, $0x1;
	s8 =	sadd.s32 $0x8000, s10  }
0xc: {  	s0 =	ssub.s32 s7, s16;
	s15 =	sadd.s32 s10, s12;
	s13 =	sadd.s32 s14, s13  }
0xd: {  	s16 =	sadd.s32 s12, s8;
	s8 =	sadd.s32 s8, s3;
	s6 =	sshrl.u32 s6, $0x3  }
0xe: {  	s15 =	sshrl.u32 s15, $0x3;
	s24 =	sadd.s32 $0x400, s13;
	s25 =	sshrl.u32 s16, $0x3  }
0xf: {  	s16 =	sadd.s32 $0x380, s13;
	s0 =	smax.u32 s0, $0x1;
	s18 =	sadd.s32 $0x4E0, s6  }
0x10: {  	s19 =	sadd.s32 $0x10, s6;
	s22 =	sadd.s32 s11, s15;
	[smem:$0x7FD] =	sst s0  }
0x11: {  	s15 =	sshrl.u32 s24, $0x3;
	s9 =	sadd.s32 s5, s18;
	[dreg:$0xe] =	wrdreg s22  }
0x12: {  	s0 =	simm.s32 $0x8;
	s7 =	sadd.s32 s2, s18;
	[dreg:$0xa] =	wrdreg s9  }
0x13: {  	s20 =	sadd.s32 s5, s19;
	s21 =	sadd.s32 s2, s19;
	[dreg:$0xb] =	wrdreg s7  }
0x14: {  	s26 =	sadd.s32 s15, s2;
	s15 =	sadd.s32 s15, s5;
	[dreg:$0xc] =	wrdreg s20  }
0x15: {  	s22 =	sadd.s32 $0x20, s6;
	[dreg:$0xd] =	wrdreg s21;
	s7 =	sadd.s32 $0x4000, s10  }
0x16: {  	s9 =	sadd.s32 $0xC000, s10;
	[dreg:$0x4] =	wrdreg s26;
	s20 =	sadd.s32 $0x300, s13  }
0x17: {  	s10 =	sadd.s32 $0x10000, s10;
	[dreg:$0x5] =	wrdreg s15;
	s15 =	sshrl.u32 s20, $0x3  }
0x18: {  	s26 =	sadd.s32 $0x40, s6;
	s23 =	sadd.s32 s12, s7;
	s21 =	sadd.s32 s15, s2  }
0x19: {  	s14 =	sshrl.u32 s23, $0x3;
	s23 =	sadd.s32 s5, s22;
	[dreg:$0x8] =	wrdreg s21  }
0x1a: {  	s18 =	sadd.s32 s12, s9;
	s24 =	sadd.s32 s15, s5;
	[dreg:$0x13] =	wrdreg s23  }
0x1b: {  	s20 =	sadd.s32 $0x4A0, s6;
	s14 =	sadd.s32 s11, s14;
	[dreg:$0x9] =	wrdreg s24  }
0x1c: {  	s12 =	sadd.s32 s12, s10;
	s23 =	sadd.s32 s2, s20;
	[dreg:$0xf] =	wrdreg s14  }
0x1d: {  	s14 =	sadd.s32 s11, s25;
	s25 =	sadd.s32 $0x30, s6;
	[dreg:$0x1c] =	wrdreg s23  }
0x1e: {  	[dreg:$0x10] =	wrdreg s14;
	s14 =	sshrl.u32 s16, $0x3;
	s15 =	sadd.s32 s5, s25  }
0x1f: {  	s16 =	sshrl.u32 s18, $0x3;
	s18 =	sadd.s32 s2, s26;
	[dreg:$0x15] =	wrdreg s15  }
0x20: {  	s7 =	sadd.s32 s7, s3;
	s16 =	sadd.s32 s11, s16;
	[dreg:$0x18] =	wrdreg s18  }
0x21: {  	s12 =	sshrl.u32 s12, $0x3;
	s19 =	sadd.s32 s14, s2;
	[dreg:$0x11] =	wrdreg s16  }
0x22: {  	s24 =	sadd.s32 $0x4B0, s6;
	s14 =	sadd.s32 s14, s5;
	[dreg:$0x6] =	wrdreg s19  }
0x23: {  	s11 =	sadd.s32 s11, s12;
	s18 =	sadd.s32 s5, s6;
	[dreg:$0x7] =	wrdreg s14  }
0x24: {  	s12 =	simm.s32 $0x9;
	[dreg:$0x12] =	wrdreg s11;
	s11 =	sadd.s32 s2, s22  }
0x25: {  	s16 =	sadd.s32 s5, s26;
	s19 =	sadd.s32 $0x490, s6;
	[smem:$0x7F6] =	sst s18  }
0x26: {  	s22 =	sadd.s32 s5, s20;
	s26 =	sadd.s32 s5, s24;
	[dreg:$0x14] =	wrdreg s11  }
0x27: {  	s20 =	sadd.s32 $0x280, s13;
	s14 =	simm.s32 $0x200;
	[dreg:$0x17] =	wrdreg s16  }
0x28: {  	s18 =	simm.s32 $0x300;
	s13 =	simm.s32 $0x0;
	[dreg:$0x1b] =	wrdreg s22  }
0x29: {  	s11 =	sadd.s32 s2, s25;
	s21 =	sadd.s32 s5, s19;
	[dreg:$0x1d] =	wrdreg s26  }
0x2a: {  	s25 =	sadd.s32 $0x4C0, s6;
	s23 =	sshrl.u32 s20, $0x3;
	[dreg:$0x16] =	wrdreg s11  }
0x2b: {  	s26 =	sadd.s32 s10, s3;
	s20 =	simm.s32 $0x380;
	[dreg:$0x19] =	wrdreg s21  }
0x2c: {  	s11 =	sadd.s32 s2, s19;
	s15 =	sadd.s32 s5, s25;
	s16 =	sadd.s32 s2, s25  }
0x2d: {  	s19 =	sadd.s32 s2, s6;
	s6 =	sadd.s32 $0x4D0, s6;
	[smem:$0x7FC] =	sst s26  }
0x2e: {  	s21 =	smul.u32 $0x4F000, s17;
	s25 =	sadd.s32 s9, s3;
	[dreg:$0x1a] =	wrdreg s11  }
0x2f: {  	s9 =	simm.s32 $0x480;
	s17 =	simm.s32 $0x100;
	[dreg:$0x1f] =	wrdreg s15  }
0x30: {  	s26 =	simm.s32 $0x6;
	s11 =	sadd.s32 s2, s24;
	[smem:$0x7F5] =	sst s16  }
0x31: {  	[smem:$0x7F7] =	sst s19;
	s22 =	sadd.s32 s5, s6;
	s6 =	sadd.s32 s2, s6  }
0x32: {  	s2 =	sadd.s32 s23, s2;
	s5 =	sadd.s32 s23, s5;
	[smem:$0x7FB] =	sst s25  }
0x33: {  	s15 =	simm.s32 $0x80;
	s16 =	simm.s32 $0x280;
	[dreg:$0x1e] =	wrdreg s11  }
0x34: {  	s19 =	simm.s32 $0x180;
	s23 =	simm.s32 $0x4500;
	[smem:$0x7F8] =	sst s22  }
0x35: {  	s25 =	simm.s32 $0x1;
	[smem:$0x7F9] =	sst s6;
	s24 =	sshrl.u32 s21, $0x2  }
0x36: {  	s11 =	simm.s32 $0x400;
	s21 =	simm.s32 $0x5;
	s6 =	sadd.s32 s24, s3  }
0x37: {  	v0 =	vimm.f32 $0.0e+00;
	s22 =	simm.s32 $0x500;
	s24 =	simm.s32 $0xA;
	[smem:$0x7FA] =	sst s6  }
.LBB2_1:
0x38: {  	s6 =	rddreg [dreg:$0xa]  }
0x39: {  	s10 =	sld [smem:$0x7F6]  }
0x3a: {  	[tilespmem:s11], [sflag:$0x9] =	stream.linear.gather [hbm4b:s6+s4], $0x10, $0x38;
	[tilespmem:$0x1C900] =	vst v63  }
0x3b: {  	s11 =	rddreg [dreg:$0xb]  }
0x3c: {  	[tilespmem:s9], [sflag:$0x9] =	stream.linear.gather [hbm4b:s11+s4], $0x10, $0x38;
	[tilespmem:$0x1C900] =	vst v63  }
0x3d: {  	s11 =	sld [smem:$0x7F7]  }
0x3e: {  	[tilespmem:s4], [sflag:$0x5] =	stream.linear.gather [hbm4b:s10+s4], $0x80, $0x38;
	[tilespmem:$0x1C900] =	vst v63  }
0x3f: {  	_ = 	snop  }
0x40: {  	[tilespmem:s14], [sflag:$0x5] =	stream.linear.gather [hbm4b:s11+s4], $0x80, $0x38;
	[tilespmem:$0x1C900] =	vst v63  }
0x41: {  	s9 =	rddreg [dreg:$0xc]  }
0x42: {  	[tilespmem:s15], [sflag:$0x6] =	stream.linear.gather [hbm4b:s9+s4], $0x80, $0x38;
	[tilespmem:$0x1C900] =	vst v63  }
0x43: {  	s10 =	rddreg [dreg:$0xd]  }
0x44: {  	[tilespmem:s16], [sflag:$0x6] =	stream.linear.gather [hbm4b:s10+s4], $0x80, $0x38;
	[tilespmem:$0x1C900] =	vst v63  }
0x45: {  	s11 =	rddreg [dreg:$0x13]  }
0x46: {  	[tilespmem:s17], [sflag:$0x7] =	stream.linear.gather [hbm4b:s11+s4], $0x80, $0x38;
	[tilespmem:$0x1C900] =	vst v63  }
0x47: {  	s9 =	rddreg [dreg:$0x14]  }
0x48: {  	[tilespmem:s18], [sflag:$0x7] =	stream.linear.gather [hbm4b:s9+s4], $0x80, $0x38;
	[tilespmem:$0x1C900] =	vst v63  }
0x49: {  	s10 =	rddreg [dreg:$0x15]  }
0x4a: {  	[tilespmem:s19], [sflag:$0x8] =	stream.linear.gather [hbm4b:s10+s4], $0x80, $0x38;
	[tilespmem:$0x1C900] =	vst v63  }
0x4b: {  	s11 =	rddreg [dreg:$0x16]  }
0x4c: {  	[tilespmem:s20], [sflag:$0x8] =	stream.linear.gather [hbm4b:s11+s4], $0x80, $0x38;
	[tilespmem:$0x1C900] =	vst v63  }
0x4d: {  	_ =	swait.ge [sflag:s21], $0x80  }
0x4e: {  	[sflag:s21] =	ssyncset.done $0x0  }
0x4f: {  	[sflag:s21] =	ssyncadd.s32 $0xFFFFFF80  }
0x50: {  	_ =	swait.ge [sflag:s21], $0x80  }
0x51: {  	[sflag:s21] =	ssyncset.done $0x0  }
0x52: {  	s6 =	simm.s32 $0x0;
	s11 =	simm.s32 $0x200;
	[sflag:s21] =	ssyncadd.s32 $0xFFFFFF80  }
0x53: {  	[tilespmem:s22], [sflag:$0x1] =	stream.indirect.gather [hbm4b:s1+s15], $0x80, s4, s15, $0xb8;
	[tilespmem:$0x1C900] =	vst v63  }
.LBB2_2:
0x54: {  	p0 =	sne.s32 s11, $0xFE00;
	[tilespmem:s6+$0x4570] =	vst v0  }
0x55: {  	[tilespmem:s6+$0x4500] =	vst v0  }
0x56: {  	[tilespmem:s6+$0x4510] =	vst v0  }
.Ltmp0:
0x57: {  	[tilespmem:s6+$0x4520] =	vst v0;
	(pc) =	sbr.rel @p0 .LBB2_2-.Ltmp0, $4  }
0x58: {  	[tilespmem:s6+$0x4530] =	vst v0  }
0x59: {  	[tilespmem:s6+$0x4540] =	vst v0  }
0x5a: {  	[tilespmem:s6+$0x4550] =	vst v0  }
0x5b: {  	[tilespmem:s6+$0x4560] =	vst v0;
	s6 =	sshra.s32 s11, $0x2;
	s11 =	sadd.s32 $0x200, s11  }
0x5c: {  	[tilespmem:s6+$0x4570] =	vst v0  }
0x5d: {  	[tilespmem:s6+$0x4500] =	vst v0  }
0x5e: {  	[tilespmem:s6+$0x4510] =	vst v0  }
0x5f: {  	[tilespmem:s6+$0x4520] =	vst v0  }
0x60: {  	[tilespmem:s6+$0x4530] =	vst v0  }
0x61: {  	[tilespmem:s6+$0x4540] =	vst v0;
	s11 =	sld [smem:$0x7FA]  }
0x62: {  	[tilespmem:s6+$0x4550] =	vst v0  }
0x63: {  	[tilespmem:s6+$0x4560] =	vst v0  }
0x64: {  	[spmem:s11] =	stream.linear.scatter [tilespmem:s23], [sflag:$0xA], $0x4000, $0x38;
	[tilespmem:$0x1C900] =	vst v63  }
0x65: {  	_ =	swait.ge [sflag:s24], $0x4000  }
0x66: {  	[sflag:s24] =	ssyncset.done $0x0  }
0x67: {  	[sflag:s24] =	ssyncadd.s32 $0xFFFFC000  }
0x68: {  	[spmem:s7] =	stream.linear.scatter [tilespmem:s23], [sflag:$0xA], $0x4000, $0x38;
	[tilespmem:$0x1C900] =	vst v63  }
0x69: {  	_ =	swait.ge [sflag:s24], $0x4000  }
0x6a: {  	[sflag:s24] =	ssyncset.done $0x0  }
0x6b: {  	[sflag:s24] =	ssyncadd.s32 $0xFFFFC000  }
0x6c: {  	[spmem:s8] =	stream.linear.scatter [tilespmem:s23], [sflag:$0xA], $0x4000, $0x38;
	[tilespmem:$0x1C900] =	vst v63  }
0x6d: {  	_ =	swait.ge [sflag:s24], $0x4000  }
0x6e: {  	s9 =	smov.u32 s7;
	s7 =	sld [smem:$0x7FB]  }
0x6f: {  	[sflag:s24] =	ssyncset.done $0x0  }
0x70: {  	[sflag:s24] =	ssyncadd.s32 $0xFFFFC000  }
0x71: {  	[spmem:s7] =	stream.linear.scatter [tilespmem:s23], [sflag:$0xA], $0x4000, $0x38;
	[tilespmem:$0x1C900] =	vst v63  }
0x72: {  	_ =	swait.ge [sflag:s24], $0x4000  }
0x73: {  	s10 =	smov.u32 s8;
	s8 =	sld [smem:$0x7FC]  }
0x74: {  	[sflag:s24] =	ssyncset.done $0x0  }
0x75: {  	[sflag:s24] =	ssyncadd.s32 $0xFFFFC000  }
0x76: {  	[spmem:s8] =	stream.linear.scatter [tilespmem:s23], [sflag:$0xA], $0x3C00, $0x38;
	[tilespmem:$0x1C900] =	vst v63  }
0x77: {  	_ =	swait.ge [sflag:s24], $0x3C00  }
0x78: {  	[sflag:s24] =	ssyncset.done $0x0  }
0x79: {  	[sflag:s24] =	ssyncadd.s32 $0xFFFFC400  }
0x7a: {  	[bflag:$0x0] =	sbarrier.arrive $0xFFFF  }
0x7b: {  	_ =	swait.ge [sflag:s25], $0x4000  }
0x7c: {  	[sflag:s25] =	ssyncset.done $0x0  }
0x7d: {  	[sflag:s25] =	ssyncadd.s32 $0xFFFFC000  }
0x7e: {  	[spmem:s3] =	stream.indirect.scatter.add.f32 [tilespmem:s22], [sflag:$0x3], $0x80, s14, s15, $0xb8;
	[tilespmem:$0x1C900] =	vst v63  }
0x7f: {  	_ =	swait.ge [sflag:s26], $0x80  }
0x80: {  	[sflag:s26] =	ssyncset.done $0x0  }
0x81: {  	[sflag:s26] =	ssyncadd.s32 $0xFFFFFF80  }
0x82: {  	_ =	swait.ge [sflag:s26], $0x80  }
0x83: {  	[sflag:s26] =	ssyncset.done $0x0  }
0x84: {  	[sflag:s26] =	ssyncadd.s32 $0xFFFFFF80  }
0x85: {  	[tilespmem:s23], [sflag:$0x2] =	stream.indirect.gather [hbm4b:s1+s15], $0x80, s15, s15, $0xb8;
	[tilespmem:$0x1C900] =	vst v63  }
0x86: {  	_ =	swait.ge [sflag:s28], $0x4000  }
0x87: {  	[sflag:s28] =	ssyncset.done $0x0  }
0x88: {  	[sflag:s28] =	ssyncadd.s32 $0xFFFFC000  }
0x89: {  	[spmem:s3] =	stream.indirect.scatter.add.f32 [tilespmem:s23], [sflag:$0x4], $0x80, s16, s15, $0xb8;
	[tilespmem:$0x1C900] =	vst v63  }
0x8a: {  	_ =	swait.ge [sflag:s29], $0x4000  }
0x8b: {  	[sflag:s29] =	ssyncset.done $0x0  }
0x8c: {  	s6 =	simm.s32 $0x0;
	s11 =	rddreg [dreg:$0x17];
	[sflag:s29] =	ssyncadd.s32 $0xFFFFC000  }
0x8d: {  	[tilespmem:s6], [sflag:$0x5] =	stream.linear.gather [hbm4b:s11+s6], $0x80, $0x38;
	[tilespmem:$0x1C900] =	vst v63  }
0x8e: {  	s8 =	rddreg [dreg:$0x18]  }
0x8f: {  	[tilespmem:s14], [sflag:$0x5] =	stream.linear.gather [hbm4b:s8+s6], $0x80, $0x38;
	[tilespmem:$0x1C900] =	vst v63  }
0x90: {  	_ =	swait.ge [sflag:s30], $0x80  }
0x91: {  	[sflag:s30] =	ssyncset.done $0x0  }
0x92: {  	[sflag:s30] =	ssyncadd.s32 $0xFFFFFF80  }
0x93: {  	_ =	swait.ge [sflag:s30], $0x80  }
0x94: {  	[sflag:s30] =	ssyncset.done $0x0  }
0x95: {  	[sflag:s30] =	ssyncadd.s32 $0xFFFFFF80  }
0x96: {  	[tilespmem:s22], [sflag:$0x1] =	stream.indirect.gather [hbm4b:s1+s15], $0x80, s17, s15, $0xb8;
	[tilespmem:$0x1C900] =	vst v63  }
0x97: {  	_ =	swait.ge [sflag:s25], $0x4000  }
0x98: {  	[sflag:s25] =	ssyncset.done $0x0  }
0x99: {  	[sflag:s25] =	ssyncadd.s32 $0xFFFFC000  }
0x9a: {  	[spmem:s3] =	stream.indirect.scatter.add.f32 [tilespmem:s22], [sflag:$0x3], $0x80, s18, s15, $0xb8;
	[tilespmem:$0x1C900] =	vst v63  }
0x9b: {  	_ =	swait.ge [sflag:s31], $0x4000  }
0x9c: {  	[sflag:s31] =	ssyncset.done $0x0  }
0x9d: {  	s11 =	sadd.s32 $0x0, s5;
	[sflag:s31] =	ssyncadd.s32 $0xFFFFC000  }
0x9e: {  	[tilespmem:s15], [sflag:$0x6] =	stream.linear.gather [hbm4b:s11+s4], $0x80, $0x38;
	[tilespmem:$0x1C900] =	vst v63  }
0x9f: {  	s7 =	sadd.s32 $0x0, s2  }
0xa0: {  	[tilespmem:s16], [sflag:$0x6] =	stream.linear.gather [hbm4b:s7+s4], $0x80, $0x38;
	[tilespmem:$0x1C900] =	vst v63  }
0xa1: {  	_ =	swait.ge [sflag:s0], $0x80  }
0xa2: {  	[sflag:s0] =	ssyncset.done $0x0  }
0xa3: {  	[sflag:s0] =	ssyncadd.s32 $0xFFFFFF80  }
0xa4: {  	_ =	swait.ge [sflag:s0], $0x80  }
0xa5: {  	[sflag:s0] =	ssyncset.done $0x0  }
0xa6: {  	[sflag:s0] =	ssyncadd.s32 $0xFFFFFF80  }
0xa7: {  	[tilespmem:s23], [sflag:$0x2] =	stream.indirect.gather [hbm4b:s1+s15], $0x80, s19, s15, $0xb8;
	[tilespmem:$0x1C900] =	vst v63  }
0xa8: {  	_ =	swait.ge [sflag:s28], $0x4000  }
0xa9: {  	[sflag:s28] =	ssyncset.done $0x0  }
0xaa: {  	[sflag:s28] =	ssyncadd.s32 $0xFFFFC000  }
0xab: {  	[spmem:s3] =	stream.indirect.scatter.add.f32 [tilespmem:s23], [sflag:$0x4], $0x80, s20, s15, $0xb8;
	[tilespmem:$0x1C900] =	vst v63  }
0xac: {  	_ =	swait.ge [sflag:s29], $0x4000  }
0xad: {  	s8 =	rddreg [dreg:$0x9];
	[sflag:s29] =	ssyncset.done $0x0  }
0xae: {  	s11 =	rddreg [dreg:$0x8];
	[sflag:s29] =	ssyncadd.s32 $0xFFFFC000;
	s6 =	sadd.s32 $0x0, s8  }
0xaf: {  	[tilespmem:s17], [sflag:$0x7] =	stream.linear.gather [hbm4b:s6+s4], $0x80, $0x38;
	[tilespmem:$0x1C900] =	vst v63  }
0xb0: {  	s11 =	sadd.s32 $0x0, s11  }
0xb1: {  	[tilespmem:s18], [sflag:$0x7] =	stream.linear.gather [hbm4b:s11+s4], $0x80, $0x38;
	[tilespmem:$0x1C900] =	vst v63  }
0xb2: {  	_ =	swait.ge [sflag:s21], $0x80  }
0xb3: {  	[sflag:s21] =	ssyncset.done $0x0  }
0xb4: {  	[sflag:s21] =	ssyncadd.s32 $0xFFFFFF80  }
0xb5: {  	_ =	swait.ge [sflag:s21], $0x80  }
0xb6: {  	[sflag:s21] =	ssyncset.done $0x0  }
0xb7: {  	[sflag:s21] =	ssyncadd.s32 $0xFFFFFF80  }
0xb8: {  	[tilespmem:s22], [sflag:$0x1] =	stream.indirect.gather [hbm4b:s1+s15], $0x80, s4, s15, $0xb8;
	[tilespmem:$0x1C900] =	vst v63  }
0xb9: {  	_ =	swait.ge [sflag:s25], $0x4000  }
0xba: {  	[sflag:s25] =	ssyncset.done $0x0  }
0xbb: {  	[sflag:s25] =	ssyncadd.s32 $0xFFFFC000  }
0xbc: {  	[spmem:s3] =	stream.indirect.scatter.add.f32 [tilespmem:s22], [sflag:$0x3], $0x80, s14, s15, $0xb8;
	[tilespmem:$0x1C900] =	vst v63  }
0xbd: {  	_ =	swait.ge [sflag:s31], $0x4000  }
0xbe: {  	s7 =	rddreg [dreg:$0x7];
	[sflag:s31] =	ssyncset.done $0x0  }
0xbf: {  	s8 =	rddreg [dreg:$0x6];
	[sflag:s31] =	ssyncadd.s32 $0xFFFFC000;
	s6 =	sadd.s32 $0x0, s7  }
0xc0: {  	[tilespmem:s19], [sflag:$0x8] =	stream.linear.gather [hbm4b:s6+s4], $0x80, $0x38;
	[tilespmem:$0x1C900] =	vst v63  }
0xc1: {  	s11 =	sadd.s32 $0x0, s8  }
0xc2: {  	[tilespmem:s20], [sflag:$0x8] =	stream.linear.gather [hbm4b:s11+s4], $0x80, $0x38;
	[tilespmem:$0x1C900] =	vst v63  }
0xc3: {  	_ =	swait.ge [sflag:s26], $0x80  }
0xc4: {  	[sflag:s26] =	ssyncset.done $0x0  }
0xc5: {  	[sflag:s26] =	ssyncadd.s32 $0xFFFFFF80  }
0xc6: {  	_ =	swait.ge [sflag:s26], $0x80  }
0xc7: {  	[sflag:s26] =	ssyncset.done $0x0  }
0xc8: {  	[sflag:s26] =	ssyncadd.s32 $0xFFFFFF80  }
0xc9: {  	[tilespmem:s23], [sflag:$0x2] =	stream.indirect.gather [hbm4b:s1+s15], $0x80, s15, s15, $0xb8;
	[tilespmem:$0x1C900] =	vst v63  }
0xca: {  	_ =	swait.ge [sflag:s28], $0x4000  }
0xcb: {  	[sflag:s28] =	ssyncset.done $0x0  }
0xcc: {  	[sflag:s28] =	ssyncadd.s32 $0xFFFFC000  }
0xcd: {  	[spmem:s3] =	stream.indirect.scatter.add.f32 [tilespmem:s23], [sflag:$0x4], $0x80, s16, s15, $0xb8;
	[tilespmem:$0x1C900] =	vst v63  }
0xce: {  	_ =	swait.ge [sflag:s29], $0x4000  }
0xcf: {  	s7 =	rddreg [dreg:$0x5];
	[sflag:s29] =	ssyncset.done $0x0  }
0xd0: {  	s8 =	rddreg [dreg:$0x4];
	[sflag:s29] =	ssyncadd.s32 $0xFFFFC000;
	s6 =	sadd.s32 $0x0, s7  }
0xd1: {  	[tilespmem:s4], [sflag:$0x5] =	stream.linear.gather [hbm4b:s6+s4], $0x80, $0x38;
	[tilespmem:$0x1C900] =	vst v63  }
0xd2: {  	s11 =	sadd.s32 $0x0, s8  }
0xd3: {  	[tilespmem:s14], [sflag:$0x5] =	stream.linear.gather [hbm4b:s11+s4], $0x80, $0x38;
	[tilespmem:$0x1C900] =	vst v63  }
0xd4: {  	_ =	swait.ge [sflag:s30], $0x80  }
0xd5: {  	[sflag:s30] =	ssyncset.done $0x0  }
0xd6: {  	[sflag:s30] =	ssyncadd.s32 $0xFFFFFF80  }
0xd7: {  	_ =	swait.ge [sflag:s30], $0x80  }
0xd8: {  	[sflag:s30] =	ssyncset.done $0x0  }
0xd9: {  	s11 =	simm.s32 $0x40;
	[sflag:s30] =	ssyncadd.s32 $0xFFFFFF80  }
.LBB2_4:
0xda: {  	[tilespmem:s22], [sflag:$0x1] =	stream.indirect.gather [hbm4b:s1+s15], $0x80, s17, s15, $0xb8;
	[tilespmem:$0x1C900] =	vst v63  }
0xdb: {  	_ =	swait.ge [sflag:s25], $0x4000  }
0xdc: {  	[sflag:s25] =	ssyncset.done $0x0  }
0xdd: {  	[sflag:s25] =	ssyncadd.s32 $0xFFFFC000  }
0xde: {  	[spmem:s3] =	stream.indirect.scatter.add.f32 [tilespmem:s22], [sflag:$0x3], $0x80, s18, s15, $0xb8;
	[tilespmem:$0x1C900] =	vst v63  }
0xdf: {  	_ =	swait.ge [sflag:s31], $0x4000  }
0xe0: {  	s6 =	smov.u32 s11;
	[sflag:s31] =	ssyncset.done $0x0  }
0xe1: {  	s7 =	sadd.s32 s6, s5;
	[sflag:s31] =	ssyncadd.s32 $0xFFFFC000  }
0xe2: {  	[tilespmem:s15], [sflag:$0x6] =	stream.linear.gather [hbm4b:s7+s4], $0x80, $0x38;
	[tilespmem:$0x1C900] =	vst v63  }
0xe3: {  	s8 =	sadd.s32 s6, s2  }
0xe4: {  	[tilespmem:s16], [sflag:$0x6] =	stream.linear.gather [hbm4b:s8+s4], $0x80, $0x38;
	[tilespmem:$0x1C900] =	vst v63  }
0xe5: {  	_ =	swait.ge [sflag:s0], $0x80  }
0xe6: {  	[sflag:s0] =	ssyncset.done $0x0  }
0xe7: {  	[sflag:s0] =	ssyncadd.s32 $0xFFFFFF80  }
0xe8: {  	_ =	swait.ge [sflag:s0], $0x80  }
0xe9: {  	[sflag:s0] =	ssyncset.done $0x0  }
0xea: {  	[sflag:s0] =	ssyncadd.s32 $0xFFFFFF80  }
0xeb: {  	[tilespmem:s23], [sflag:$0x2] =	stream.indirect.gather [hbm4b:s1+s15], $0x80, s19, s15, $0xb8;
	[tilespmem:$0x1C900] =	vst v63  }
0xec: {  	_ =	swait.ge [sflag:s28], $0x4000  }
0xed: {  	[sflag:s28] =	ssyncset.done $0x0  }
0xee: {  	[sflag:s28] =	ssyncadd.s32 $0xFFFFC000  }
0xef: {  	[spmem:s3] =	stream.indirect.scatter.add.f32 [tilespmem:s23], [sflag:$0x4], $0x80, s20, s15, $0xb8;
	[tilespmem:$0x1C900] =	vst v63  }
0xf0: {  	_ =	swait.ge [sflag:s29], $0x4000  }
0xf1: {  	s7 =	rddreg [dreg:$0x9];
	[sflag:s29] =	ssyncset.done $0x0  }
0xf2: {  	s8 =	rddreg [dreg:$0x8];
	[sflag:s29] =	ssyncadd.s32 $0xFFFFC000;
	s7 =	sadd.s32 s6, s7  }
0xf3: {  	[tilespmem:s17], [sflag:$0x7] =	stream.linear.gather [hbm4b:s7+s4], $0x80, $0x38;
	[tilespmem:$0x1C900] =	vst v63  }
0xf4: {  	s8 =	sadd.s32 s6, s8  }
0xf5: {  	[tilespmem:s18], [sflag:$0x7] =	stream.linear.gather [hbm4b:s8+s4], $0x80, $0x38;
	[tilespmem:$0x1C900] =	vst v63  }
0xf6: {  	_ =	swait.ge [sflag:s21], $0x80  }
0xf7: {  	[sflag:s21] =	ssyncset.done $0x0  }
0xf8: {  	[sflag:s21] =	ssyncadd.s32 $0xFFFFFF80  }
0xf9: {  	_ =	swait.ge [sflag:s21], $0x80  }
0xfa: {  	[sflag:s21] =	ssyncset.done $0x0  }
0xfb: {  	[sflag:s21] =	ssyncadd.s32 $0xFFFFFF80  }
0xfc: {  	[tilespmem:s22], [sflag:$0x1] =	stream.indirect.gather [hbm4b:s1+s15], $0x80, s4, s15, $0xb8;
	[tilespmem:$0x1C900] =	vst v63  }
0xfd: {  	_ =	swait.ge [sflag:s25], $0x4000  }
0xfe: {  	[sflag:s25] =	ssyncset.done $0x0  }
0xff: {  	[sflag:s25] =	ssyncadd.s32 $0xFFFFC000  }
0x100: {  	[spmem:s3] =	stream.indirect.scatter.add.f32 [tilespmem:s22], [sflag:$0x3], $0x80, s14, s15, $0xb8;
	[tilespmem:$0x1C900] =	vst v63  }
0x101: {  	_ =	swait.ge [sflag:s31], $0x4000  }
0x102: {  	s7 =	rddreg [dreg:$0x7];
	[sflag:s31] =	ssyncset.done $0x0  }
0x103: {  	s8 =	rddreg [dreg:$0x6];
	[sflag:s31] =	ssyncadd.s32 $0xFFFFC000;
	s7 =	sadd.s32 s6, s7  }
0x104: {  	[tilespmem:s19], [sflag:$0x8] =	stream.linear.gather [hbm4b:s7+s4], $0x80, $0x38;
	[tilespmem:$0x1C900] =	vst v63  }
0x105: {  	s8 =	sadd.s32 s6, s8  }
0x106: {  	[tilespmem:s20], [sflag:$0x8] =	stream.linear.gather [hbm4b:s8+s4], $0x80, $0x38;
	[tilespmem:$0x1C900] =	vst v63  }
0x107: {  	_ =	swait.ge [sflag:s26], $0x80  }
0x108: {  	[sflag:s26] =	ssyncset.done $0x0  }
0x109: {  	[sflag:s26] =	ssyncadd.s32 $0xFFFFFF80  }
0x10a: {  	_ =	swait.ge [sflag:s26], $0x80  }
0x10b: {  	[sflag:s26] =	ssyncset.done $0x0  }
0x10c: {  	[sflag:s26] =	ssyncadd.s32 $0xFFFFFF80  }
0x10d: {  	[tilespmem:s23], [sflag:$0x2] =	stream.indirect.gather [hbm4b:s1+s15], $0x80, s15, s15, $0xb8;
	[tilespmem:$0x1C900] =	vst v63  }
0x10e: {  	_ =	swait.ge [sflag:s28], $0x4000  }
0x10f: {  	[sflag:s28] =	ssyncset.done $0x0  }
0x110: {  	[sflag:s28] =	ssyncadd.s32 $0xFFFFC000  }
0x111: {  	[spmem:s3] =	stream.indirect.scatter.add.f32 [tilespmem:s23], [sflag:$0x4], $0x80, s16, s15, $0xb8;
	[tilespmem:$0x1C900] =	vst v63  }
0x112: {  	_ =	swait.ge [sflag:s29], $0x4000  }
0x113: {  	s7 =	rddreg [dreg:$0x5];
	[sflag:s29] =	ssyncset.done $0x0  }
0x114: {  	s8 =	rddreg [dreg:$0x4];
	[sflag:s29] =	ssyncadd.s32 $0xFFFFC000;
	s7 =	sadd.s32 s6, s7  }
0x115: {  	[tilespmem:s4], [sflag:$0x5] =	stream.linear.gather [hbm4b:s7+s4], $0x80, $0x38;
	[tilespmem:$0x1C900] =	vst v63  }
0x116: {  	s6 =	sadd.s32 s6, s8  }
0x117: {  	[tilespmem:s14], [sflag:$0x5] =	stream.linear.gather [hbm4b:s6+s4], $0x80, $0x38;
	[tilespmem:$0x1C900] =	vst v63  }
0x118: {  	p0 =	sne.s32 s11, $0x400;
	_ =	swait.ge [sflag:s30], $0x80  }
.Ltmp1:
0x119: {  	[sflag:s30] =	ssyncset.done $0x0;
	(pc) =	sbr.rel @p0 .LBB2_4-.Ltmp1, $4  }
0x11a: {  	[sflag:s30] =	ssyncadd.s32 $0xFFFFFF80  }
0x11b: {  	_ =	swait.ge [sflag:s30], $0x80  }
0x11c: {  	[sflag:s30] =	ssyncset.done $0x0  }
0x11d: {  	s11 =	sadd.s32 $0x40, s11;
	[sflag:s30] =	ssyncadd.s32 $0xFFFFFF80  }
0x11e: {  	[tilespmem:s22], [sflag:$0x1] =	stream.indirect.gather [hbm4b:s1+s15], $0x80, s17, s15, $0xb8;
	[tilespmem:$0x1C900] =	vst v63  }
0x11f: {  	_ =	swait.ge [sflag:s25], $0x4000  }
0x120: {  	[sflag:s25] =	ssyncset.done $0x0  }
0x121: {  	[sflag:s25] =	ssyncadd.s32 $0xFFFFC000  }
0x122: {  	[spmem:s3] =	stream.indirect.scatter.add.f32 [tilespmem:s22], [sflag:$0x3], $0x80, s18, s15, $0xb8;
	[tilespmem:$0x1C900] =	vst v63  }
0x123: {  	_ =	swait.ge [sflag:s31], $0x4000  }
0x124: {  	[sflag:s31] =	ssyncset.done $0x0  }
0x125: {  	s6 =	rddreg [dreg:$0x19];
	[sflag:s31] =	ssyncadd.s32 $0xFFFFC000  }
0x126: {  	[tilespmem:s15], [sflag:$0x6] =	stream.linear.gather [hbm4b:s6+s4], $0x80, $0x38;
	[tilespmem:$0x1C900] =	vst v63  }
0x127: {  	s8 =	rddreg [dreg:$0x1a]  }
0x128: {  	[tilespmem:s16], [sflag:$0x6] =	stream.linear.gather [hbm4b:s8+s4], $0x80, $0x38;
	[tilespmem:$0x1C900] =	vst v63  }
0x129: {  	_ =	swait.ge [sflag:s0], $0x80  }
0x12a: {  	[sflag:s0] =	ssyncset.done $0x0  }
0x12b: {  	[sflag:s0] =	ssyncadd.s32 $0xFFFFFF80  }
0x12c: {  	_ =	swait.ge [sflag:s0], $0x80  }
0x12d: {  	[sflag:s0] =	ssyncset.done $0x0  }
0x12e: {  	[sflag:s0] =	ssyncadd.s32 $0xFFFFFF80  }
0x12f: {  	[tilespmem:s23], [sflag:$0x2] =	stream.indirect.gather [hbm4b:s1+s15], $0x80, s19, s15, $0xb8;
	[tilespmem:$0x1C900] =	vst v63  }
0x130: {  	_ =	swait.ge [sflag:s28], $0x4000  }
0x131: {  	[sflag:s28] =	ssyncset.done $0x0  }
0x132: {  	[sflag:s28] =	ssyncadd.s32 $0xFFFFC000  }
0x133: {  	[spmem:s3] =	stream.indirect.scatter.add.f32 [tilespmem:s23], [sflag:$0x4], $0x80, s20, s15, $0xb8;
	[tilespmem:$0x1C900] =	vst v63  }
0x134: {  	_ =	swait.ge [sflag:s29], $0x4000  }
0x135: {  	[sflag:s29] =	ssyncset.done $0x0  }
0x136: {  	s11 =	rddreg [dreg:$0x1b];
	[sflag:s29] =	ssyncadd.s32 $0xFFFFC000  }
0x137: {  	[tilespmem:s17], [sflag:$0x7] =	stream.linear.gather [hbm4b:s11+s4], $0x80, $0x38;
	[tilespmem:$0x1C900] =	vst v63  }
0x138: {  	s7 =	rddreg [dreg:$0x1c]  }
0x139: {  	[tilespmem:s18], [sflag:$0x7] =	stream.linear.gather [hbm4b:s7+s4], $0x80, $0x38;
	[tilespmem:$0x1C900] =	vst v63  }
0x13a: {  	_ =	swait.ge [sflag:s21], $0x80  }
0x13b: {  	[sflag:s21] =	ssyncset.done $0x0  }
0x13c: {  	[sflag:s21] =	ssyncadd.s32 $0xFFFFFF80  }
0x13d: {  	_ =	swait.ge [sflag:s21], $0x80  }
0x13e: {  	[sflag:s21] =	ssyncset.done $0x0  }
0x13f: {  	[sflag:s21] =	ssyncadd.s32 $0xFFFFFF80  }
0x140: {  	[tilespmem:s22], [sflag:$0x1] =	stream.indirect.gather [hbm4b:s1+s15], $0x80, s4, s15, $0xb8;
	[tilespmem:$0x1C900] =	vst v63  }
0x141: {  	_ =	swait.ge [sflag:s25], $0x4000  }
0x142: {  	[sflag:s25] =	ssyncset.done $0x0  }
0x143: {  	[sflag:s25] =	ssyncadd.s32 $0xFFFFC000  }
0x144: {  	[spmem:s3] =	stream.indirect.scatter.add.f32 [tilespmem:s22], [sflag:$0x3], $0x80, s14, s15, $0xb8;
	[tilespmem:$0x1C900] =	vst v63  }
0x145: {  	_ =	swait.ge [sflag:s31], $0x4000  }
0x146: {  	[sflag:s31] =	ssyncset.done $0x0  }
0x147: {  	s8 =	rddreg [dreg:$0x1d];
	[sflag:s31] =	ssyncadd.s32 $0xFFFFC000  }
0x148: {  	[tilespmem:s19], [sflag:$0x8] =	stream.linear.gather [hbm4b:s8+s4], $0x80, $0x38;
	[tilespmem:$0x1C900] =	vst v63  }
0x149: {  	s11 =	rddreg [dreg:$0x1e]  }
0x14a: {  	[tilespmem:s20], [sflag:$0x8] =	stream.linear.gather [hbm4b:s11+s4], $0x80, $0x38;
	[tilespmem:$0x1C900] =	vst v63  }
0x14b: {  	_ =	swait.ge [sflag:s26], $0x80  }
0x14c: {  	[sflag:s26] =	ssyncset.done $0x0  }
0x14d: {  	[sflag:s26] =	ssyncadd.s32 $0xFFFFFF80  }
0x14e: {  	_ =	swait.ge [sflag:s26], $0x80  }
0x14f: {  	[sflag:s26] =	ssyncset.done $0x0  }
0x150: {  	[sflag:s26] =	ssyncadd.s32 $0xFFFFFF80  }
0x151: {  	[tilespmem:s23], [sflag:$0x2] =	stream.indirect.gather [hbm4b:s1+s15], $0x80, s15, s15, $0xb8;
	[tilespmem:$0x1C900] =	vst v63  }
0x152: {  	_ =	swait.ge [sflag:s28], $0x4000  }
0x153: {  	[sflag:s28] =	ssyncset.done $0x0  }
0x154: {  	[sflag:s28] =	ssyncadd.s32 $0xFFFFC000  }
0x155: {  	[spmem:s3] =	stream.indirect.scatter.add.f32 [tilespmem:s23], [sflag:$0x4], $0x80, s16, s15, $0xb8;
	[tilespmem:$0x1C900] =	vst v63  }
0x156: {  	_ =	swait.ge [sflag:s29], $0x4000  }
0x157: {  	[sflag:s29] =	ssyncset.done $0x0;
	s7 =	rddreg [dreg:$0x1f]  }
0x158: {  	s8 =	sld [smem:$0x7F5];
	[sflag:s29] =	ssyncadd.s32 $0xFFFFC000  }
0x159: {  	[tilespmem:s4], [sflag:$0x5] =	stream.linear.gather [hbm4b:s7+s4], $0x80, $0x38;
	[tilespmem:$0x1C900] =	vst v63  }
0x15a: {  	_ = 	snop  }
0x15b: {  	[tilespmem:s14], [sflag:$0x5] =	stream.linear.gather [hbm4b:s8+s4], $0x80, $0x38;
	[tilespmem:$0x1C900] =	vst v63  }
0x15c: {  	_ =	swait.ge [sflag:s30], $0x80  }
0x15d: {  	[sflag:s30] =	ssyncset.done $0x0  }
0x15e: {  	[sflag:s30] =	ssyncadd.s32 $0xFFFFFF80  }
0x15f: {  	_ =	swait.ge [sflag:s30], $0x80  }
0x160: {  	[sflag:s30] =	ssyncset.done $0x0  }
0x161: {  	[sflag:s30] =	ssyncadd.s32 $0xFFFFFF80  }
0x162: {  	[tilespmem:s22], [sflag:$0x1] =	stream.indirect.gather [hbm4b:s1+s15], $0x80, s17, s15, $0xb8;
	[tilespmem:$0x1C900] =	vst v63  }
0x163: {  	_ =	swait.ge [sflag:s25], $0x4000  }
0x164: {  	[sflag:s25] =	ssyncset.done $0x0  }
0x165: {  	[sflag:s25] =	ssyncadd.s32 $0xFFFFC000  }
0x166: {  	[spmem:s3] =	stream.indirect.scatter.add.f32 [tilespmem:s22], [sflag:$0x3], $0x80, s18, s15, $0xb8;
	[tilespmem:$0x1C900] =	vst v63  }
0x167: {  	_ =	swait.ge [sflag:s31], $0x4000  }
0x168: {  	s11 =	sld [smem:$0x7F8]  }
0x169: {  	[sflag:s31] =	ssyncset.done $0x0  }
0x16a: {  	s7 =	sld [smem:$0x7F9];
	[sflag:s31] =	ssyncadd.s32 $0xFFFFC000  }
0x16b: {  	[tilespmem:s15], [sflag:$0x6] =	stream.linear.gather [hbm4b:s11+s4], $0x80, $0x38;
	[tilespmem:$0x1C900] =	vst v63  }
0x16c: {  	_ = 	snop  }
0x16d: {  	[tilespmem:s16], [sflag:$0x6] =	stream.linear.gather [hbm4b:s7+s4], $0x80, $0x38;
	[tilespmem:$0x1C900] =	vst v63  }
0x16e: {  	_ =	swait.ge [sflag:s0], $0x80  }
0x16f: {  	[sflag:s0] =	ssyncset.done $0x0  }
0x170: {  	[sflag:s0] =	ssyncadd.s32 $0xFFFFFF80  }
0x171: {  	_ =	swait.ge [sflag:s0], $0x80  }
0x172: {  	[sflag:s0] =	ssyncset.done $0x0  }
0x173: {  	[sflag:s0] =	ssyncadd.s32 $0xFFFFFF80  }
0x174: {  	[tilespmem:s23], [sflag:$0x2] =	stream.indirect.gather [hbm4b:s1+s15], $0x80, s19, s15, $0xb8;
	[tilespmem:$0x1C900] =	vst v63  }
0x175: {  	_ =	swait.ge [sflag:s28], $0x4000  }
0x176: {  	[sflag:s28] =	ssyncset.done $0x0  }
0x177: {  	[sflag:s28] =	ssyncadd.s32 $0xFFFFC000  }
0x178: {  	[spmem:s3] =	stream.indirect.scatter.add.f32 [tilespmem:s23], [sflag:$0x4], $0x80, s20, s15, $0xb8;
	[tilespmem:$0x1C900] =	vst v63  }
0x179: {  	_ =	swait.ge [sflag:s29], $0x4000  }
0x17a: {  	[sflag:s29] =	ssyncset.done $0x0  }
0x17b: {  	[sflag:s29] =	ssyncadd.s32 $0xFFFFC000  }
0x17c: {  	_ =	swait.ge [sflag:s21], $0x80  }
0x17d: {  	[sflag:s21] =	ssyncset.done $0x0  }
0x17e: {  	[sflag:s21] =	ssyncadd.s32 $0xFFFFFF80  }
0x17f: {  	_ =	swait.ge [sflag:s21], $0x80  }
0x180: {  	[sflag:s21] =	ssyncset.done $0x0  }
0x181: {  	[sflag:s21] =	ssyncadd.s32 $0xFFFFFF80  }
0x182: {  	[tilespmem:s22], [sflag:$0x1] =	stream.indirect.gather [hbm4b:s1+s15], $0x80, s4, s15, $0xb8;
	[tilespmem:$0x1C900] =	vst v63  }
0x183: {  	_ =	swait.ge [sflag:s25], $0x4000  }
0x184: {  	[sflag:s25] =	ssyncset.done $0x0  }
0x185: {  	[sflag:s25] =	ssyncadd.s32 $0xFFFFC000  }
0x186: {  	[spmem:s3] =	stream.indirect.scatter.add.f32 [tilespmem:s22], [sflag:$0x3], $0x80, s14, s15, $0xb8;
	[tilespmem:$0x1C900] =	vst v63  }
0x187: {  	_ =	swait.ge [sflag:s31], $0x4000  }
0x188: {  	[sflag:s31] =	ssyncset.done $0x0  }
0x189: {  	[sflag:s31] =	ssyncadd.s32 $0xFFFFC000  }
0x18a: {  	_ =	swait.ge [sflag:s26], $0x80  }
0x18b: {  	[sflag:s26] =	ssyncset.done $0x0  }
0x18c: {  	[sflag:s26] =	ssyncadd.s32 $0xFFFFFF80  }
0x18d: {  	_ =	swait.ge [sflag:s26], $0x80  }
0x18e: {  	[sflag:s26] =	ssyncset.done $0x0  }
0x18f: {  	[sflag:s26] =	ssyncadd.s32 $0xFFFFFF80  }
0x190: {  	[tilespmem:s23], [sflag:$0x2] =	stream.indirect.gather [hbm4b:s1+s15], $0x80, s15, s15, $0xb8;
	[tilespmem:$0x1C900] =	vst v63  }
0x191: {  	_ =	swait.ge [sflag:s28], $0x4000  }
0x192: {  	[sflag:s28] =	ssyncset.done $0x0  }
0x193: {  	[sflag:s28] =	ssyncadd.s32 $0xFFFFC000  }
0x194: {  	[spmem:s3] =	stream.indirect.scatter.add.f32 [tilespmem:s23], [sflag:$0x4], $0x80, s16, s15, $0xb8;
	[tilespmem:$0x1C900] =	vst v63  }
0x195: {  	_ =	swait.ge [sflag:s29], $0x4000  }
0x196: {  	[sflag:s29] =	ssyncset.done $0x0  }
0x197: {  	[sflag:s29] =	ssyncadd.s32 $0xFFFFC000  }
0x198: {  	_ =	swait.ge [sflag:s31], $0x4000  }
0x199: {  	[sflag:s31] =	ssyncset.done $0x0  }
0x19a: {  	[sflag:s31] =	ssyncadd.s32 $0xFFFFC000  }
0x19b: {  	_ =	swait.ge [sflag:s12], $0x10  }
0x19c: {  	[sflag:s12] =	ssyncset.done $0x0  }
0x19d: {  	[sflag:s12] =	ssyncadd.s32 $0xFFFFFFF0  }
0x19e: {  	_ =	swait.ge [sflag:s12], $0x10  }
0x19f: {  	s8 =	simm.s32 $0x8500;
	[sflag:s12] =	ssyncset.done $0x0  }
0x1a0: {  	s11 =	simm.s32 $0x400;
	s7 =	simm.s32 $0x10;
	[sflag:s12] =	ssyncadd.s32 $0xFFFFFFF0  }
0x1a1: {  	[tilespmem:s8], [sflag:$0x1] =	stream.indirect.gather [hbm4b:s1+s7], $0x80, s11, s7, $0xb8;
	[tilespmem:$0x1C900] =	vst v63  }
0x1a2: {  	_ =	swait.ge [sflag:s25], $0x800  }
0x1a3: {  	[sflag:s25] =	ssyncset.done $0x0  }
0x1a4: {  	s6 =	simm.s32 $0x480;
	[sflag:s25] =	ssyncadd.s32 $0xFFFFF800  }
0x1a5: {  	[spmem:s3] =	stream.indirect.scatter.add.f32 [tilespmem:s8], [sflag:$0xA], $0x80, s6, s7, $0xb8;
	[tilespmem:$0x1C900] =	vst v63  }
0x1a6: {  	_ =	swait.ge [sflag:s24], $0x800  }
0x1a7: {  	[sflag:s24] =	ssyncset.done $0x0  }
0x1a8: {  	[sflag:s24] =	ssyncadd.s32 $0xFFFFF800  }
0x1a9: {  	[bflag:$0x0] =	sbarrier.arrive $0xFFFF  }
0x1aa: {  	s8 =	sld [smem:$0x7FA];
	_ =	sdelay $0x2  }
0x1ab: {  	[tilespmem:s22], [sflag:$0xA] =	stream.linear.gather [spmem:s8], $0x4000, $0x38;
	[tilespmem:$0x1C900] =	vst v63  }
0x1ac: {  	_ =	swait.ge [sflag:s24], $0x4000  }
0x1ad: {  	[sflag:s24] =	ssyncset.done $0x0  }
0x1ae: {  	s7 =	rddreg [dreg:$0xe];
	[sflag:s24] =	ssyncadd.s32 $0xFFFFC000  }
0x1af: {  	[hbm4b:s7+s4] =	stream.linear.scatter [tilespmem:s22], [sflag:$0xA], $0x4000, $0x38;
	[tilespmem:$0x1C900] =	vst v63  }
0x1b0: {  	_ =	swait.ge [sflag:s24], $0x4000  }
0x1b1: {  	[sflag:s24] =	ssyncset.done $0x0  }
0x1b2: {  	s7 =	smov.u32 s9;
	[sflag:s24] =	ssyncadd.s32 $0xFFFFC000  }
0x1b3: {  	[tilespmem:s22], [sflag:$0xA] =	stream.linear.gather [spmem:s7], $0x4000, $0x38;
	[tilespmem:$0x1C900] =	vst v63  }
0x1b4: {  	_ =	swait.ge [sflag:s24], $0x4000  }
0x1b5: {  	[sflag:s24] =	ssyncset.done $0x0  }
0x1b6: {  	s8 =	rddreg [dreg:$0xf];
	[sflag:s24] =	ssyncadd.s32 $0xFFFFC000  }
0x1b7: {  	[hbm4b:s8+s4] =	stream.linear.scatter [tilespmem:s22], [sflag:$0xA], $0x4000, $0x38;
	[tilespmem:$0x1C900] =	vst v63  }
0x1b8: {  	_ =	swait.ge [sflag:s24], $0x4000  }
0x1b9: {  	[sflag:s24] =	ssyncset.done $0x0  }
0x1ba: {  	[sflag:s24] =	ssyncadd.s32 $0xFFFFC000  }
0x1bb: {  	[tilespmem:s22], [sflag:$0xA] =	stream.linear.gather [spmem:s10], $0x4000, $0x38;
	[tilespmem:$0x1C900] =	vst v63  }
0x1bc: {  	_ =	swait.ge [sflag:s24], $0x4000  }
0x1bd: {  	[sflag:s24] =	ssyncset.done $0x0  }
0x1be: {  	s8 =	smov.u32 s10;
	s10 =	rddreg [dreg:$0x10];
	[sflag:s24] =	ssyncadd.s32 $0xFFFFC000  }
0x1bf: {  	[hbm4b:s10+s4] =	stream.linear.scatter [tilespmem:s22], [sflag:$0xA], $0x4000, $0x38;
	[tilespmem:$0x1C900] =	vst v63  }
0x1c0: {  	_ =	swait.ge [sflag:s24], $0x4000  }
0x1c1: {  	s10 =	sld [smem:$0x7FB]  }
0x1c2: {  	[sflag:s24] =	ssyncset.done $0x0  }
0x1c3: {  	[sflag:s24] =	ssyncadd.s32 $0xFFFFC000  }
0x1c4: {  	[tilespmem:s22], [sflag:$0xA] =	stream.linear.gather [spmem:s10], $0x4000, $0x38;
	[tilespmem:$0x1C900] =	vst v63  }
0x1c5: {  	_ =	swait.ge [sflag:s24], $0x4000  }
0x1c6: {  	[sflag:s24] =	ssyncset.done $0x0  }
0x1c7: {  	s10 =	rddreg [dreg:$0x11];
	[sflag:s24] =	ssyncadd.s32 $0xFFFFC000  }
0x1c8: {  	[hbm4b:s10+s4] =	stream.linear.scatter [tilespmem:s22], [sflag:$0xA], $0x4000, $0x38;
	[tilespmem:$0x1C900] =	vst v63  }
0x1c9: {  	_ =	swait.ge [sflag:s24], $0x4000  }
0x1ca: {  	s10 =	sld [smem:$0x7FC]  }
0x1cb: {  	[sflag:s24] =	ssyncset.done $0x0  }
0x1cc: {  	[sflag:s24] =	ssyncadd.s32 $0xFFFFC000  }
0x1cd: {  	[tilespmem:s22], [sflag:$0xA] =	stream.linear.gather [spmem:s10], $0x3C00, $0x38;
	[tilespmem:$0x1C900] =	vst v63  }
0x1ce: {  	_ =	swait.ge [sflag:s24], $0x3C00  }
0x1cf: {  	[sflag:s24] =	ssyncset.done $0x0  }
0x1d0: {  	s10 =	rddreg [dreg:$0x12];
	[sflag:s24] =	ssyncadd.s32 $0xFFFFC400  }
0x1d1: {  	[hbm4b:s10+s4] =	stream.linear.scatter [tilespmem:s22], [sflag:$0xA], $0x3C00, $0x38;
	[tilespmem:$0x1C900] =	vst v63  }
0x1d2: {  	_ =	swait.ge [sflag:s24], $0x3C00  }
0x1d3: {  	s10 =	sld [smem:$0x7FD];
	_ =	sdelay $0x1  }
0x1d4: {  	s13 =	sadd.s32 $0x1, s13  }
0x1d5: {  	p0 =	sne.s32 s13, s10  }
.Ltmp2:
0x1d6: {  	_ = 	snop;
	(pc) =	sbr.rel @p0 .LBB2_1-.Ltmp2, $3  }
0x1d7: {  	_ =	sdelay $0x1  }
0x1d8: {  	[sflag:s24] =	ssyncset.done $0x0  }
0x1d9: {  	s9 =	simm.s32 $0x480;
	[sflag:s24] =	ssyncadd.s32 $0xFFFFC400  }
0x1da: {  	_ =	sfence.sel $0x180000  }
0x1db: {  	[bflag:$0x0] =	sbarrier.arrive $0xFFFF  }
0x1dc: {  	_ =	strace $0x9000004A  }
0x1dd: {  	s0 =	stileid.u32;
	[bflag:$0x2] =	sbarrier.arrive $0xFFFF  }
0x1de: {  	p0 =	sne.s32 s0, $0x0;
	s0 =	rddreg [dreg:$0x3]  }
0x1df: {  	s0 =	sadd.s32 @!p0 $0x100000, s0  }
0x1e0: {  	[sflag:s0] =	ssyncadd.tile.s32 @!p0 $0x1;
	_ =	shalt  }
.Lfunc_end2:
_tile_overlayer_lowered:
.L_overlay_start_2:
0x1e1: {  	(tag) =	ssettag $0x2  }
0x1e2: {  	s0 =	rddreg [dreg:$0x0];
	s2 =	stileid.u32  }
0x1e3: {  	s1 =	rddreg [dreg:$0x1];
	p0 =	sne.s32 s2, $0x0  }
0x1e4: {  	s3 =	rddreg [dreg:$0x2];
	[bflag:$0x3] =	sbarrier.arrive $0xFFFF;
	s2 =	simm.s32 @!p0 $0x1C0A  }
0x1e5: {  	[timem:s3], [sflag:s2] =	dma.local @!p0 [hbm:s0], s1  }
0x1e6: {  	s0 =	simm.s32 @!p0 $0xA  }
0x1e7: {  	_ =	swait.ge @!p0 [sflag:s0], s1  }
0x1e8: {  	s1 =	ssub.s32 @!p0 $0x0, s1;
	[sflag:s0] =	ssyncset.done @!p0 $0x0  }
0x1e9: {  	[sflag:s0] =	ssyncadd.s32 @!p0 s1  }
0x1ea: {  	[bflag:$0x3] =	sbarrier.arrive $0xFFFF  }
0x1eb: {  	_ =	shalt  }

</sc_bundles>
